<compile_context>
chip_gen: v7x
topology: tpu7x:2x2x1
jax: 0.10.2.dev20260603
libtpu: 0.0.44.dev20260713+nightly
codegen_flags: <defaults>
</compile_context>

<pallas_src>
import functools

import jax
import jax.numpy as jnp
from jax import lax
from jax.experimental import pallas as pl
from jax.experimental.pallas import tpu as pltpu
from jax.experimental.pallas import tpu_sc as plsc

K = 13
MW = 15
WN = 2 * MW + 1
NOFF = WN * WN
EPS = 1e-5
B = 4
H = 64
W = 64
C = 8
FD = 64
PW = W + 2
IMROWS = PW * PW
MARGIN = 72
SEG = IMROWS + 2 * MARGIN
TOT = 2 * SEG
PADT = TOT + 2 * MARGIN
NVALID = B * H * W
PG = H + 2 * MW
NPIX = PG * PG
NBAND = H // 8
NW = 32
RPT = B * H * W * K // NW
HALF = RPT // 2


def _mask():
    r = lax.broadcasted_iota(jnp.int32, (TOT, 1), 0)
    q = r % SEG - MARGIN
    row66 = q // PW
    col66 = q % PW
    valid = ((q >= 0) & (q < IMROWS) & (row66 >= 1) & (row66 <= H)
             & (col66 >= 1) & (col66 <= W))
    return valid.astype(jnp.float32)


def _conv_taps(inp_ref, wt_ref, cout, b_ref):
    acc = jnp.zeros((TOT, cout), jnp.float32)
    for t in range(9):
        off = (t // 3 - 1) * PW + (t % 3 - 1)
        sl = inp_ref[MARGIN + off:MARGIN + off + TOT, :]
        acc = acc + lax.dot_general(
            sl, wt_ref[t], (((1,), (0,)), ((), ())),
            preferred_element_type=jnp.float32)
    return acc + b_ref[...][None, :]


def _conv_body(cout, xp_ref, wt_ref, b_ref, out_ref):
    out_ref[...] = _conv_taps(xp_ref, wt_ref, cout, b_ref)


def _knn_body(eq_ref, ep_ref, out_ref, dsc_ref):
    y0 = pl.program_id(1) * 8
    eq = eq_ref[0]

    def dy_body(dy, carry):
        epsl = ep_ref[0, :, pl.ds(y0 + dy, 8), :]
        for dx in range(WN):
            sl = lax.slice(epsl, (0, 0, dx), (C, 8, dx + W))
            diff = eq - sl
            dsc_ref[dy * WN + dx] = jnp.sum(diff * diff, axis=0)
        return carry

    lax.fori_loop(0, WN, dy_body, 0)
    dsc_ref[pl.ds(NOFF, 1024 - NOFF)] = jnp.full(
        (1024 - NOFF, 8, 64), 1e30, jnp.float32)

    dmat = dsc_ref[...]
    iota_o = lax.broadcasted_iota(jnp.int32, (1024, 8, 64), 0)
    ytile = lax.broadcasted_iota(jnp.int32, (8, 64), 0) + y0
    xtile = lax.broadcasted_iota(jnp.int32, (8, 64), 1)
    for k in range(K + 1):
        mval = jnp.min(dmat, axis=0)
        cand = jnp.where(dmat == mval[None], iota_o, 1024)
        idxk = jnp.min(cand, axis=0)
        pflat = (idxk // WN + ytile) * PG + (idxk % WN + xtile)
        out_ref[0, 0, k] = pflat
        dmat = jnp.where(iota_o == idxk[None], jnp.float32(1e30), dmat)


def _sc_gather_body(tab_hbm, idx_hbm, out_hbm, tabv, idxv, outv):
    wid = lax.axis_index("s") * 2 + lax.axis_index("c")
    b = wid // 8
    pltpu.sync_copy(tab_hbm.at[b], tabv)
    pltpu.sync_copy(idx_hbm.at[wid], idxv)

    def do_half(h):
        def body(i, carry):
            idxs = idxv[pl.ds(h * HALF + i * 16, 16)]
            base = idxs * C
            for c in range(C):
                g = plsc.load_gather(tabv, [base + c])
                outv[c, pl.ds(i * 16, 16)] = g
            return carry

        lax.fori_loop(0, HALF // 16, body, 0)
        pltpu.sync_copy(outv, out_hbm.at[wid, h])

    do_half(0)
    do_half(1)


@functools.lru_cache(maxsize=1)
def _sc_gather_call():
    return functools.partial(
        pl.kernel,
        mesh=plsc.VectorSubcoreMesh(core_axis_name="c", subcore_axis_name="s"),
        compiler_params=pltpu.CompilerParams(needs_layout_passes=False),
        out_type=jax.ShapeDtypeStruct((NW, 2, C, HALF), jnp.float32),
        scratch_types=[
            pltpu.VMEM((NPIX * C,), jnp.float32),
            pltpu.VMEM((RPT,), jnp.int32),
            pltpu.VMEM((C, HALF), jnp.float32),
        ],
    )(_sc_gather_body)


def _conv(xp, wt, b, cout):
    return pl.pallas_call(
        functools.partial(_conv_body, cout),
        out_shape=jax.ShapeDtypeStruct((TOT, cout), jnp.float32),
    )(xp, wt, b)


def _pack_flat(hwc_pad, nc):
    hs = (hwc_pad.reshape(2, 2, IMROWS, nc).transpose(1, 2, 0, 3)
          .reshape(2, IMROWS, 2 * nc))
    seg = jnp.pad(hs, ((0, 0), (MARGIN, MARGIN), (0, 0)))
    return jnp.pad(seg.reshape(TOT, 2 * nc), ((MARGIN, MARGIN), (0, 0)))


def _unpack_nchw(out, nc):
    e = (out.reshape(2, SEG, 2 * nc)[:, MARGIN:MARGIN + IMROWS]
         .reshape(2, PW, PW, 2, nc).transpose(3, 0, 1, 2, 4)
         .reshape(B, PW, PW, nc)[:, 1:1 + H, 1:1 + W, :])
    return jnp.transpose(e, (0, 3, 1, 2))


def _knn(eqt, ept):
    return pl.pallas_call(
        _knn_body,
        grid=(B, NBAND),
        in_specs=[
            pl.BlockSpec((1, C, 8, W), lambda b, i: (b, 0, i, 0)),
            pl.BlockSpec((1, C, PG, PG), lambda b, i: (b, 0, 0, 0)),
        ],
        out_specs=pl.BlockSpec((1, 1, K + 1, 8, W),
                               lambda b, i: (b, i, 0, 0, 0)),
        out_shape=jax.ShapeDtypeStruct((B, NBAND, K + 1, 8, W), jnp.int32),
        scratch_shapes=[pltpu.VMEM((1024, 8, W), jnp.float32)],
    )(eqt, ept)


def kernel(x, w1, b1, g1, be1, w2, b2, g2, be2, w3, b3):
    xhwc = jnp.transpose(x, (0, 2, 3, 1))
    xp = _pack_flat(jnp.pad(xhwc, ((0, 0), (1, 1), (1, 1), (0, 0))), 3)

    def blockdiag(wt, ci, co):
        z = jnp.zeros((9, 2 * ci, 2 * co), jnp.float32)
        z = z.at[:, :ci, :co].set(wt)
        return z.at[:, ci:, co:].set(wt)

    wt1 = blockdiag(jnp.transpose(w1, (2, 3, 1, 0)).reshape(9, 3, FD), 3, FD)
    wt2 = blockdiag(jnp.transpose(w2, (2, 3, 1, 0)).reshape(9, FD, FD), FD, FD)
    wt3 = blockdiag(jnp.transpose(w3, (2, 3, 1, 0)).reshape(9, FD, C), FD, C)
    dup = lambda v: jnp.concatenate([v, v])

    def bn_relu_repack(h, g, be):
        hn = _unpack_nchw(h, FD)
        m = jnp.mean(hn, axis=(0, 2, 3), keepdims=True)
        v = jnp.var(hn, axis=(0, 2, 3), keepdims=True)
        r = jax.nn.relu(g[None, :, None, None] * (hn - m)
                        / jnp.sqrt(v + EPS) + be[None, :, None, None])
        rhwc = jnp.transpose(r, (0, 2, 3, 1))
        return _pack_flat(jnp.pad(rhwc, ((0, 0), (1, 1), (1, 1), (0, 0))), FD)

    h1 = _conv(xp, wt1, dup(b1), 2 * FD)
    h2 = _conv(bn_relu_repack(h1, g1, be1), wt2, dup(b2), 2 * FD)
    e_full = _conv(bn_relu_repack(h2, g2, be2), wt3, dup(b3), 2 * C)
    e_hwc = (e_full.reshape(2, SEG, 2 * C)[:, MARGIN:MARGIN + IMROWS]
             .reshape(2, PW, PW, 2, C).transpose(3, 0, 1, 2, 4)
             .reshape(B, PW, PW, C)[:, 1:1 + H, 1:1 + W, :])
    e_nchw = jnp.transpose(e_hwc, (0, 3, 1, 2))

    ept = jnp.pad(e_nchw, ((0, 0), (0, 0), (MW, MW), (MW, MW)),
                  constant_values=1e4)
    pidx = _knn(e_nchw, ept)

    idx_hwk = (jnp.transpose(pidx, (0, 2, 1, 3, 4))
               .reshape(B, K + 1, H, W)[:, 1:]
               .transpose(0, 2, 3, 1))
    idx_sc = idx_hwk.reshape(NW, RPT)
    tab = jnp.pad(e_hwc, ((0, 0), (MW, MW), (MW, MW), (0, 0)),
                  constant_values=1e4).reshape(B, NPIX * C)
    g = _sc_gather_call()(tab, idx_sc)

    z = (g.reshape(B, 8, 2, C, HALF // K, K)
         .transpose(0, 5, 3, 1, 2, 4)
         .reshape(B, K * C, H, W))
    return jnp.concatenate([e_nchw, z], axis=1)

# --- scband reference (transcript-rebuilt; emitter-appended) ---
"""Pipeline reference for scband-n3-block-7490422964348 (READ-ONLY COPY).

The authoritative reference and input builder live on the scoring server;
editing this copy changes nothing except your own understanding.
"""

import jax, jax.numpy as jnp
import numpy as np

K = 13
MW = 15
EPS = 1e-5


def conv2d(x, w, b):
    y = jax.lax.conv_general_dilated(x, w, window_strides=(1, 1), padding='SAME',
                                     dimension_numbers=('NCHW', 'OIHW', 'NCHW'))
    return y + b[None, :, None, None]


def batchnorm(x, g, b):
    m = jnp.mean(x, axis=(0, 2, 3), keepdims=True)
    v = jnp.var(x, axis=(0, 2, 3), keepdims=True)
    return g[None, :, None, None] * (x - m) / jnp.sqrt(v + EPS) + b[None, :, None, None]


def embed(x, w1, b1, g1, be1, w2, b2, g2, be2, w3, b3):
    h = jax.nn.relu(batchnorm(conv2d(x, w1, b1), g1, be1))
    h = jax.nn.relu(batchnorm(conv2d(h, w2, b2), g2, be2))
    return conv2d(h, w3, b3)


def n3_forward(x, w1, b1, g1, be1, w2, b2, g2, be2, w3, b3):
    E = embed(x, w1, b1, g1, be1, w2, b2, g2, be2, w3, b3)
    B, C, H, W = E.shape
    Wn = 2 * MW + 1
    # sentinel-pad so out-of-image window positions have huge distance and are never in top-(K+1)
    E_pad = jnp.pad(E, ((0, 0), (0, 0), (MW, MW), (MW, MW)), constant_values=1e4)
    # indices are non-differentiable in the torch code (topk indices), so compute
    # distances under stop_gradient
    Eq = jax.lax.stop_gradient(E)
    Eq_pad = jax.lax.stop_gradient(E_pad)

    def d2_off(k):
        dy = k // Wn
        dx = k % Wn
        sh = jax.lax.dynamic_slice(Eq_pad, (0, 0, dy, dx), (B, C, H, W))
        return jnp.sum((Eq - sh) ** 2, axis=1)  # [B, H, W]

    d2 = jax.lax.map(d2_off, jnp.arange(Wn * Wn))  # [Wn*Wn, B, H, W]
    d2 = jnp.transpose(d2, (1, 2, 3, 0))           # [B, H, W, Wn*Wn]
    # torch: topk of softmax(-cdist) == smallest euclidean distance == largest -d2
    _, idx = jax.lax.top_k(-d2, K + 1)             # [B, H, W, K+1], rank 0 is the pixel itself
    dy = idx // Wn
    dx = idx % Wn
    pi = dy + jnp.arange(H)[None, :, None, None]
    pj = dx + jnp.arange(W)[None, None, :, None]
    flat = pi * (W + 2 * MW) + pj                  # index into padded spatial grid
    Ef = E_pad.reshape(B, C, -1)
    nb = jax.vmap(lambda e, f: e[:, f])(Ef, flat)  # [B, C, H, W, K+1]
    nb = nb[..., 1:]                               # drop self-match
    Z = jnp.transpose(nb, (0, 4, 1, 2, 3)).reshape(B, K * C, H, W)
    return jnp.concatenate([E, Z], axis=1)         # [B, (K+1)*C, H, W]


def setup_inputs(seed: int = 0):
    key = jax.random.key(seed)
    ks = jax.random.split(key, 4)
    B, Cin, H, W = 4, 3, 64, 64
    fd, oc = 64, 8
    x = jax.random.normal(ks[0], (B, Cin, H, W), dtype=jnp.float32)
    w1 = jax.random.normal(ks[1], (fd, Cin, 3, 3), dtype=jnp.float32) * 0.1
    b1 = jnp.zeros((fd,), jnp.float32)
    g1 = jnp.ones((fd,), jnp.float32)
    be1 = jnp.zeros((fd,), jnp.float32)
    w2 = jax.random.normal(ks[2], (fd, fd, 3, 3), dtype=jnp.float32) * 0.05
    b2 = jnp.zeros((fd,), jnp.float32)
    g2 = jnp.ones((fd,), jnp.float32)
    be2 = jnp.zeros((fd,), jnp.float32)
    w3 = jax.random.normal(ks[3], (oc, fd, 3, 3), dtype=jnp.float32) * 0.05
    b3 = jnp.zeros((oc,), jnp.float32)
    return {"x": x, "w1": w1, "b1": b1, "g1": g1, "be1": be1,
            "w2": w2, "b2": b2, "g2": g2, "be2": be2, "w3": w3, "b3": b3}


def reference(x, w1, b1, g1, be1, w2, b2, g2, be2, w3, b3):
    return n3_forward(x, w1, b1, g1, be1, w2, b2, g2, be2, w3, b3)

if __name__ == "__main__":
    import jax
    _d = setup_inputs()
    print(jax.jit(kernel)(*tuple(_d.values())))

</pallas_src>

<mosaic_0001>
#map = affine_map<(d0, d1) -> (0, 0)>
#map1 = affine_map<(d0, d1) -> (0, 0, 0, 0)>
module attributes {stable_mosaic.version = 14 : i64} {
  func.func @_sc_gather_body(%arg0: i32, %arg1: i32, %arg2: memref<4x70688xf32, #tpu.memory_space<hbm>>, %arg3: memref<32x6656xi32, #tpu.memory_space<hbm>>, %arg4: memref<32x2x8x3328xf32, #tpu.memory_space<hbm>>, %arg5: memref<70688xf32, #tpu.memory_space<vmem>>, %arg6: memref<6656xi32, #tpu.memory_space<vmem>>, %arg7: memref<8x3328xf32, #tpu.memory_space<vmem>>) attributes {dimension_semantics = [#tpu.dimension_semantics<core_parallel>, #tpu.dimension_semantics<subcore_parallel>], iteration_bounds = array<i64: 2, 16>, scalar_prefetch = 0 : i64, scratch_operands = 3 : i64, tpu.core_type = #tpu.core_type<sc_vector_subcore>, window_params = [{transform_indices = #map}, {transform_indices = #map}, {transform_indices = #map1}]} {
    %mul3A = arith.constant 2 : i32
    %mul3A_0 = arith.muli %arg1, %mul3A : i32
    %add3A = arith.addi %mul3A_0, %arg0 : i32
    %jit3A = arith.constant 8 : i32
    %div3A = arith.divsi %add3A, %jit3A : i32
    %sign3A = arith.constant 0 : i32
    %sign3A_1 = arith.cmpi sgt, %add3A, %sign3A : i32
    %sign3A_2 = arith.extui %sign3A_1 : i1 to i32
    %sign3A_3 = arith.constant 0 : i32
    %sign3A_4 = arith.cmpi slt, %add3A, %sign3A_3 : i32
    %sign3A_5 = arith.extui %sign3A_4 : i1 to i32
    %sign3A_6 = arith.subi %sign3A_2, %sign3A_5 : i32
    %sign3A_7 = arith.constant 0 : i32
    %sign3A_8 = arith.cmpi sgt, %jit3A, %sign3A_7 : i32
    %sign3A_9 = arith.extui %sign3A_8 : i1 to i32
    %sign3A_10 = arith.constant 0 : i32
    %sign3A_11 = arith.cmpi slt, %jit3A, %sign3A_10 : i32
    %sign3A_12 = arith.extui %sign3A_11 : i1 to i32
    %sign3A_13 = arith.subi %sign3A_9, %sign3A_12 : i32
    %ne3A = arith.cmpi ne, %sign3A_6, %sign3A_13 : i32
    %rem3A = arith.remsi %add3A, %jit3A : i32
    %ne3A_14 = arith.constant 0 : i32
    %ne3A_15 = arith.cmpi ne, %rem3A, %ne3A_14 : i32
    %and3A = arith.andi %ne3A, %ne3A_15 : i1
    %sub3A = arith.constant 1 : i32
    %sub3A_16 = arith.subi %div3A, %sub3A : i32
    %select_n3A = arith.select %and3A, %sub3A_16, %div3A : i32
    "tpu.region"() ({
      %run_scoped3A_29 = tpu.sem_alloc : memref<!tpu.dma_semaphore, #tpu.memory_space<semaphore_mem>>
      %dma_start3A = arith.constant 0 : i32
      %dma_start3A_30 = tpu.memref_slice %arg2[%select_n3A, %dma_start3A] : memref<4x70688xf32, #tpu.memory_space<hbm>> -> memref<1x70688xf32, #tpu.memory_space<hbm>>
      %dma_start3A_31 = tpu.memref_squeeze %dma_start3A_30 : memref<1x70688xf32, #tpu.memory_space<hbm>> -> memref<70688xf32, #tpu.memory_space<hbm>>
      %dma_start3A_32 = arith.constant 0 : i32
      %dma_start3A_33 = tpu.memref_slice %arg2[%select_n3A, %dma_start3A_32] : memref<4x70688xf32, #tpu.memory_space<hbm>> -> memref<1x70688xf32, #tpu.memory_space<hbm>>
      %dma_start3A_34 = tpu.memref_squeeze %dma_start3A_33 : memref<1x70688xf32, #tpu.memory_space<hbm>> -> memref<70688xf32, #tpu.memory_space<hbm>>
      tpu.enqueue_dma source(%dma_start3A_34 : memref<70688xf32, #tpu.memory_space<hbm>>) target(%arg5 : memref<70688xf32, #tpu.memory_space<vmem>>) target_semaphore(%run_scoped3A_29 : memref<!tpu.dma_semaphore, #tpu.memory_space<semaphore_mem>>)
      %dma_wait3A = arith.constant 0 : i32
      %dma_wait3A_35 = tpu.memref_slice %arg2[%select_n3A, %dma_wait3A] : memref<4x70688xf32, #tpu.memory_space<hbm>> -> memref<1x70688xf32, #tpu.memory_space<hbm>>
      %dma_wait3A_36 = tpu.memref_squeeze %dma_wait3A_35 : memref<1x70688xf32, #tpu.memory_space<hbm>> -> memref<70688xf32, #tpu.memory_space<hbm>>
      %dma_wait3A_37 = arith.constant 0 : i32
      %dma_wait3A_38 = tpu.memref_slice %arg2[%select_n3A, %dma_wait3A_37] : memref<4x70688xf32, #tpu.memory_space<hbm>> -> memref<1x70688xf32, #tpu.memory_space<hbm>>
      %dma_wait3A_39 = tpu.memref_squeeze %dma_wait3A_38 : memref<1x70688xf32, #tpu.memory_space<hbm>> -> memref<70688xf32, #tpu.memory_space<hbm>>
      tpu.wait_dma2 semaphore(%run_scoped3A_29 : memref<!tpu.dma_semaphore, #tpu.memory_space<semaphore_mem>>) src(%dma_wait3A_39 : memref<70688xf32, #tpu.memory_space<hbm>>) dst(%arg5 : memref<70688xf32, #tpu.memory_space<vmem>>)
      tpu.yield
    }) : () -> ()
    "tpu.region"() ({
      %run_scoped3A_29 = tpu.sem_alloc : memref<!tpu.dma_semaphore, #tpu.memory_space<semaphore_mem>>
      %dma_start3A = arith.constant 0 : i32
      %dma_start3A_30 = tpu.memref_slice %arg3[%add3A, %dma_start3A] : memref<32x6656xi32, #tpu.memory_space<hbm>> -> memref<1x6656xi32, #tpu.memory_space<hbm>>
      %dma_start3A_31 = tpu.memref_squeeze %dma_start3A_30 : memref<1x6656xi32, #tpu.memory_space<hbm>> -> memref<6656xi32, #tpu.memory_space<hbm>>
      %dma_start3A_32 = arith.constant 0 : i32
      %dma_start3A_33 = tpu.memref_slice %arg3[%add3A, %dma_start3A_32] : memref<32x6656xi32, #tpu.memory_space<hbm>> -> memref<1x6656xi32, #tpu.memory_space<hbm>>
      %dma_start3A_34 = tpu.memref_squeeze %dma_start3A_33 : memref<1x6656xi32, #tpu.memory_space<hbm>> -> memref<6656xi32, #tpu.memory_space<hbm>>
      tpu.enqueue_dma source(%dma_start3A_34 : memref<6656xi32, #tpu.memory_space<hbm>>) target(%arg6 : memref<6656xi32, #tpu.memory_space<vmem>>) target_semaphore(%run_scoped3A_29 : memref<!tpu.dma_semaphore, #tpu.memory_space<semaphore_mem>>)
      %dma_wait3A = arith.constant 0 : i32
      %dma_wait3A_35 = tpu.memref_slice %arg3[%add3A, %dma_wait3A] : memref<32x6656xi32, #tpu.memory_space<hbm>> -> memref<1x6656xi32, #tpu.memory_space<hbm>>
      %dma_wait3A_36 = tpu.memref_squeeze %dma_wait3A_35 : memref<1x6656xi32, #tpu.memory_space<hbm>> -> memref<6656xi32, #tpu.memory_space<hbm>>
      %dma_wait3A_37 = arith.constant 0 : i32
      %dma_wait3A_38 = tpu.memref_slice %arg3[%add3A, %dma_wait3A_37] : memref<32x6656xi32, #tpu.memory_space<hbm>> -> memref<1x6656xi32, #tpu.memory_space<hbm>>
      %dma_wait3A_39 = tpu.memref_squeeze %dma_wait3A_38 : memref<1x6656xi32, #tpu.memory_space<hbm>> -> memref<6656xi32, #tpu.memory_space<hbm>>
      tpu.wait_dma2 semaphore(%run_scoped3A_29 : memref<!tpu.dma_semaphore, #tpu.memory_space<semaphore_mem>>) src(%dma_wait3A_39 : memref<6656xi32, #tpu.memory_space<hbm>>) dst(%arg6 : memref<6656xi32, #tpu.memory_space<vmem>>)
      tpu.yield
    }) : () -> ()
    %scan3A = arith.constant 0 : i32
    %scan3A_17 = arith.constant 0 : i32
    %scan3A_18 = arith.constant 208 : i32
    %scan3A_19 = arith.addi %scan3A_17, %scan3A_18 : i32
    %scan3A_20 = arith.constant 1 : i32
    scf.for %scan3A_29 = %scan3A_17 to %scan3A_19 step %scan3A_20  : i32 {
      %mul3A_30 = arith.constant 16 : i32
      %mul3A_31 = arith.muli %scan3A_29, %mul3A_30 : i32
      %add3A_32 = arith.constant 0 : i32
      %add3A_33 = arith.addi %add3A_32, %mul3A_31 : i32
      %get3A = arith.index_cast %add3A_33 : i32 to index
      %get3A_34 = tpu.vector_load %arg6[%get3A] {strides = array<i32>} : memref<6656xi32, #tpu.memory_space<vmem>>, vector<16xi32>,
      %mul3A_35 = arith.constant 8 : i32
      %mul3A_36 = vector.broadcast %mul3A_35 : i32 to vector<16xi32>
      %mul3A_37 = arith.muli %get3A_34, %mul3A_36 : vector<16xi32>
      %add3A_38 = arith.constant 0 : i32
      %add3A_39 = vector.broadcast %add3A_38 : i32 to vector<16xi32>
      %add3A_40 = arith.addi %mul3A_37, %add3A_39 : vector<16xi32>
      %gather3A = tpu.vector_load_idx %arg5[%add3A_40] : memref<70688xf32, #tpu.memory_space<vmem>>[vector<16xi32>], vector<16xf32>,
      %mul3A_41 = arith.constant 16 : i32
      %mul3A_42 = arith.muli %scan3A_29, %mul3A_41 : i32
      %swap3A = arith.constant 0 : i32
      %swap3A_43 = arith.index_cast %swap3A : i32 to index
      %swap3A_44 = arith.index_cast %mul3A_42 : i32 to index
      %swap3A_45 = tpu.vector_load %arg7[%swap3A_43, %swap3A_44] {strides = array<i32>} : memref<8x3328xf32, #tpu.memory_space<vmem>>, vector<16xf32>,
      tpu.vector_store %arg7[%swap3A_43, %swap3A_44], %gather3A {strides = array<i32>} : memref<8x3328xf32, #tpu.memory_space<vmem>>, vector<16xf32>,
      %add3A_46 = arith.constant 1 : i32
      %add3A_47 = vector.broadcast %add3A_46 : i32 to vector<16xi32>
      %add3A_48 = arith.addi %mul3A_37, %add3A_47 : vector<16xi32>
      %gather3A_49 = tpu.vector_load_idx %arg5[%add3A_48] : memref<70688xf32, #tpu.memory_space<vmem>>[vector<16xi32>], vector<16xf32>,
      %mul3A_50 = arith.constant 16 : i32
      %mul3A_51 = arith.muli %scan3A_29, %mul3A_50 : i32
      %swap3A_52 = arith.constant 1 : i32
      %swap3A_53 = arith.index_cast %swap3A_52 : i32 to index
      %swap3A_54 = arith.index_cast %mul3A_51 : i32 to index
      %swap3A_55 = tpu.vector_load %arg7[%swap3A_53, %swap3A_54] {strides = array<i32>} : memref<8x3328xf32, #tpu.memory_space<vmem>>, vector<16xf32>,
      tpu.vector_store %arg7[%swap3A_53, %swap3A_54], %gather3A_49 {strides = array<i32>} : memref<8x3328xf32, #tpu.memory_space<vmem>>, vector<16xf32>,
      %add3A_56 = arith.constant 2 : i32
      %add3A_57 = vector.broadcast %add3A_56 : i32 to vector<16xi32>
      %add3A_58 = arith.addi %mul3A_37, %add3A_57 : vector<16xi32>
      %gather3A_59 = tpu.vector_load_idx %arg5[%add3A_58] : memref<70688xf32, #tpu.memory_space<vmem>>[vector<16xi32>], vector<16xf32>,
      %mul3A_60 = arith.constant 16 : i32
      %mul3A_61 = arith.muli %scan3A_29, %mul3A_60 : i32
      %swap3A_62 = arith.constant 2 : i32
      %swap3A_63 = arith.index_cast %swap3A_62 : i32 to index
      %swap3A_64 = arith.index_cast %mul3A_61 : i32 to index
      %swap3A_65 = tpu.vector_load %arg7[%swap3A_63, %swap3A_64] {strides = array<i32>} : memref<8x3328xf32, #tpu.memory_space<vmem>>, vector<16xf32>,
      tpu.vector_store %arg7[%swap3A_63, %swap3A_64], %gather3A_59 {strides = array<i32>} : memref<8x3328xf32, #tpu.memory_space<vmem>>, vector<16xf32>,
      %add3A_66 = arith.constant 3 : i32
      %add3A_67 = vector.broadcast %add3A_66 : i32 to vector<16xi32>
      %add3A_68 = arith.addi %mul3A_37, %add3A_67 : vector<16xi32>
      %gather3A_69 = tpu.vector_load_idx %arg5[%add3A_68] : memref<70688xf32, #tpu.memory_space<vmem>>[vector<16xi32>], vector<16xf32>,
      %mul3A_70 = arith.constant 16 : i32
      %mul3A_71 = arith.muli %scan3A_29, %mul3A_70 : i32
      %swap3A_72 = arith.constant 3 : i32
      %swap3A_73 = arith.index_cast %swap3A_72 : i32 to index
      %swap3A_74 = arith.index_cast %mul3A_71 : i32 to index
      %swap3A_75 = tpu.vector_load %arg7[%swap3A_73, %swap3A_74] {strides = array<i32>} : memref<8x3328xf32, #tpu.memory_space<vmem>>, vector<16xf32>,
      tpu.vector_store %arg7[%swap3A_73, %swap3A_74], %gather3A_69 {strides = array<i32>} : memref<8x3328xf32, #tpu.memory_space<vmem>>, vector<16xf32>,
      %add3A_76 = arith.constant 4 : i32
      %add3A_77 = vector.broadcast %add3A_76 : i32 to vector<16xi32>
      %add3A_78 = arith.addi %mul3A_37, %add3A_77 : vector<16xi32>
      %gather3A_79 = tpu.vector_load_idx %arg5[%add3A_78] : memref<70688xf32, #tpu.memory_space<vmem>>[vector<16xi32>], vector<16xf32>,
      %mul3A_80 = arith.constant 16 : i32
      %mul3A_81 = arith.muli %scan3A_29, %mul3A_80 : i32
      %swap3A_82 = arith.constant 4 : i32
      %swap3A_83 = arith.index_cast %swap3A_82 : i32 to index
      %swap3A_84 = arith.index_cast %mul3A_81 : i32 to index
      %swap3A_85 = tpu.vector_load %arg7[%swap3A_83, %swap3A_84] {strides = array<i32>} : memref<8x3328xf32, #tpu.memory_space<vmem>>, vector<16xf32>,
      tpu.vector_store %arg7[%swap3A_83, %swap3A_84], %gather3A_79 {strides = array<i32>} : memref<8x3328xf32, #tpu.memory_space<vmem>>, vector<16xf32>,
      %add3A_86 = arith.constant 5 : i32
      %add3A_87 = vector.broadcast %add3A_86 : i32 to vector<16xi32>
      %add3A_88 = arith.addi %mul3A_37, %add3A_87 : vector<16xi32>
      %gather3A_89 = tpu.vector_load_idx %arg5[%add3A_88] : memref<70688xf32, #tpu.memory_space<vmem>>[vector<16xi32>], vector<16xf32>,
      %mul3A_90 = arith.constant 16 : i32
      %mul3A_91 = arith.muli %scan3A_29, %mul3A_90 : i32
      %swap3A_92 = arith.constant 5 : i32
      %swap3A_93 = arith.index_cast %swap3A_92 : i32 to index
      %swap3A_94 = arith.index_cast %mul3A_91 : i32 to index
      %swap3A_95 = tpu.vector_load %arg7[%swap3A_93, %swap3A_94] {strides = array<i32>} : memref<8x3328xf32, #tpu.memory_space<vmem>>, vector<16xf32>,
      tpu.vector_store %arg7[%swap3A_93, %swap3A_94], %gather3A_89 {strides = array<i32>} : memref<8x3328xf32, #tpu.memory_space<vmem>>, vector<16xf32>,
      %add3A_96 = arith.constant 6 : i32
      %add3A_97 = vector.broadcast %add3A_96 : i32 to vector<16xi32>
      %add3A_98 = arith.addi %mul3A_37, %add3A_97 : vector<16xi32>
      %gather3A_99 = tpu.vector_load_idx %arg5[%add3A_98] : memref<70688xf32, #tpu.memory_space<vmem>>[vector<16xi32>], vector<16xf32>,
      %mul3A_100 = arith.constant 16 : i32
      %mul3A_101 = arith.muli %scan3A_29, %mul3A_100 : i32
      %swap3A_102 = arith.constant 6 : i32
      %swap3A_103 = arith.index_cast %swap3A_102 : i32 to index
      %swap3A_104 = arith.index_cast %mul3A_101 : i32 to index
      %swap3A_105 = tpu.vector_load %arg7[%swap3A_103, %swap3A_104] {strides = array<i32>} : memref<8x3328xf32, #tpu.memory_space<vmem>>, vector<16xf32>,
      tpu.vector_store %arg7[%swap3A_103, %swap3A_104], %gather3A_99 {strides = array<i32>} : memref<8x3328xf32, #tpu.memory_space<vmem>>, vector<16xf32>,
      %add3A_106 = arith.constant 7 : i32
      %add3A_107 = vector.broadcast %add3A_106 : i32 to vector<16xi32>
      %add3A_108 = arith.addi %mul3A_37, %add3A_107 : vector<16xi32>
      %gather3A_109 = tpu.vector_load_idx %arg5[%add3A_108] : memref<70688xf32, #tpu.memory_space<vmem>>[vector<16xi32>], vector<16xf32>,
      %mul3A_110 = arith.constant 16 : i32
      %mul3A_111 = arith.muli %scan3A_29, %mul3A_110 : i32
      %swap3A_112 = arith.constant 7 : i32
      %swap3A_113 = arith.index_cast %swap3A_112 : i32 to index
      %swap3A_114 = arith.index_cast %mul3A_111 : i32 to index
      %swap3A_115 = tpu.vector_load %arg7[%swap3A_113, %swap3A_114] {strides = array<i32>} : memref<8x3328xf32, #tpu.memory_space<vmem>>, vector<16xf32>,
      tpu.vector_store %arg7[%swap3A_113, %swap3A_114], %gather3A_109 {strides = array<i32>} : memref<8x3328xf32, #tpu.memory_space<vmem>>, vector<16xf32>,
    }
    %scan3A_21 = arith.constant 208 : i32
    %run_scoped3A = arith.constant 0 : i32
    "tpu.region"() ({
      %run_scoped3A_29 = tpu.sem_alloc : memref<!tpu.dma_semaphore, #tpu.memory_space<semaphore_mem>>
      %dma_start3A = arith.constant 0 : i32
      %dma_start3A_30 = arith.constant 0 : i32
      %dma_start3A_31 = tpu.memref_slice %arg4[%add3A, %run_scoped3A, %dma_start3A, %dma_start3A_30] : memref<32x2x8x3328xf32, #tpu.memory_space<hbm>> -> memref<1x1x8x3328xf32, #tpu.memory_space<hbm>>
      %dma_start3A_32 = tpu.memref_squeeze %dma_start3A_31 : memref<1x1x8x3328xf32, #tpu.memory_space<hbm>> -> memref<8x3328xf32, #tpu.memory_space<hbm>>
      %dma_start3A_33 = arith.constant 0 : i32
      %dma_start3A_34 = arith.constant 0 : i32
      %dma_start3A_35 = tpu.memref_slice %arg4[%add3A, %run_scoped3A, %dma_start3A_33, %dma_start3A_34] : memref<32x2x8x3328xf32, #tpu.memory_space<hbm>> -> memref<1x1x8x3328xf32, #tpu.memory_space<hbm>>
      %dma_start3A_36 = tpu.memref_squeeze %dma_start3A_35 : memref<1x1x8x3328xf32, #tpu.memory_space<hbm>> -> memref<8x3328xf32, #tpu.memory_space<hbm>>
      tpu.enqueue_dma source(%arg7 : memref<8x3328xf32, #tpu.memory_space<vmem>>) target(%dma_start3A_36 : memref<8x3328xf32, #tpu.memory_space<hbm>>) target_semaphore(%run_scoped3A_29 : memref<!tpu.dma_semaphore, #tpu.memory_space<semaphore_mem>>)
      %dma_wait3A = arith.constant 0 : i32
      %dma_wait3A_37 = arith.constant 0 : i32
      %dma_wait3A_38 = tpu.memref_slice %arg4[%add3A, %run_scoped3A, %dma_wait3A, %dma_wait3A_37] : memref<32x2x8x3328xf32, #tpu.memory_space<hbm>> -> memref<1x1x8x3328xf32, #tpu.memory_space<hbm>>
      %dma_wait3A_39 = tpu.memref_squeeze %dma_wait3A_38 : memref<1x1x8x3328xf32, #tpu.memory_space<hbm>> -> memref<8x3328xf32, #tpu.memory_space<hbm>>
      %dma_wait3A_40 = arith.constant 0 : i32
      %dma_wait3A_41 = arith.constant 0 : i32
      %dma_wait3A_42 = tpu.memref_slice %arg4[%add3A, %run_scoped3A, %dma_wait3A_40, %dma_wait3A_41] : memref<32x2x8x3328xf32, #tpu.memory_space<hbm>> -> memref<1x1x8x3328xf32, #tpu.memory_space<hbm>>
      %dma_wait3A_43 = tpu.memref_squeeze %dma_wait3A_42 : memref<1x1x8x3328xf32, #tpu.memory_space<hbm>> -> memref<8x3328xf32, #tpu.memory_space<hbm>>
      tpu.wait_dma2 semaphore(%run_scoped3A_29 : memref<!tpu.dma_semaphore, #tpu.memory_space<semaphore_mem>>) src(%arg7 : memref<8x3328xf32, #tpu.memory_space<vmem>>) dst(%dma_wait3A_43 : memref<8x3328xf32, #tpu.memory_space<hbm>>)
      tpu.yield
    }) : () -> ()
    %scan3A_22 = arith.constant 0 : i32
    %scan3A_23 = arith.constant 0 : i32
    %scan3A_24 = arith.constant 208 : i32
    %scan3A_25 = arith.addi %scan3A_23, %scan3A_24 : i32
    %scan3A_26 = arith.constant 1 : i32
    scf.for %scan3A_29 = %scan3A_23 to %scan3A_25 step %scan3A_26  : i32 {
      %mul3A_30 = arith.constant 16 : i32
      %mul3A_31 = arith.muli %scan3A_29, %mul3A_30 : i32
      %add3A_32 = arith.constant 3328 : i32
      %add3A_33 = arith.addi %add3A_32, %mul3A_31 : i32
      %get3A = arith.index_cast %add3A_33 : i32 to index
      %get3A_34 = tpu.vector_load %arg6[%get3A] {strides = array<i32>} : memref<6656xi32, #tpu.memory_space<vmem>>, vector<16xi32>,
      %mul3A_35 = arith.constant 8 : i32
      %mul3A_36 = vector.broadcast %mul3A_35 : i32 to vector<16xi32>
      %mul3A_37 = arith.muli %get3A_34, %mul3A_36 : vector<16xi32>
      %add3A_38 = arith.constant 0 : i32
      %add3A_39 = vector.broadcast %add3A_38 : i32 to vector<16xi32>
      %add3A_40 = arith.addi %mul3A_37, %add3A_39 : vector<16xi32>
      %gather3A = tpu.vector_load_idx %arg5[%add3A_40] : memref<70688xf32, #tpu.memory_space<vmem>>[vector<16xi32>], vector<16xf32>,
      %mul3A_41 = arith.constant 16 : i32
      %mul3A_42 = arith.muli %scan3A_29, %mul3A_41 : i32
      %swap3A = arith.constant 0 : i32
      %swap3A_43 = arith.index_cast %swap3A : i32 to index
      %swap3A_44 = arith.index_cast %mul3A_42 : i32 to index
      %swap3A_45 = tpu.vector_load %arg7[%swap3A_43, %swap3A_44] {strides = array<i32>} : memref<8x3328xf32, #tpu.memory_space<vmem>>, vector<16xf32>,
      tpu.vector_store %arg7[%swap3A_43, %swap3A_44], %gather3A {strides = array<i32>} : memref<8x3328xf32, #tpu.memory_space<vmem>>, vector<16xf32>,
      %add3A_46 = arith.constant 1 : i32
      %add3A_47 = vector.broadcast %add3A_46 : i32 to vector<16xi32>
      %add3A_48 = arith.addi %mul3A_37, %add3A_47 : vector<16xi32>
      %gather3A_49 = tpu.vector_load_idx %arg5[%add3A_48] : memref<70688xf32, #tpu.memory_space<vmem>>[vector<16xi32>], vector<16xf32>,
      %mul3A_50 = arith.constant 16 : i32
      %mul3A_51 = arith.muli %scan3A_29, %mul3A_50 : i32
      %swap3A_52 = arith.constant 1 : i32
      %swap3A_53 = arith.index_cast %swap3A_52 : i32 to index
      %swap3A_54 = arith.index_cast %mul3A_51 : i32 to index
      %swap3A_55 = tpu.vector_load %arg7[%swap3A_53, %swap3A_54] {strides = array<i32>} : memref<8x3328xf32, #tpu.memory_space<vmem>>, vector<16xf32>,
      tpu.vector_store %arg7[%swap3A_53, %swap3A_54], %gather3A_49 {strides = array<i32>} : memref<8x3328xf32, #tpu.memory_space<vmem>>, vector<16xf32>,
      %add3A_56 = arith.constant 2 : i32
      %add3A_57 = vector.broadcast %add3A_56 : i32 to vector<16xi32>
      %add3A_58 = arith.addi %mul3A_37, %add3A_57 : vector<16xi32>
      %gather3A_59 = tpu.vector_load_idx %arg5[%add3A_58] : memref<70688xf32, #tpu.memory_space<vmem>>[vector<16xi32>], vector<16xf32>,
      %mul3A_60 = arith.constant 16 : i32
      %mul3A_61 = arith.muli %scan3A_29, %mul3A_60 : i32
      %swap3A_62 = arith.constant 2 : i32
      %swap3A_63 = arith.index_cast %swap3A_62 : i32 to index
      %swap3A_64 = arith.index_cast %mul3A_61 : i32 to index
      %swap3A_65 = tpu.vector_load %arg7[%swap3A_63, %swap3A_64] {strides = array<i32>} : memref<8x3328xf32, #tpu.memory_space<vmem>>, vector<16xf32>,
      tpu.vector_store %arg7[%swap3A_63, %swap3A_64], %gather3A_59 {strides = array<i32>} : memref<8x3328xf32, #tpu.memory_space<vmem>>, vector<16xf32>,
      %add3A_66 = arith.constant 3 : i32
      %add3A_67 = vector.broadcast %add3A_66 : i32 to vector<16xi32>
      %add3A_68 = arith.addi %mul3A_37, %add3A_67 : vector<16xi32>
      %gather3A_69 = tpu.vector_load_idx %arg5[%add3A_68] : memref<70688xf32, #tpu.memory_space<vmem>>[vector<16xi32>], vector<16xf32>,
      %mul3A_70 = arith.constant 16 : i32
      %mul3A_71 = arith.muli %scan3A_29, %mul3A_70 : i32
      %swap3A_72 = arith.constant 3 : i32
      %swap3A_73 = arith.index_cast %swap3A_72 : i32 to index
      %swap3A_74 = arith.index_cast %mul3A_71 : i32 to index
      %swap3A_75 = tpu.vector_load %arg7[%swap3A_73, %swap3A_74] {strides = array<i32>} : memref<8x3328xf32, #tpu.memory_space<vmem>>, vector<16xf32>,
      tpu.vector_store %arg7[%swap3A_73, %swap3A_74], %gather3A_69 {strides = array<i32>} : memref<8x3328xf32, #tpu.memory_space<vmem>>, vector<16xf32>,
      %add3A_76 = arith.constant 4 : i32
      %add3A_77 = vector.broadcast %add3A_76 : i32 to vector<16xi32>
      %add3A_78 = arith.addi %mul3A_37, %add3A_77 : vector<16xi32>
      %gather3A_79 = tpu.vector_load_idx %arg5[%add3A_78] : memref<70688xf32, #tpu.memory_space<vmem>>[vector<16xi32>], vector<16xf32>,
      %mul3A_80 = arith.constant 16 : i32
      %mul3A_81 = arith.muli %scan3A_29, %mul3A_80 : i32
      %swap3A_82 = arith.constant 4 : i32
      %swap3A_83 = arith.index_cast %swap3A_82 : i32 to index
      %swap3A_84 = arith.index_cast %mul3A_81 : i32 to index
      %swap3A_85 = tpu.vector_load %arg7[%swap3A_83, %swap3A_84] {strides = array<i32>} : memref<8x3328xf32, #tpu.memory_space<vmem>>, vector<16xf32>,
      tpu.vector_store %arg7[%swap3A_83, %swap3A_84], %gather3A_79 {strides = array<i32>} : memref<8x3328xf32, #tpu.memory_space<vmem>>, vector<16xf32>,
      %add3A_86 = arith.constant 5 : i32
      %add3A_87 = vector.broadcast %add3A_86 : i32 to vector<16xi32>
      %add3A_88 = arith.addi %mul3A_37, %add3A_87 : vector<16xi32>
      %gather3A_89 = tpu.vector_load_idx %arg5[%add3A_88] : memref<70688xf32, #tpu.memory_space<vmem>>[vector<16xi32>], vector<16xf32>,
      %mul3A_90 = arith.constant 16 : i32
      %mul3A_91 = arith.muli %scan3A_29, %mul3A_90 : i32
      %swap3A_92 = arith.constant 5 : i32
      %swap3A_93 = arith.index_cast %swap3A_92 : i32 to index
      %swap3A_94 = arith.index_cast %mul3A_91 : i32 to index
      %swap3A_95 = tpu.vector_load %arg7[%swap3A_93, %swap3A_94] {strides = array<i32>} : memref<8x3328xf32, #tpu.memory_space<vmem>>, vector<16xf32>,
      tpu.vector_store %arg7[%swap3A_93, %swap3A_94], %gather3A_89 {strides = array<i32>} : memref<8x3328xf32, #tpu.memory_space<vmem>>, vector<16xf32>,
      %add3A_96 = arith.constant 6 : i32
      %add3A_97 = vector.broadcast %add3A_96 : i32 to vector<16xi32>
      %add3A_98 = arith.addi %mul3A_37, %add3A_97 : vector<16xi32>
      %gather3A_99 = tpu.vector_load_idx %arg5[%add3A_98] : memref<70688xf32, #tpu.memory_space<vmem>>[vector<16xi32>], vector<16xf32>,
      %mul3A_100 = arith.constant 16 : i32
      %mul3A_101 = arith.muli %scan3A_29, %mul3A_100 : i32
      %swap3A_102 = arith.constant 6 : i32
      %swap3A_103 = arith.index_cast %swap3A_102 : i32 to index
      %swap3A_104 = arith.index_cast %mul3A_101 : i32 to index
      %swap3A_105 = tpu.vector_load %arg7[%swap3A_103, %swap3A_104] {strides = array<i32>} : memref<8x3328xf32, #tpu.memory_space<vmem>>, vector<16xf32>,
      tpu.vector_store %arg7[%swap3A_103, %swap3A_104], %gather3A_99 {strides = array<i32>} : memref<8x3328xf32, #tpu.memory_space<vmem>>, vector<16xf32>,
      %add3A_106 = arith.constant 7 : i32
      %add3A_107 = vector.broadcast %add3A_106 : i32 to vector<16xi32>
      %add3A_108 = arith.addi %mul3A_37, %add3A_107 : vector<16xi32>
      %gather3A_109 = tpu.vector_load_idx %arg5[%add3A_108] : memref<70688xf32, #tpu.memory_space<vmem>>[vector<16xi32>], vector<16xf32>,
      %mul3A_110 = arith.constant 16 : i32
      %mul3A_111 = arith.muli %scan3A_29, %mul3A_110 : i32
      %swap3A_112 = arith.constant 7 : i32
      %swap3A_113 = arith.index_cast %swap3A_112 : i32 to index
      %swap3A_114 = arith.index_cast %mul3A_111 : i32 to index
      %swap3A_115 = tpu.vector_load %arg7[%swap3A_113, %swap3A_114] {strides = array<i32>} : memref<8x3328xf32, #tpu.memory_space<vmem>>, vector<16xf32>,
      tpu.vector_store %arg7[%swap3A_113, %swap3A_114], %gather3A_109 {strides = array<i32>} : memref<8x3328xf32, #tpu.memory_space<vmem>>, vector<16xf32>,
    }
    %scan3A_27 = arith.constant 208 : i32
    %run_scoped3A_28 = arith.constant 1 : i32
    "tpu.region"() ({
      %run_scoped3A_29 = tpu.sem_alloc : memref<!tpu.dma_semaphore, #tpu.memory_space<semaphore_mem>>
      %dma_start3A = arith.constant 0 : i32
      %dma_start3A_30 = arith.constant 0 : i32
      %dma_start3A_31 = tpu.memref_slice %arg4[%add3A, %run_scoped3A_28, %dma_start3A, %dma_start3A_30] : memref<32x2x8x3328xf32, #tpu.memory_space<hbm>> -> memref<1x1x8x3328xf32, #tpu.memory_space<hbm>>
      %dma_start3A_32 = tpu.memref_squeeze %dma_start3A_31 : memref<1x1x8x3328xf32, #tpu.memory_space<hbm>> -> memref<8x3328xf32, #tpu.memory_space<hbm>>
      %dma_start3A_33 = arith.constant 0 : i32
      %dma_start3A_34 = arith.constant 0 : i32
      %dma_start3A_35 = tpu.memref_slice %arg4[%add3A, %run_scoped3A_28, %dma_start3A_33, %dma_start3A_34] : memref<32x2x8x3328xf32, #tpu.memory_space<hbm>> -> memref<1x1x8x3328xf32, #tpu.memory_space<hbm>>
      %dma_start3A_36 = tpu.memref_squeeze %dma_start3A_35 : memref<1x1x8x3328xf32, #tpu.memory_space<hbm>> -> memref<8x3328xf32, #tpu.memory_space<hbm>>
      tpu.enqueue_dma source(%arg7 : memref<8x3328xf32, #tpu.memory_space<vmem>>) target(%dma_start3A_36 : memref<8x3328xf32, #tpu.memory_space<hbm>>) target_semaphore(%run_scoped3A_29 : memref<!tpu.dma_semaphore, #tpu.memory_space<semaphore_mem>>)
      %dma_wait3A = arith.constant 0 : i32
      %dma_wait3A_37 = arith.constant 0 : i32
      %dma_wait3A_38 = tpu.memref_slice %arg4[%add3A, %run_scoped3A_28, %dma_wait3A, %dma_wait3A_37] : memref<32x2x8x3328xf32, #tpu.memory_space<hbm>> -> memref<1x1x8x3328xf32, #tpu.memory_space<hbm>>
      %dma_wait3A_39 = tpu.memref_squeeze %dma_wait3A_38 : memref<1x1x8x3328xf32, #tpu.memory_space<hbm>> -> memref<8x3328xf32, #tpu.memory_space<hbm>>
      %dma_wait3A_40 = arith.constant 0 : i32
      %dma_wait3A_41 = arith.constant 0 : i32
      %dma_wait3A_42 = tpu.memref_slice %arg4[%add3A, %run_scoped3A_28, %dma_wait3A_40, %dma_wait3A_41] : memref<32x2x8x3328xf32, #tpu.memory_space<hbm>> -> memref<1x1x8x3328xf32, #tpu.memory_space<hbm>>
      %dma_wait3A_43 = tpu.memref_squeeze %dma_wait3A_42 : memref<1x1x8x3328xf32, #tpu.memory_space<hbm>> -> memref<8x3328xf32, #tpu.memory_space<hbm>>
      tpu.wait_dma2 semaphore(%run_scoped3A_29 : memref<!tpu.dma_semaphore, #tpu.memory_space<semaphore_mem>>) src(%arg7 : memref<8x3328xf32, #tpu.memory_space<vmem>>) dst(%dma_wait3A_43 : memref<8x3328xf32, #tpu.memory_space<hbm>>)
      tpu.yield
    }) : () -> ()
    return
  }
}

module attributes {stable_mosaic.version = 14 : i64} {
  func.func @_conv_body(%arg0: memref<9144x6xf32, #tpu.memory_space<vmem>>, %arg1: memref<9x6x128xf32, #tpu.memory_space<vmem>>, %arg2: memref<128xf32, #tpu.memory_space<vmem>>, %arg3: memref<9000x128xf32, #tpu.memory_space<vmem>>) attributes {dimension_semantics = [], scalar_prefetch = 0 : i64, scratch_operands = 0 : i64, tpu.core_type = #tpu.core_type<tc>} {
    %broadcast_in_dim3A = arith.constant 0.000000e+00 : f32
    %broadcast_in_dim3A_0 = vector.broadcast %broadcast_in_dim3A : f32 to vector<9000x128xf32>
    %get3A = arith.constant 5 : index
    %get3A_1 = arith.constant 0 : index
    %get3A_2 = vector.load %arg0[%get3A, %get3A_1] : memref<9144x6xf32, #tpu.memory_space<vmem>>, vector<9000x6xf32>
    %get3A_3 = arith.constant 0 : index
    %get3A_4 = arith.constant 0 : index
    %get3A_5 = arith.constant 0 : index
    %get3A_6 = vector.load %arg1[%get3A_3, %get3A_4, %get3A_5] : memref<9x6x128xf32, #tpu.memory_space<vmem>>, vector<1x6x128xf32>
    %get3A_7 = vector.shape_cast %get3A_6 : vector<1x6x128xf32> to vector<6x128xf32>
    %dot_general3A = arith.constant dense<0.000000e+00> : vector<9000x128xf32>
    %dot_general3A_8 = tpu.matmul %get3A_2, %get3A_7, %dot_general3A {dimension_numbers = #tpu.dot_dimension_numbers<[1], [0], [0], [1], [0, 0, 1, 1], [], []>, transpose_lhs_hint = false} : vector<9000x6xf32>, vector<6x128xf32>, vector<9000x128xf32> -> vector<9000x128xf32>
    %add3A = arith.addf %broadcast_in_dim3A_0, %dot_general3A_8 : vector<9000x128xf32>
    %get3A_9 = arith.constant 6 : index
    %get3A_10 = arith.constant 0 : index
    %get3A_11 = vector.load %arg0[%get3A_9, %get3A_10] : memref<9144x6xf32, #tpu.memory_space<vmem>>, vector<9000x6xf32>
    %get3A_12 = arith.constant 1 : index
    %get3A_13 = arith.constant 0 : index
    %get3A_14 = arith.constant 0 : index
    %get3A_15 = vector.load %arg1[%get3A_12, %get3A_13, %get3A_14] : memref<9x6x128xf32, #tpu.memory_space<vmem>>, vector<1x6x128xf32>
    %get3A_16 = vector.shape_cast %get3A_15 : vector<1x6x128xf32> to vector<6x128xf32>
    %dot_general3A_17 = arith.constant dense<0.000000e+00> : vector<9000x128xf32>
    %dot_general3A_18 = tpu.matmul %get3A_11, %get3A_16, %dot_general3A_17 {dimension_numbers = #tpu.dot_dimension_numbers<[1], [0], [0], [1], [0, 0, 1, 1], [], []>, transpose_lhs_hint = false} : vector<9000x6xf32>, vector<6x128xf32>, vector<9000x128xf32> -> vector<9000x128xf32>
    %add3A_19 = arith.addf %add3A, %dot_general3A_18 : vector<9000x128xf32>
    %get3A_20 = arith.constant 7 : index
    %get3A_21 = arith.constant 0 : index
    %get3A_22 = vector.load %arg0[%get3A_20, %get3A_21] : memref<9144x6xf32, #tpu.memory_space<vmem>>, vector<9000x6xf32>
    %get3A_23 = arith.constant 2 : index
    %get3A_24 = arith.constant 0 : index
    %get3A_25 = arith.constant 0 : index
    %get3A_26 = vector.load %arg1[%get3A_23, %get3A_24, %get3A_25] : memref<9x6x128xf32, #tpu.memory_space<vmem>>, vector<1x6x128xf32>
    %get3A_27 = vector.shape_cast %get3A_26 : vector<1x6x128xf32> to vector<6x128xf32>
    %dot_general3A_28 = arith.constant dense<0.000000e+00> : vector<9000x128xf32>
    %dot_general3A_29 = tpu.matmul %get3A_22, %get3A_27, %dot_general3A_28 {dimension_numbers = #tpu.dot_dimension_numbers<[1], [0], [0], [1], [0, 0, 1, 1], [], []>, transpose_lhs_hint = false} : vector<9000x6xf32>, vector<6x128xf32>, vector<9000x128xf32> -> vector<9000x128xf32>
    %add3A_30 = arith.addf %add3A_19, %dot_general3A_29 : vector<9000x128xf32>
    %get3A_31 = arith.constant 71 : index
    %get3A_32 = arith.constant 0 : index
    %get3A_33 = vector.load %arg0[%get3A_31, %get3A_32] : memref<9144x6xf32, #tpu.memory_space<vmem>>, vector<9000x6xf32>
    %get3A_34 = arith.constant 3 : index
    %get3A_35 = arith.constant 0 : index
    %get3A_36 = arith.constant 0 : index
    %get3A_37 = vector.load %arg1[%get3A_34, %get3A_35, %get3A_36] : memref<9x6x128xf32, #tpu.memory_space<vmem>>, vector<1x6x128xf32>
    %get3A_38 = vector.shape_cast %get3A_37 : vector<1x6x128xf32> to vector<6x128xf32>
    %dot_general3A_39 = arith.constant dense<0.000000e+00> : vector<9000x128xf32>
    %dot_general3A_40 = tpu.matmul %get3A_33, %get3A_38, %dot_general3A_39 {dimension_numbers = #tpu.dot_dimension_numbers<[1], [0], [0], [1], [0, 0, 1, 1], [], []>, transpose_lhs_hint = false} : vector<9000x6xf32>, vector<6x128xf32>, vector<9000x128xf32> -> vector<9000x128xf32>
    %add3A_41 = arith.addf %add3A_30, %dot_general3A_40 : vector<9000x128xf32>
    %get3A_42 = arith.constant 72 : index
    %get3A_43 = arith.constant 0 : index
    %get3A_44 = vector.load %arg0[%get3A_42, %get3A_43] : memref<9144x6xf32, #tpu.memory_space<vmem>>, vector<9000x6xf32>
    %get3A_45 = arith.constant 4 : index
    %get3A_46 = arith.constant 0 : index
    %get3A_47 = arith.constant 0 : index
    %get3A_48 = vector.load %arg1[%get3A_45, %get3A_46, %get3A_47] : memref<9x6x128xf32, #tpu.memory_space<vmem>>, vector<1x6x128xf32>
    %get3A_49 = vector.shape_cast %get3A_48 : vector<1x6x128xf32> to vector<6x128xf32>
    %dot_general3A_50 = arith.constant dense<0.000000e+00> : vector<9000x128xf32>
    %dot_general3A_51 = tpu.matmul %get3A_44, %get3A_49, %dot_general3A_50 {dimension_numbers = #tpu.dot_dimension_numbers<[1], [0], [0], [1], [0, 0, 1, 1], [], []>, transpose_lhs_hint = false} : vector<9000x6xf32>, vector<6x128xf32>, vector<9000x128xf32> -> vector<9000x128xf32>
    %add3A_52 = arith.addf %add3A_41, %dot_general3A_51 : vector<9000x128xf32>
    %get3A_53 = arith.constant 73 : index
    %get3A_54 = arith.constant 0 : index
    %get3A_55 = vector.load %arg0[%get3A_53, %get3A_54] : memref<9144x6xf32, #tpu.memory_space<vmem>>, vector<9000x6xf32>
    %get3A_56 = arith.constant 5 : index
    %get3A_57 = arith.constant 0 : index
    %get3A_58 = arith.constant 0 : index
    %get3A_59 = vector.load %arg1[%get3A_56, %get3A_57, %get3A_58] : memref<9x6x128xf32, #tpu.memory_space<vmem>>, vector<1x6x128xf32>
    %get3A_60 = vector.shape_cast %get3A_59 : vector<1x6x128xf32> to vector<6x128xf32>
    %dot_general3A_61 = arith.constant dense<0.000000e+00> : vector<9000x128xf32>
    %dot_general3A_62 = tpu.matmul %get3A_55, %get3A_60, %dot_general3A_61 {dimension_numbers = #tpu.dot_dimension_numbers<[1], [0], [0], [1], [0, 0, 1, 1], [], []>, transpose_lhs_hint = false} : vector<9000x6xf32>, vector<6x128xf32>, vector<9000x128xf32> -> vector<9000x128xf32>
    %add3A_63 = arith.addf %add3A_52, %dot_general3A_62 : vector<9000x128xf32>
    %get3A_64 = arith.constant 137 : index
    %get3A_65 = arith.constant 0 : index
    %get3A_66 = vector.load %arg0[%get3A_64, %get3A_65] : memref<9144x6xf32, #tpu.memory_space<vmem>>, vector<9000x6xf32>
    %get3A_67 = arith.constant 6 : index
    %get3A_68 = arith.constant 0 : index
    %get3A_69 = arith.constant 0 : index
    %get3A_70 = vector.load %arg1[%get3A_67, %get3A_68, %get3A_69] : memref<9x6x128xf32, #tpu.memory_space<vmem>>, vector<1x6x128xf32>
    %get3A_71 = vector.shape_cast %get3A_70 : vector<1x6x128xf32> to vector<6x128xf32>
    %dot_general3A_72 = arith.constant dense<0.000000e+00> : vector<9000x128xf32>
    %dot_general3A_73 = tpu.matmul %get3A_66, %get3A_71, %dot_general3A_72 {dimension_numbers = #tpu.dot_dimension_numbers<[1], [0], [0], [1], [0, 0, 1, 1], [], []>, transpose_lhs_hint = false} : vector<9000x6xf32>, vector<6x128xf32>, vector<9000x128xf32> -> vector<9000x128xf32>
    %add3A_74 = arith.addf %add3A_63, %dot_general3A_73 : vector<9000x128xf32>
    %get3A_75 = arith.constant 138 : index
    %get3A_76 = arith.constant 0 : index
    %get3A_77 = vector.load %arg0[%get3A_75, %get3A_76] : memref<9144x6xf32, #tpu.memory_space<vmem>>, vector<9000x6xf32>
    %get3A_78 = arith.constant 7 : index
    %get3A_79 = arith.constant 0 : index
    %get3A_80 = arith.constant 0 : index
    %get3A_81 = vector.load %arg1[%get3A_78, %get3A_79, %get3A_80] : memref<9x6x128xf32, #tpu.memory_space<vmem>>, vector<1x6x128xf32>
    %get3A_82 = vector.shape_cast %get3A_81 : vector<1x6x128xf32> to vector<6x128xf32>
    %dot_general3A_83 = arith.constant dense<0.000000e+00> : vector<9000x128xf32>
    %dot_general3A_84 = tpu.matmul %get3A_77, %get3A_82, %dot_general3A_83 {dimension_numbers = #tpu.dot_dimension_numbers<[1], [0], [0], [1], [0, 0, 1, 1], [], []>, transpose_lhs_hint = false} : vector<9000x6xf32>, vector<6x128xf32>, vector<9000x128xf32> -> vector<9000x128xf32>
    %add3A_85 = arith.addf %add3A_74, %dot_general3A_84 : vector<9000x128xf32>
    %get3A_86 = arith.constant 139 : index
    %get3A_87 = arith.constant 0 : index
    %get3A_88 = vector.load %arg0[%get3A_86, %get3A_87] : memref<9144x6xf32, #tpu.memory_space<vmem>>, vector<9000x6xf32>
    %get3A_89 = arith.constant 8 : index
    %get3A_90 = arith.constant 0 : index
    %get3A_91 = arith.constant 0 : index
    %get3A_92 = vector.load %arg1[%get3A_89, %get3A_90, %get3A_91] : memref<9x6x128xf32, #tpu.memory_space<vmem>>, vector<1x6x128xf32>
    %get3A_93 = vector.shape_cast %get3A_92 : vector<1x6x128xf32> to vector<6x128xf32>
    %dot_general3A_94 = arith.constant dense<0.000000e+00> : vector<9000x128xf32>
    %dot_general3A_95 = tpu.matmul %get3A_88, %get3A_93, %dot_general3A_94 {dimension_numbers = #tpu.dot_dimension_numbers<[1], [0], [0], [1], [0, 0, 1, 1], [], []>, transpose_lhs_hint = false} : vector<9000x6xf32>, vector<6x128xf32>, vector<9000x128xf32> -> vector<9000x128xf32>
    %add3A_96 = arith.addf %add3A_85, %dot_general3A_95 : vector<9000x128xf32>
    %get3A_97 = arith.constant 0 : index
    %get3A_98 = vector.load %arg2[%get3A_97] : memref<128xf32, #tpu.memory_space<vmem>>, vector<128xf32>
    %broadcast_in_dim3A_99 = vector.shape_cast %get3A_98 : vector<128xf32> to vector<1x128xf32>
    %add3A_100 = vector.broadcast %broadcast_in_dim3A_99 : vector<1x128xf32> to vector<9000x128xf32>
    %add3A_101 = arith.addf %add3A_96, %add3A_100 : vector<9000x128xf32>
    %swap3A = arith.constant 0 : index
    %swap3A_102 = arith.constant 0 : index
    %swap3A_103 = vector.load %arg3[%swap3A, %swap3A_102] : memref<9000x128xf32, #tpu.memory_space<vmem>>, vector<9000x128xf32>
    tpu.vector_store %arg3[%swap3A, %swap3A_102], %add3A_101 {strides = array<i32>} : memref<9000x128xf32, #tpu.memory_space<vmem>>, vector<9000x128xf32>,
    return
  }
}

module attributes {stable_mosaic.version = 14 : i64} {
  func.func @_conv_body(%arg0: memref<9144x128xf32, #tpu.memory_space<vmem>>, %arg1: memref<9x128x128xf32, #tpu.memory_space<vmem>>, %arg2: memref<128xf32, #tpu.memory_space<vmem>>, %arg3: memref<9000x128xf32, #tpu.memory_space<vmem>>) attributes {dimension_semantics = [], scalar_prefetch = 0 : i64, scratch_operands = 0 : i64, tpu.core_type = #tpu.core_type<tc>} {
    %broadcast_in_dim3A = arith.constant 0.000000e+00 : f32
    %broadcast_in_dim3A_0 = vector.broadcast %broadcast_in_dim3A : f32 to vector<9000x128xf32>
    %get3A = arith.constant 5 : index
    %get3A_1 = arith.constant 0 : index
    %get3A_2 = vector.load %arg0[%get3A, %get3A_1] : memref<9144x128xf32, #tpu.memory_space<vmem>>, vector<9000x128xf32>
    %get3A_3 = arith.constant 0 : index
    %get3A_4 = arith.constant 0 : index
    %get3A_5 = arith.constant 0 : index
    %get3A_6 = vector.load %arg1[%get3A_3, %get3A_4, %get3A_5] : memref<9x128x128xf32, #tpu.memory_space<vmem>>, vector<1x128x128xf32>
    %get3A_7 = vector.shape_cast %get3A_6 : vector<1x128x128xf32> to vector<128x128xf32>
    %dot_general3A = arith.constant dense<0.000000e+00> : vector<9000x128xf32>
    %dot_general3A_8 = tpu.matmul %get3A_2, %get3A_7, %dot_general3A {dimension_numbers = #tpu.dot_dimension_numbers<[1], [0], [0], [1], [0, 0, 1, 1], [], []>, transpose_lhs_hint = false} : vector<9000x128xf32>, vector<128x128xf32>, vector<9000x128xf32> -> vector<9000x128xf32>
    %add3A = arith.addf %broadcast_in_dim3A_0, %dot_general3A_8 : vector<9000x128xf32>
    %get3A_9 = arith.constant 6 : index
    %get3A_10 = arith.constant 0 : index
    %get3A_11 = vector.load %arg0[%get3A_9, %get3A_10] : memref<9144x128xf32, #tpu.memory_space<vmem>>, vector<9000x128xf32>
    %get3A_12 = arith.constant 1 : index
    %get3A_13 = arith.constant 0 : index
    %get3A_14 = arith.constant 0 : index
    %get3A_15 = vector.load %arg1[%get3A_12, %get3A_13, %get3A_14] : memref<9x128x128xf32, #tpu.memory_space<vmem>>, vector<1x128x128xf32>
    %get3A_16 = vector.shape_cast %get3A_15 : vector<1x128x128xf32> to vector<128x128xf32>
    %dot_general3A_17 = arith.constant dense<0.000000e+00> : vector<9000x128xf32>
    %dot_general3A_18 = tpu.matmul %get3A_11, %get3A_16, %dot_general3A_17 {dimension_numbers = #tpu.dot_dimension_numbers<[1], [0], [0], [1], [0, 0, 1, 1], [], []>, transpose_lhs_hint = false} : vector<9000x128xf32>, vector<128x128xf32>, vector<9000x128xf32> -> vector<9000x128xf32>
    %add3A_19 = arith.addf %add3A, %dot_general3A_18 : vector<9000x128xf32>
    %get3A_20 = arith.constant 7 : index
    %get3A_21 = arith.constant 0 : index
    %get3A_22 = vector.load %arg0[%get3A_20, %get3A_21] : memref<9144x128xf32, #tpu.memory_space<vmem>>, vector<9000x128xf32>
    %get3A_23 = arith.constant 2 : index
    %get3A_24 = arith.constant 0 : index
    %get3A_25 = arith.constant 0 : index
    %get3A_26 = vector.load %arg1[%get3A_23, %get3A_24, %get3A_25] : memref<9x128x128xf32, #tpu.memory_space<vmem>>, vector<1x128x128xf32>
    %get3A_27 = vector.shape_cast %get3A_26 : vector<1x128x128xf32> to vector<128x128xf32>
    %dot_general3A_28 = arith.constant dense<0.000000e+00> : vector<9000x128xf32>
    %dot_general3A_29 = tpu.matmul %get3A_22, %get3A_27, %dot_general3A_28 {dimension_numbers = #tpu.dot_dimension_numbers<[1], [0], [0], [1], [0, 0, 1, 1], [], []>, transpose_lhs_hint = false} : vector<9000x128xf32>, vector<128x128xf32>, vector<9000x128xf32> -> vector<9000x128xf32>
    %add3A_30 = arith.addf %add3A_19, %dot_general3A_29 : vector<9000x128xf32>
    %get3A_31 = arith.constant 71 : index
    %get3A_32 = arith.constant 0 : index
    %get3A_33 = vector.load %arg0[%get3A_31, %get3A_32] : memref<9144x128xf32, #tpu.memory_space<vmem>>, vector<9000x128xf32>
    %get3A_34 = arith.constant 3 : index
    %get3A_35 = arith.constant 0 : index
    %get3A_36 = arith.constant 0 : index
    %get3A_37 = vector.load %arg1[%get3A_34, %get3A_35, %get3A_36] : memref<9x128x128xf32, #tpu.memory_space<vmem>>, vector<1x128x128xf32>
    %get3A_38 = vector.shape_cast %get3A_37 : vector<1x128x128xf32> to vector<128x128xf32>
    %dot_general3A_39 = arith.constant dense<0.000000e+00> : vector<9000x128xf32>
    %dot_general3A_40 = tpu.matmul %get3A_33, %get3A_38, %dot_general3A_39 {dimension_numbers = #tpu.dot_dimension_numbers<[1], [0], [0], [1], [0, 0, 1, 1], [], []>, transpose_lhs_hint = false} : vector<9000x128xf32>, vector<128x128xf32>, vector<9000x128xf32> -> vector<9000x128xf32>
    %add3A_41 = arith.addf %add3A_30, %dot_general3A_40 : vector<9000x128xf32>
    %get3A_42 = arith.constant 72 : index
    %get3A_43 = arith.constant 0 : index
    %get3A_44 = vector.load %arg0[%get3A_42, %get3A_43] : memref<9144x128xf32, #tpu.memory_space<vmem>>, vector<9000x128xf32>
    %get3A_45 = arith.constant 4 : index
    %get3A_46 = arith.constant 0 : index
    %get3A_47 = arith.constant 0 : index
    %get3A_48 = vector.load %arg1[%get3A_45, %get3A_46, %get3A_47] : memref<9x128x128xf32, #tpu.memory_space<vmem>>, vector<1x128x128xf32>
    %get3A_49 = vector.shape_cast %get3A_48 : vector<1x128x128xf32> to vector<128x128xf32>
    %dot_general3A_50 = arith.constant dense<0.000000e+00> : vector<9000x128xf32>
    %dot_general3A_51 = tpu.matmul %get3A_44, %get3A_49, %dot_general3A_50 {dimension_numbers = #tpu.dot_dimension_numbers<[1], [0], [0], [1], [0, 0, 1, 1], [], []>, transpose_lhs_hint = false} : vector<9000x128xf32>, vector<128x128xf32>, vector<9000x128xf32> -> vector<9000x128xf32>
    %add3A_52 = arith.addf %add3A_41, %dot_general3A_51 : vector<9000x128xf32>
    %get3A_53 = arith.constant 73 : index
    %get3A_54 = arith.constant 0 : index
    %get3A_55 = vector.load %arg0[%get3A_53, %get3A_54] : memref<9144x128xf32, #tpu.memory_space<vmem>>, vector<9000x128xf32>
    %get3A_56 = arith.constant 5 : index
    %get3A_57 = arith.constant 0 : index
    %get3A_58 = arith.constant 0 : index
    %get3A_59 = vector.load %arg1[%get3A_56, %get3A_57, %get3A_58] : memref<9x128x128xf32, #tpu.memory_space<vmem>>, vector<1x128x128xf32>
    %get3A_60 = vector.shape_cast %get3A_59 : vector<1x128x128xf32> to vector<128x128xf32>
    %dot_general3A_61 = arith.constant dense<0.000000e+00> : vector<9000x128xf32>
    %dot_general3A_62 = tpu.matmul %get3A_55, %get3A_60, %dot_general3A_61 {dimension_numbers = #tpu.dot_dimension_numbers<[1], [0], [0], [1], [0, 0, 1, 1], [], []>, transpose_lhs_hint = false} : vector<9000x128xf32>, vector<128x128xf32>, vector<9000x128xf32> -> vector<9000x128xf32>
    %add3A_63 = arith.addf %add3A_52, %dot_general3A_62 : vector<9000x128xf32>
    %get3A_64 = arith.constant 137 : index
    %get3A_65 = arith.constant 0 : index
    %get3A_66 = vector.load %arg0[%get3A_64, %get3A_65] : memref<9144x128xf32, #tpu.memory_space<vmem>>, vector<9000x128xf32>
    %get3A_67 = arith.constant 6 : index
    %get3A_68 = arith.constant 0 : index
    %get3A_69 = arith.constant 0 : index
    %get3A_70 = vector.load %arg1[%get3A_67, %get3A_68, %get3A_69] : memref<9x128x128xf32, #tpu.memory_space<vmem>>, vector<1x128x128xf32>
    %get3A_71 = vector.shape_cast %get3A_70 : vector<1x128x128xf32> to vector<128x128xf32>
    %dot_general3A_72 = arith.constant dense<0.000000e+00> : vector<9000x128xf32>
    %dot_general3A_73 = tpu.matmul %get3A_66, %get3A_71, %dot_general3A_72 {dimension_numbers = #tpu.dot_dimension_numbers<[1], [0], [0], [1], [0, 0, 1, 1], [], []>, transpose_lhs_hint = false} : vector<9000x128xf32>, vector<128x128xf32>, vector<9000x128xf32> -> vector<9000x128xf32>
    %add3A_74 = arith.addf %add3A_63, %dot_general3A_73 : vector<9000x128xf32>
    %get3A_75 = arith.constant 138 : index
    %get3A_76 = arith.constant 0 : index
    %get3A_77 = vector.load %arg0[%get3A_75, %get3A_76] : memref<9144x128xf32, #tpu.memory_space<vmem>>, vector<9000x128xf32>
    %get3A_78 = arith.constant 7 : index
    %get3A_79 = arith.constant 0 : index
    %get3A_80 = arith.constant 0 : index
    %get3A_81 = vector.load %arg1[%get3A_78, %get3A_79, %get3A_80] : memref<9x128x128xf32, #tpu.memory_space<vmem>>, vector<1x128x128xf32>
    %get3A_82 = vector.shape_cast %get3A_81 : vector<1x128x128xf32> to vector<128x128xf32>
    %dot_general3A_83 = arith.constant dense<0.000000e+00> : vector<9000x128xf32>
    %dot_general3A_84 = tpu.matmul %get3A_77, %get3A_82, %dot_general3A_83 {dimension_numbers = #tpu.dot_dimension_numbers<[1], [0], [0], [1], [0, 0, 1, 1], [], []>, transpose_lhs_hint = false} : vector<9000x128xf32>, vector<128x128xf32>, vector<9000x128xf32> -> vector<9000x128xf32>
    %add3A_85 = arith.addf %add3A_74, %dot_general3A_84 : vector<9000x128xf32>
    %get3A_86 = arith.constant 139 : index
    %get3A_87 = arith.constant 0 : index
    %get3A_88 = vector.load %arg0[%get3A_86, %get3A_87] : memref<9144x128xf32, #tpu.memory_space<vmem>>, vector<9000x128xf32>
    %get3A_89 = arith.constant 8 : index
    %get3A_90 = arith.constant 0 : index
    %get3A_91 = arith.constant 0 : index
    %get3A_92 = vector.load %arg1[%get3A_89, %get3A_90, %get3A_91] : memref<9x128x128xf32, #tpu.memory_space<vmem>>, vector<1x128x128xf32>
    %get3A_93 = vector.shape_cast %get3A_92 : vector<1x128x128xf32> to vector<128x128xf32>
    %dot_general3A_94 = arith.constant dense<0.000000e+00> : vector<9000x128xf32>
    %dot_general3A_95 = tpu.matmul %get3A_88, %get3A_93, %dot_general3A_94 {dimension_numbers = #tpu.dot_dimension_numbers<[1], [0], [0], [1], [0, 0, 1, 1], [], []>, transpose_lhs_hint = false} : vector<9000x128xf32>, vector<128x128xf32>, vector<9000x128xf32> -> vector<9000x128xf32>
    %add3A_96 = arith.addf %add3A_85, %dot_general3A_95 : vector<9000x128xf32>
    %get3A_97 = arith.constant 0 : index
    %get3A_98 = vector.load %arg2[%get3A_97] : memref<128xf32, #tpu.memory_space<vmem>>, vector<128xf32>
    %broadcast_in_dim3A_99 = vector.shape_cast %get3A_98 : vector<128xf32> to vector<1x128xf32>
    %add3A_100 = vector.broadcast %broadcast_in_dim3A_99 : vector<1x128xf32> to vector<9000x128xf32>
    %add3A_101 = arith.addf %add3A_96, %add3A_100 : vector<9000x128xf32>
    %swap3A = arith.constant 0 : index
    %swap3A_102 = arith.constant 0 : index
    %swap3A_103 = vector.load %arg3[%swap3A, %swap3A_102] : memref<9000x128xf32, #tpu.memory_space<vmem>>, vector<9000x128xf32>
    tpu.vector_store %arg3[%swap3A, %swap3A_102], %add3A_101 {strides = array<i32>} : memref<9000x128xf32, #tpu.memory_space<vmem>>, vector<9000x128xf32>,
    return
  }
}

module attributes {stable_mosaic.version = 14 : i64} {
  func.func @_conv_body(%arg0: memref<9144x128xf32, #tpu.memory_space<vmem>>, %arg1: memref<9x128x16xf32, #tpu.memory_space<vmem>>, %arg2: memref<16xf32, #tpu.memory_space<vmem>>, %arg3: memref<9000x16xf32, #tpu.memory_space<vmem>>) attributes {dimension_semantics = [], scalar_prefetch = 0 : i64, scratch_operands = 0 : i64, tpu.core_type = #tpu.core_type<tc>} {
    %broadcast_in_dim3A = arith.constant 0.000000e+00 : f32
    %broadcast_in_dim3A_0 = vector.broadcast %broadcast_in_dim3A : f32 to vector<9000x16xf32>
    %get3A = arith.constant 5 : index
    %get3A_1 = arith.constant 0 : index
    %get3A_2 = vector.load %arg0[%get3A, %get3A_1] : memref<9144x128xf32, #tpu.memory_space<vmem>>, vector<9000x128xf32>
    %get3A_3 = arith.constant 0 : index
    %get3A_4 = arith.constant 0 : index
    %get3A_5 = arith.constant 0 : index
    %get3A_6 = vector.load %arg1[%get3A_3, %get3A_4, %get3A_5] : memref<9x128x16xf32, #tpu.memory_space<vmem>>, vector<1x128x16xf32>
    %get3A_7 = vector.shape_cast %get3A_6 : vector<1x128x16xf32> to vector<128x16xf32>
    %dot_general3A = arith.constant dense<0.000000e+00> : vector<9000x16xf32>
    %dot_general3A_8 = tpu.matmul %get3A_2, %get3A_7, %dot_general3A {dimension_numbers = #tpu.dot_dimension_numbers<[1], [0], [0], [1], [0, 0, 1, 1], [], []>, transpose_lhs_hint = false} : vector<9000x128xf32>, vector<128x16xf32>, vector<9000x16xf32> -> vector<9000x16xf32>
    %add3A = arith.addf %broadcast_in_dim3A_0, %dot_general3A_8 : vector<9000x16xf32>
    %get3A_9 = arith.constant 6 : index
    %get3A_10 = arith.constant 0 : index
    %get3A_11 = vector.load %arg0[%get3A_9, %get3A_10] : memref<9144x128xf32, #tpu.memory_space<vmem>>, vector<9000x128xf32>
    %get3A_12 = arith.constant 1 : index
    %get3A_13 = arith.constant 0 : index
    %get3A_14 = arith.constant 0 : index
    %get3A_15 = vector.load %arg1[%get3A_12, %get3A_13, %get3A_14] : memref<9x128x16xf32, #tpu.memory_space<vmem>>, vector<1x128x16xf32>
    %get3A_16 = vector.shape_cast %get3A_15 : vector<1x128x16xf32> to vector<128x16xf32>
    %dot_general3A_17 = arith.constant dense<0.000000e+00> : vector<9000x16xf32>
    %dot_general3A_18 = tpu.matmul %get3A_11, %get3A_16, %dot_general3A_17 {dimension_numbers = #tpu.dot_dimension_numbers<[1], [0], [0], [1], [0, 0, 1, 1], [], []>, transpose_lhs_hint = false} : vector<9000x128xf32>, vector<128x16xf32>, vector<9000x16xf32> -> vector<9000x16xf32>
    %add3A_19 = arith.addf %add3A, %dot_general3A_18 : vector<9000x16xf32>
    %get3A_20 = arith.constant 7 : index
    %get3A_21 = arith.constant 0 : index
    %get3A_22 = vector.load %arg0[%get3A_20, %get3A_21] : memref<9144x128xf32, #tpu.memory_space<vmem>>, vector<9000x128xf32>
    %get3A_23 = arith.constant 2 : index
    %get3A_24 = arith.constant 0 : index
    %get3A_25 = arith.constant 0 : index
    %get3A_26 = vector.load %arg1[%get3A_23, %get3A_24, %get3A_25] : memref<9x128x16xf32, #tpu.memory_space<vmem>>, vector<1x128x16xf32>
    %get3A_27 = vector.shape_cast %get3A_26 : vector<1x128x16xf32> to vector<128x16xf32>
    %dot_general3A_28 = arith.constant dense<0.000000e+00> : vector<9000x16xf32>
    %dot_general3A_29 = tpu.matmul %get3A_22, %get3A_27, %dot_general3A_28 {dimension_numbers = #tpu.dot_dimension_numbers<[1], [0], [0], [1], [0, 0, 1, 1], [], []>, transpose_lhs_hint = false} : vector<9000x128xf32>, vector<128x16xf32>, vector<9000x16xf32> -> vector<9000x16xf32>
    %add3A_30 = arith.addf %add3A_19, %dot_general3A_29 : vector<9000x16xf32>
    %get3A_31 = arith.constant 71 : index
    %get3A_32 = arith.constant 0 : index
    %get3A_33 = vector.load %arg0[%get3A_31, %get3A_32] : memref<9144x128xf32, #tpu.memory_space<vmem>>, vector<9000x128xf32>
    %get3A_34 = arith.constant 3 : index
    %get3A_35 = arith.constant 0 : index
    %get3A_36 = arith.constant 0 : index
    %get3A_37 = vector.load %arg1[%get3A_34, %get3A_35, %get3A_36] : memref<9x128x16xf32, #tpu.memory_space<vmem>>, vector<1x128x16xf32>
    %get3A_38 = vector.shape_cast %get3A_37 : vector<1x128x16xf32> to vector<128x16xf32>
    %dot_general3A_39 = arith.constant dense<0.000000e+00> : vector<9000x16xf32>
    %dot_general3A_40 = tpu.matmul %get3A_33, %get3A_38, %dot_general3A_39 {dimension_numbers = #tpu.dot_dimension_numbers<[1], [0], [0], [1], [0, 0, 1, 1], [], []>, transpose_lhs_hint = false} : vector<9000x128xf32>, vector<128x16xf32>, vector<9000x16xf32> -> vector<9000x16xf32>
    %add3A_41 = arith.addf %add3A_30, %dot_general3A_40 : vector<9000x16xf32>
    %get3A_42 = arith.constant 72 : index
    %get3A_43 = arith.constant 0 : index
    %get3A_44 = vector.load %arg0[%get3A_42, %get3A_43] : memref<9144x128xf32, #tpu.memory_space<vmem>>, vector<9000x128xf32>
    %get3A_45 = arith.constant 4 : index
    %get3A_46 = arith.constant 0 : index
    %get3A_47 = arith.constant 0 : index
    %get3A_48 = vector.load %arg1[%get3A_45, %get3A_46, %get3A_47] : memref<9x128x16xf32, #tpu.memory_space<vmem>>, vector<1x128x16xf32>
    %get3A_49 = vector.shape_cast %get3A_48 : vector<1x128x16xf32> to vector<128x16xf32>
    %dot_general3A_50 = arith.constant dense<0.000000e+00> : vector<9000x16xf32>
    %dot_general3A_51 = tpu.matmul %get3A_44, %get3A_49, %dot_general3A_50 {dimension_numbers = #tpu.dot_dimension_numbers<[1], [0], [0], [1], [0, 0, 1, 1], [], []>, transpose_lhs_hint = false} : vector<9000x128xf32>, vector<128x16xf32>, vector<9000x16xf32> -> vector<9000x16xf32>
    %add3A_52 = arith.addf %add3A_41, %dot_general3A_51 : vector<9000x16xf32>
    %get3A_53 = arith.constant 73 : index
    %get3A_54 = arith.constant 0 : index
    %get3A_55 = vector.load %arg0[%get3A_53, %get3A_54] : memref<9144x128xf32, #tpu.memory_space<vmem>>, vector<9000x128xf32>
    %get3A_56 = arith.constant 5 : index
    %get3A_57 = arith.constant 0 : index
    %get3A_58 = arith.constant 0 : index
    %get3A_59 = vector.load %arg1[%get3A_56, %get3A_57, %get3A_58] : memref<9x128x16xf32, #tpu.memory_space<vmem>>, vector<1x128x16xf32>
    %get3A_60 = vector.shape_cast %get3A_59 : vector<1x128x16xf32> to vector<128x16xf32>
    %dot_general3A_61 = arith.constant dense<0.000000e+00> : vector<9000x16xf32>
    %dot_general3A_62 = tpu.matmul %get3A_55, %get3A_60, %dot_general3A_61 {dimension_numbers = #tpu.dot_dimension_numbers<[1], [0], [0], [1], [0, 0, 1, 1], [], []>, transpose_lhs_hint = false} : vector<9000x128xf32>, vector<128x16xf32>, vector<9000x16xf32> -> vector<9000x16xf32>
    %add3A_63 = arith.addf %add3A_52, %dot_general3A_62 : vector<9000x16xf32>
    %get3A_64 = arith.constant 137 : index
    %get3A_65 = arith.constant 0 : index
    %get3A_66 = vector.load %arg0[%get3A_64, %get3A_65] : memref<9144x128xf32, #tpu.memory_space<vmem>>, vector<9000x128xf32>
    %get3A_67 = arith.constant 6 : index
    %get3A_68 = arith.constant 0 : index
    %get3A_69 = arith.constant 0 : index
    %get3A_70 = vector.load %arg1[%get3A_67, %get3A_68, %get3A_69] : memref<9x128x16xf32, #tpu.memory_space<vmem>>, vector<1x128x16xf32>
    %get3A_71 = vector.shape_cast %get3A_70 : vector<1x128x16xf32> to vector<128x16xf32>
    %dot_general3A_72 = arith.constant dense<0.000000e+00> : vector<9000x16xf32>
    %dot_general3A_73 = tpu.matmul %get3A_66, %get3A_71, %dot_general3A_72 {dimension_numbers = #tpu.dot_dimension_numbers<[1], [0], [0], [1], [0, 0, 1, 1], [], []>, transpose_lhs_hint = false} : vector<9000x128xf32>, vector<128x16xf32>, vector<9000x16xf32> -> vector<9000x16xf32>
    %add3A_74 = arith.addf %add3A_63, %dot_general3A_73 : vector<9000x16xf32>
    %get3A_75 = arith.constant 138 : index
    %get3A_76 = arith.constant 0 : index
    %get3A_77 = vector.load %arg0[%get3A_75, %get3A_76] : memref<9144x128xf32, #tpu.memory_space<vmem>>, vector<9000x128xf32>
    %get3A_78 = arith.constant 7 : index
    %get3A_79 = arith.constant 0 : index
    %get3A_80 = arith.constant 0 : index
    %get3A_81 = vector.load %arg1[%get3A_78, %get3A_79, %get3A_80] : memref<9x128x16xf32, #tpu.memory_space<vmem>>, vector<1x128x16xf32>
    %get3A_82 = vector.shape_cast %get3A_81 : vector<1x128x16xf32> to vector<128x16xf32>
    %dot_general3A_83 = arith.constant dense<0.000000e+00> : vector<9000x16xf32>
    %dot_general3A_84 = tpu.matmul %get3A_77, %get3A_82, %dot_general3A_83 {dimension_numbers = #tpu.dot_dimension_numbers<[1], [0], [0], [1], [0, 0, 1, 1], [], []>, transpose_lhs_hint = false} : vector<9000x128xf32>, vector<128x16xf32>, vector<9000x16xf32> -> vector<9000x16xf32>
    %add3A_85 = arith.addf %add3A_74, %dot_general3A_84 : vector<9000x16xf32>
    %get3A_86 = arith.constant 139 : index
    %get3A_87 = arith.constant 0 : index
    %get3A_88 = vector.load %arg0[%get3A_86, %get3A_87] : memref<9144x128xf32, #tpu.memory_space<vmem>>, vector<9000x128xf32>
    %get3A_89 = arith.constant 8 : index
    %get3A_90 = arith.constant 0 : index
    %get3A_91 = arith.constant 0 : index
    %get3A_92 = vector.load %arg1[%get3A_89, %get3A_90, %get3A_91] : memref<9x128x16xf32, #tpu.memory_space<vmem>>, vector<1x128x16xf32>
    %get3A_93 = vector.shape_cast %get3A_92 : vector<1x128x16xf32> to vector<128x16xf32>
    %dot_general3A_94 = arith.constant dense<0.000000e+00> : vector<9000x16xf32>
    %dot_general3A_95 = tpu.matmul %get3A_88, %get3A_93, %dot_general3A_94 {dimension_numbers = #tpu.dot_dimension_numbers<[1], [0], [0], [1], [0, 0, 1, 1], [], []>, transpose_lhs_hint = false} : vector<9000x128xf32>, vector<128x16xf32>, vector<9000x16xf32> -> vector<9000x16xf32>
    %add3A_96 = arith.addf %add3A_85, %dot_general3A_95 : vector<9000x16xf32>
    %get3A_97 = arith.constant 0 : index
    %get3A_98 = vector.load %arg2[%get3A_97] : memref<16xf32, #tpu.memory_space<vmem>>, vector<16xf32>
    %broadcast_in_dim3A_99 = vector.shape_cast %get3A_98 : vector<16xf32> to vector<1x16xf32>
    %add3A_100 = vector.broadcast %broadcast_in_dim3A_99 : vector<1x16xf32> to vector<9000x16xf32>
    %add3A_101 = arith.addf %add3A_96, %add3A_100 : vector<9000x16xf32>
    %swap3A = arith.constant 0 : index
    %swap3A_102 = arith.constant 0 : index
    %swap3A_103 = vector.load %arg3[%swap3A, %swap3A_102] : memref<9000x16xf32, #tpu.memory_space<vmem>>, vector<9000x16xf32>
    tpu.vector_store %arg3[%swap3A, %swap3A_102], %add3A_101 {strides = array<i32>} : memref<9000x16xf32, #tpu.memory_space<vmem>>, vector<9000x16xf32>,
    return
  }
}

module attributes {stable_mosaic.version = 14 : i64} {
  func.func @_knn_body(%arg0: i32, %arg1: i32, %arg2: memref<1x8x8x64xf32, #tpu.memory_space<vmem>>, %arg3: memref<1x8x94x94xf32, #tpu.memory_space<vmem>>, %arg4: memref<1x1x14x8x64xi32, #tpu.memory_space<vmem>>, %arg5: memref<1024x8x64xf32, #tpu.memory_space<vmem>>) attributes {dimension_semantics = [#tpu.dimension_semantics<arbitrary>, #tpu.dimension_semantics<arbitrary>], iteration_bounds = array<i64: 4, 8>, scalar_prefetch = 0 : i64, scratch_operands = 1 : i64, tpu.core_type = #tpu.core_type<tc>, window_params = [{transform_indices = @transform_0, window_bounds = array<i64: 1, 8, 8, 64>}, {transform_indices = @transform_1, window_bounds = array<i64: 1, 8, 94, 94>}, {transform_indices = @transform_2, window_bounds = array<i64: 1, 1, 14, 8, 64>}]} {
    %mul3A = arith.constant 8 : i32
    %mul3A_0 = arith.muli %arg1, %mul3A : i32
    %get3A = arith.constant 0 : index
    %get3A_1 = arith.constant 0 : index
    %get3A_2 = arith.constant 0 : index
    %get3A_3 = arith.constant 0 : index
    %get3A_4 = vector.load %arg2[%get3A, %get3A_1, %get3A_2, %get3A_3] : memref<1x8x8x64xf32, #tpu.memory_space<vmem>>, vector<1x8x8x64xf32>
    %get3A_5 = vector.shape_cast %get3A_4 : vector<1x8x8x64xf32> to vector<8x8x64xf32>
    %scan3A = arith.constant 0 : i32
    %scan3A_6 = arith.constant 31 : i32
    %scan3A_7 = arith.addi %scan3A, %scan3A_6 : i32
    %scan3A_8 = arith.constant 1 : i32
    scf.for %scan3A_1166 = %scan3A to %scan3A_7 step %scan3A_8  : i32 {
      %add3A_1167 = arith.addi %mul3A_0, %scan3A_1166 : i32
      %get3A_1168 = arith.constant 0 : index
      %get3A_1169 = arith.constant 0 : index
      %get3A_1170 = arith.index_cast %add3A_1167 : i32 to index
      %get3A_1171 = arith.constant 0 : index
      %get3A_1172 = vector.load %arg3[%get3A_1168, %get3A_1169, %get3A_1170, %get3A_1171] : memref<1x8x94x94xf32, #tpu.memory_space<vmem>>, vector<1x8x8x94xf32>
      %get3A_1173 = vector.shape_cast %get3A_1172 : vector<1x8x8x94xf32> to vector<8x8x94xf32>
      %slice3A = vector.extract_strided_slice %get3A_1173 {offsets = [0, 0, 0], sizes = [8, 8, 64], strides = [1, 1, 1]} : vector<8x8x94xf32> to vector<8x8x64xf32>
      %sub3A_1174 = arith.subf %get3A_5, %slice3A : vector<8x8x64xf32>
      %mul3A_1175 = arith.mulf %sub3A_1174, %sub3A_1174 : vector<8x8x64xf32>
      %reduce_sum3A = arith.constant dense<0.000000e+00> : vector<8x64xf32>
      %reduce_sum3A_1176 = vector.multi_reduction <add>, %mul3A_1175, %reduce_sum3A [0] : vector<8x8x64xf32> to vector<8x64xf32>
      %mul3A_1177 = arith.constant 31 : i32
      %mul3A_1178 = arith.muli %scan3A_1166, %mul3A_1177 : i32
      %add3A_1179 = arith.constant 0 : i32
      %add3A_1180 = arith.addi %mul3A_1178, %add3A_1179 : i32
      %swap3A_1181 = arith.index_cast %add3A_1180 : i32 to index
      %swap3A_1182 = arith.constant 0 : index
      %swap3A_1183 = arith.constant 0 : index
      %swap3A_1184 = vector.load %arg5[%swap3A_1181, %swap3A_1182, %swap3A_1183] : memref<1024x8x64xf32, #tpu.memory_space<vmem>>, vector<1x8x64xf32>
      %swap3A_1185 = vector.shape_cast %swap3A_1184 : vector<1x8x64xf32> to vector<8x64xf32>
      %swap3A_1186 = vector.shape_cast %reduce_sum3A_1176 : vector<8x64xf32> to vector<1x8x64xf32>
      tpu.vector_store %arg5[%swap3A_1181, %swap3A_1182, %swap3A_1183], %swap3A_1186 {strides = array<i32>} : memref<1024x8x64xf32, #tpu.memory_space<vmem>>, vector<1x8x64xf32>,
      %slice3A_1187 = vector.extract_strided_slice %get3A_1173 {offsets = [0, 0, 1], sizes = [8, 8, 64], strides = [1, 1, 1]} : vector<8x8x94xf32> to vector<8x8x64xf32>
      %sub3A_1188 = arith.subf %get3A_5, %slice3A_1187 : vector<8x8x64xf32>
      %mul3A_1189 = arith.mulf %sub3A_1188, %sub3A_1188 : vector<8x8x64xf32>
      %reduce_sum3A_1190 = arith.constant dense<0.000000e+00> : vector<8x64xf32>
      %reduce_sum3A_1191 = vector.multi_reduction <add>, %mul3A_1189, %reduce_sum3A_1190 [0] : vector<8x8x64xf32> to vector<8x64xf32>
      %mul3A_1192 = arith.constant 31 : i32
      %mul3A_1193 = arith.muli %scan3A_1166, %mul3A_1192 : i32
      %add3A_1194 = arith.constant 1 : i32
      %add3A_1195 = arith.addi %mul3A_1193, %add3A_1194 : i32
      %swap3A_1196 = arith.index_cast %add3A_1195 : i32 to index
      %swap3A_1197 = arith.constant 0 : index
      %swap3A_1198 = arith.constant 0 : index
      %swap3A_1199 = vector.load %arg5[%swap3A_1196, %swap3A_1197, %swap3A_1198] : memref<1024x8x64xf32, #tpu.memory_space<vmem>>, vector<1x8x64xf32>
      %swap3A_1200 = vector.shape_cast %swap3A_1199 : vector<1x8x64xf32> to vector<8x64xf32>
      %swap3A_1201 = vector.shape_cast %reduce_sum3A_1191 : vector<8x64xf32> to vector<1x8x64xf32>
      tpu.vector_store %arg5[%swap3A_1196, %swap3A_1197, %swap3A_1198], %swap3A_1201 {strides = array<i32>} : memref<1024x8x64xf32, #tpu.memory_space<vmem>>, vector<1x8x64xf32>,
      %slice3A_1202 = vector.extract_strided_slice %get3A_1173 {offsets = [0, 0, 2], sizes = [8, 8, 64], strides = [1, 1, 1]} : vector<8x8x94xf32> to vector<8x8x64xf32>
      %sub3A_1203 = arith.subf %get3A_5, %slice3A_1202 : vector<8x8x64xf32>
      %mul3A_1204 = arith.mulf %sub3A_1203, %sub3A_1203 : vector<8x8x64xf32>
      %reduce_sum3A_1205 = arith.constant dense<0.000000e+00> : vector<8x64xf32>
      %reduce_sum3A_1206 = vector.multi_reduction <add>, %mul3A_1204, %reduce_sum3A_1205 [0] : vector<8x8x64xf32> to vector<8x64xf32>
      %mul3A_1207 = arith.constant 31 : i32
      %mul3A_1208 = arith.muli %scan3A_1166, %mul3A_1207 : i32
      %add3A_1209 = arith.constant 2 : i32
      %add3A_1210 = arith.addi %mul3A_1208, %add3A_1209 : i32
      %swap3A_1211 = arith.index_cast %add3A_1210 : i32 to index
      %swap3A_1212 = arith.constant 0 : index
      %swap3A_1213 = arith.constant 0 : index
      %swap3A_1214 = vector.load %arg5[%swap3A_1211, %swap3A_1212, %swap3A_1213] : memref<1024x8x64xf32, #tpu.memory_space<vmem>>, vector<1x8x64xf32>
      %swap3A_1215 = vector.shape_cast %swap3A_1214 : vector<1x8x64xf32> to vector<8x64xf32>
      %swap3A_1216 = vector.shape_cast %reduce_sum3A_1206 : vector<8x64xf32> to vector<1x8x64xf32>
      tpu.vector_store %arg5[%swap3A_1211, %swap3A_1212, %swap3A_1213], %swap3A_1216 {strides = array<i32>} : memref<1024x8x64xf32, #tpu.memory_space<vmem>>, vector<1x8x64xf32>,
      %slice3A_1217 = vector.extract_strided_slice %get3A_1173 {offsets = [0, 0, 3], sizes = [8, 8, 64], strides = [1, 1, 1]} : vector<8x8x94xf32> to vector<8x8x64xf32>
      %sub3A_1218 = arith.subf %get3A_5, %slice3A_1217 : vector<8x8x64xf32>
      %mul3A_1219 = arith.mulf %sub3A_1218, %sub3A_1218 : vector<8x8x64xf32>
      %reduce_sum3A_1220 = arith.constant dense<0.000000e+00> : vector<8x64xf32>
      %reduce_sum3A_1221 = vector.multi_reduction <add>, %mul3A_1219, %reduce_sum3A_1220 [0] : vector<8x8x64xf32> to vector<8x64xf32>
      %mul3A_1222 = arith.constant 31 : i32
      %mul3A_1223 = arith.muli %scan3A_1166, %mul3A_1222 : i32
      %add3A_1224 = arith.constant 3 : i32
      %add3A_1225 = arith.addi %mul3A_1223, %add3A_1224 : i32
      %swap3A_1226 = arith.index_cast %add3A_1225 : i32 to index
      %swap3A_1227 = arith.constant 0 : index
      %swap3A_1228 = arith.constant 0 : index
      %swap3A_1229 = vector.load %arg5[%swap3A_1226, %swap3A_1227, %swap3A_1228] : memref<1024x8x64xf32, #tpu.memory_space<vmem>>, vector<1x8x64xf32>
      %swap3A_1230 = vector.shape_cast %swap3A_1229 : vector<1x8x64xf32> to vector<8x64xf32>
      %swap3A_1231 = vector.shape_cast %reduce_sum3A_1221 : vector<8x64xf32> to vector<1x8x64xf32>
      tpu.vector_store %arg5[%swap3A_1226, %swap3A_1227, %swap3A_1228], %swap3A_1231 {strides = array<i32>} : memref<1024x8x64xf32, #tpu.memory_space<vmem>>, vector<1x8x64xf32>,
      %slice3A_1232 = vector.extract_strided_slice %get3A_1173 {offsets = [0, 0, 4], sizes = [8, 8, 64], strides = [1, 1, 1]} : vector<8x8x94xf32> to vector<8x8x64xf32>
      %sub3A_1233 = arith.subf %get3A_5, %slice3A_1232 : vector<8x8x64xf32>
      %mul3A_1234 = arith.mulf %sub3A_1233, %sub3A_1233 : vector<8x8x64xf32>
      %reduce_sum3A_1235 = arith.constant dense<0.000000e+00> : vector<8x64xf32>
      %reduce_sum3A_1236 = vector.multi_reduction <add>, %mul3A_1234, %reduce_sum3A_1235 [0] : vector<8x8x64xf32> to vector<8x64xf32>
      %mul3A_1237 = arith.constant 31 : i32
      %mul3A_1238 = arith.muli %scan3A_1166, %mul3A_1237 : i32
      %add3A_1239 = arith.constant 4 : i32
      %add3A_1240 = arith.addi %mul3A_1238, %add3A_1239 : i32
      %swap3A_1241 = arith.index_cast %add3A_1240 : i32 to index
      %swap3A_1242 = arith.constant 0 : index
      %swap3A_1243 = arith.constant 0 : index
      %swap3A_1244 = vector.load %arg5[%swap3A_1241, %swap3A_1242, %swap3A_1243] : memref<1024x8x64xf32, #tpu.memory_space<vmem>>, vector<1x8x64xf32>
      %swap3A_1245 = vector.shape_cast %swap3A_1244 : vector<1x8x64xf32> to vector<8x64xf32>
      %swap3A_1246 = vector.shape_cast %reduce_sum3A_1236 : vector<8x64xf32> to vector<1x8x64xf32>
      tpu.vector_store %arg5[%swap3A_1241, %swap3A_1242, %swap3A_1243], %swap3A_1246 {strides = array<i32>} : memref<1024x8x64xf32, #tpu.memory_space<vmem>>, vector<1x8x64xf32>,
      %slice3A_1247 = vector.extract_strided_slice %get3A_1173 {offsets = [0, 0, 5], sizes = [8, 8, 64], strides = [1, 1, 1]} : vector<8x8x94xf32> to vector<8x8x64xf32>
      %sub3A_1248 = arith.subf %get3A_5, %slice3A_1247 : vector<8x8x64xf32>
      %mul3A_1249 = arith.mulf %sub3A_1248, %sub3A_1248 : vector<8x8x64xf32>
      %reduce_sum3A_1250 = arith.constant dense<0.000000e+00> : vector<8x64xf32>
      %reduce_sum3A_1251 = vector.multi_reduction <add>, %mul3A_1249, %reduce_sum3A_1250 [0] : vector<8x8x64xf32> to vector<8x64xf32>
      %mul3A_1252 = arith.constant 31 : i32
      %mul3A_1253 = arith.muli %scan3A_1166, %mul3A_1252 : i32
      %add3A_1254 = arith.constant 5 : i32
      %add3A_1255 = arith.addi %mul3A_1253, %add3A_1254 : i32
      %swap3A_1256 = arith.index_cast %add3A_1255 : i32 to index
      %swap3A_1257 = arith.constant 0 : index
      %swap3A_1258 = arith.constant 0 : index
      %swap3A_1259 = vector.load %arg5[%swap3A_1256, %swap3A_1257, %swap3A_1258] : memref<1024x8x64xf32, #tpu.memory_space<vmem>>, vector<1x8x64xf32>
      %swap3A_1260 = vector.shape_cast %swap3A_1259 : vector<1x8x64xf32> to vector<8x64xf32>
      %swap3A_1261 = vector.shape_cast %reduce_sum3A_1251 : vector<8x64xf32> to vector<1x8x64xf32>
      tpu.vector_store %arg5[%swap3A_1256, %swap3A_1257, %swap3A_1258], %swap3A_1261 {strides = array<i32>} : memref<1024x8x64xf32, #tpu.memory_space<vmem>>, vector<1x8x64xf32>,
      %slice3A_1262 = vector.extract_strided_slice %get3A_1173 {offsets = [0, 0, 6], sizes = [8, 8, 64], strides = [1, 1, 1]} : vector<8x8x94xf32> to vector<8x8x64xf32>
      %sub3A_1263 = arith.subf %get3A_5, %slice3A_1262 : vector<8x8x64xf32>
      %mul3A_1264 = arith.mulf %sub3A_1263, %sub3A_1263 : vector<8x8x64xf32>
      %reduce_sum3A_1265 = arith.constant dense<0.000000e+00> : vector<8x64xf32>
      %reduce_sum3A_1266 = vector.multi_reduction <add>, %mul3A_1264, %reduce_sum3A_1265 [0] : vector<8x8x64xf32> to vector<8x64xf32>
      %mul3A_1267 = arith.constant 31 : i32
      %mul3A_1268 = arith.muli %scan3A_1166, %mul3A_1267 : i32
      %add3A_1269 = arith.constant 6 : i32
      %add3A_1270 = arith.addi %mul3A_1268, %add3A_1269 : i32
      %swap3A_1271 = arith.index_cast %add3A_1270 : i32 to index
      %swap3A_1272 = arith.constant 0 : index
      %swap3A_1273 = arith.constant 0 : index
      %swap3A_1274 = vector.load %arg5[%swap3A_1271, %swap3A_1272, %swap3A_1273] : memref<1024x8x64xf32, #tpu.memory_space<vmem>>, vector<1x8x64xf32>
      %swap3A_1275 = vector.shape_cast %swap3A_1274 : vector<1x8x64xf32> to vector<8x64xf32>
      %swap3A_1276 = vector.shape_cast %reduce_sum3A_1266 : vector<8x64xf32> to vector<1x8x64xf32>
      tpu.vector_store %arg5[%swap3A_1271, %swap3A_1272, %swap3A_1273], %swap3A_1276 {strides = array<i32>} : memref<1024x8x64xf32, #tpu.memory_space<vmem>>, vector<1x8x64xf32>,
      %slice3A_1277 = vector.extract_strided_slice %get3A_1173 {offsets = [0, 0, 7], sizes = [8, 8, 64], strides = [1, 1, 1]} : vector<8x8x94xf32> to vector<8x8x64xf32>
      %sub3A_1278 = arith.subf %get3A_5, %slice3A_1277 : vector<8x8x64xf32>
      %mul3A_1279 = arith.mulf %sub3A_1278, %sub3A_1278 : vector<8x8x64xf32>
      %reduce_sum3A_1280 = arith.constant dense<0.000000e+00> : vector<8x64xf32>
      %reduce_sum3A_1281 = vector.multi_reduction <add>, %mul3A_1279, %reduce_sum3A_1280 [0] : vector<8x8x64xf32> to vector<8x64xf32>
      %mul3A_1282 = arith.constant 31 : i32
      %mul3A_1283 = arith.muli %scan3A_1166, %mul3A_1282 : i32
      %add3A_1284 = arith.constant 7 : i32
      %add3A_1285 = arith.addi %mul3A_1283, %add3A_1284 : i32
      %swap3A_1286 = arith.index_cast %add3A_1285 : i32 to index
      %swap3A_1287 = arith.constant 0 : index
      %swap3A_1288 = arith.constant 0 : index
      %swap3A_1289 = vector.load %arg5[%swap3A_1286, %swap3A_1287, %swap3A_1288] : memref<1024x8x64xf32, #tpu.memory_space<vmem>>, vector<1x8x64xf32>
      %swap3A_1290 = vector.shape_cast %swap3A_1289 : vector<1x8x64xf32> to vector<8x64xf32>
      %swap3A_1291 = vector.shape_cast %reduce_sum3A_1281 : vector<8x64xf32> to vector<1x8x64xf32>
      tpu.vector_store %arg5[%swap3A_1286, %swap3A_1287, %swap3A_1288], %swap3A_1291 {strides = array<i32>} : memref<1024x8x64xf32, #tpu.memory_space<vmem>>, vector<1x8x64xf32>,
      %slice3A_1292 = vector.extract_strided_slice %get3A_1173 {offsets = [0, 0, 8], sizes = [8, 8, 64], strides = [1, 1, 1]} : vector<8x8x94xf32> to vector<8x8x64xf32>
      %sub3A_1293 = arith.subf %get3A_5, %slice3A_1292 : vector<8x8x64xf32>
      %mul3A_1294 = arith.mulf %sub3A_1293, %sub3A_1293 : vector<8x8x64xf32>
      %reduce_sum3A_1295 = arith.constant dense<0.000000e+00> : vector<8x64xf32>
      %reduce_sum3A_1296 = vector.multi_reduction <add>, %mul3A_1294, %reduce_sum3A_1295 [0] : vector<8x8x64xf32> to vector<8x64xf32>
      %mul3A_1297 = arith.constant 31 : i32
      %mul3A_1298 = arith.muli %scan3A_1166, %mul3A_1297 : i32
      %add3A_1299 = arith.constant 8 : i32
      %add3A_1300 = arith.addi %mul3A_1298, %add3A_1299 : i32
      %swap3A_1301 = arith.index_cast %add3A_1300 : i32 to index
      %swap3A_1302 = arith.constant 0 : index
      %swap3A_1303 = arith.constant 0 : index
      %swap3A_1304 = vector.load %arg5[%swap3A_1301, %swap3A_1302, %swap3A_1303] : memref<1024x8x64xf32, #tpu.memory_space<vmem>>, vector<1x8x64xf32>
      %swap3A_1305 = vector.shape_cast %swap3A_1304 : vector<1x8x64xf32> to vector<8x64xf32>
      %swap3A_1306 = vector.shape_cast %reduce_sum3A_1296 : vector<8x64xf32> to vector<1x8x64xf32>
      tpu.vector_store %arg5[%swap3A_1301, %swap3A_1302, %swap3A_1303], %swap3A_1306 {strides = array<i32>} : memref<1024x8x64xf32, #tpu.memory_space<vmem>>, vector<1x8x64xf32>,
      %slice3A_1307 = vector.extract_strided_slice %get3A_1173 {offsets = [0, 0, 9], sizes = [8, 8, 64], strides = [1, 1, 1]} : vector<8x8x94xf32> to vector<8x8x64xf32>
      %sub3A_1308 = arith.subf %get3A_5, %slice3A_1307 : vector<8x8x64xf32>
      %mul3A_1309 = arith.mulf %sub3A_1308, %sub3A_1308 : vector<8x8x64xf32>
      %reduce_sum3A_1310 = arith.constant dense<0.000000e+00> : vector<8x64xf32>
      %reduce_sum3A_1311 = vector.multi_reduction <add>, %mul3A_1309, %reduce_sum3A_1310 [0] : vector<8x8x64xf32> to vector<8x64xf32>
      %mul3A_1312 = arith.constant 31 : i32
      %mul3A_1313 = arith.muli %scan3A_1166, %mul3A_1312 : i32
      %add3A_1314 = arith.constant 9 : i32
      %add3A_1315 = arith.addi %mul3A_1313, %add3A_1314 : i32
      %swap3A_1316 = arith.index_cast %add3A_1315 : i32 to index
      %swap3A_1317 = arith.constant 0 : index
      %swap3A_1318 = arith.constant 0 : index
      %swap3A_1319 = vector.load %arg5[%swap3A_1316, %swap3A_1317, %swap3A_1318] : memref<1024x8x64xf32, #tpu.memory_space<vmem>>, vector<1x8x64xf32>
      %swap3A_1320 = vector.shape_cast %swap3A_1319 : vector<1x8x64xf32> to vector<8x64xf32>
      %swap3A_1321 = vector.shape_cast %reduce_sum3A_1311 : vector<8x64xf32> to vector<1x8x64xf32>
      tpu.vector_store %arg5[%swap3A_1316, %swap3A_1317, %swap3A_1318], %swap3A_1321 {strides = array<i32>} : memref<1024x8x64xf32, #tpu.memory_space<vmem>>, vector<1x8x64xf32>,
      %slice3A_1322 = vector.extract_strided_slice %get3A_1173 {offsets = [0, 0, 10], sizes = [8, 8, 64], strides = [1, 1, 1]} : vector<8x8x94xf32> to vector<8x8x64xf32>
      %sub3A_1323 = arith.subf %get3A_5, %slice3A_1322 : vector<8x8x64xf32>
      %mul3A_1324 = arith.mulf %sub3A_1323, %sub3A_1323 : vector<8x8x64xf32>
      %reduce_sum3A_1325 = arith.constant dense<0.000000e+00> : vector<8x64xf32>
      %reduce_sum3A_1326 = vector.multi_reduction <add>, %mul3A_1324, %reduce_sum3A_1325 [0] : vector<8x8x64xf32> to vector<8x64xf32>
      %mul3A_1327 = arith.constant 31 : i32
      %mul3A_1328 = arith.muli %scan3A_1166, %mul3A_1327 : i32
      %add3A_1329 = arith.constant 10 : i32
      %add3A_1330 = arith.addi %mul3A_1328, %add3A_1329 : i32
      %swap3A_1331 = arith.index_cast %add3A_1330 : i32 to index
      %swap3A_1332 = arith.constant 0 : index
      %swap3A_1333 = arith.constant 0 : index
      %swap3A_1334 = vector.load %arg5[%swap3A_1331, %swap3A_1332, %swap3A_1333] : memref<1024x8x64xf32, #tpu.memory_space<vmem>>, vector<1x8x64xf32>
      %swap3A_1335 = vector.shape_cast %swap3A_1334 : vector<1x8x64xf32> to vector<8x64xf32>
      %swap3A_1336 = vector.shape_cast %reduce_sum3A_1326 : vector<8x64xf32> to vector<1x8x64xf32>
      tpu.vector_store %arg5[%swap3A_1331, %swap3A_1332, %swap3A_1333], %swap3A_1336 {strides = array<i32>} : memref<1024x8x64xf32, #tpu.memory_space<vmem>>, vector<1x8x64xf32>,
      %slice3A_1337 = vector.extract_strided_slice %get3A_1173 {offsets = [0, 0, 11], sizes = [8, 8, 64], strides = [1, 1, 1]} : vector<8x8x94xf32> to vector<8x8x64xf32>
      %sub3A_1338 = arith.subf %get3A_5, %slice3A_1337 : vector<8x8x64xf32>
      %mul3A_1339 = arith.mulf %sub3A_1338, %sub3A_1338 : vector<8x8x64xf32>
      %reduce_sum3A_1340 = arith.constant dense<0.000000e+00> : vector<8x64xf32>
      %reduce_sum3A_1341 = vector.multi_reduction <add>, %mul3A_1339, %reduce_sum3A_1340 [0] : vector<8x8x64xf32> to vector<8x64xf32>
      %mul3A_1342 = arith.constant 31 : i32
      %mul3A_1343 = arith.muli %scan3A_1166, %mul3A_1342 : i32
      %add3A_1344 = arith.constant 11 : i32
      %add3A_1345 = arith.addi %mul3A_1343, %add3A_1344 : i32
      %swap3A_1346 = arith.index_cast %add3A_1345 : i32 to index
      %swap3A_1347 = arith.constant 0 : index
      %swap3A_1348 = arith.constant 0 : index
      %swap3A_1349 = vector.load %arg5[%swap3A_1346, %swap3A_1347, %swap3A_1348] : memref<1024x8x64xf32, #tpu.memory_space<vmem>>, vector<1x8x64xf32>
      %swap3A_1350 = vector.shape_cast %swap3A_1349 : vector<1x8x64xf32> to vector<8x64xf32>
      %swap3A_1351 = vector.shape_cast %reduce_sum3A_1341 : vector<8x64xf32> to vector<1x8x64xf32>
      tpu.vector_store %arg5[%swap3A_1346, %swap3A_1347, %swap3A_1348], %swap3A_1351 {strides = array<i32>} : memref<1024x8x64xf32, #tpu.memory_space<vmem>>, vector<1x8x64xf32>,
      %slice3A_1352 = vector.extract_strided_slice %get3A_1173 {offsets = [0, 0, 12], sizes = [8, 8, 64], strides = [1, 1, 1]} : vector<8x8x94xf32> to vector<8x8x64xf32>
      %sub3A_1353 = arith.subf %get3A_5, %slice3A_1352 : vector<8x8x64xf32>
      %mul3A_1354 = arith.mulf %sub3A_1353, %sub3A_1353 : vector<8x8x64xf32>
      %reduce_sum3A_1355 = arith.constant dense<0.000000e+00> : vector<8x64xf32>
      %reduce_sum3A_1356 = vector.multi_reduction <add>, %mul3A_1354, %reduce_sum3A_1355 [0] : vector<8x8x64xf32> to vector<8x64xf32>
      %mul3A_1357 = arith.constant 31 : i32
      %mul3A_1358 = arith.muli %scan3A_1166, %mul3A_1357 : i32
      %add3A_1359 = arith.constant 12 : i32
      %add3A_1360 = arith.addi %mul3A_1358, %add3A_1359 : i32
      %swap3A_1361 = arith.index_cast %add3A_1360 : i32 to index
      %swap3A_1362 = arith.constant 0 : index
      %swap3A_1363 = arith.constant 0 : index
      %swap3A_1364 = vector.load %arg5[%swap3A_1361, %swap3A_1362, %swap3A_1363] : memref<1024x8x64xf32, #tpu.memory_space<vmem>>, vector<1x8x64xf32>
      %swap3A_1365 = vector.shape_cast %swap3A_1364 : vector<1x8x64xf32> to vector<8x64xf32>
      %swap3A_1366 = vector.shape_cast %reduce_sum3A_1356 : vector<8x64xf32> to vector<1x8x64xf32>
      tpu.vector_store %arg5[%swap3A_1361, %swap3A_1362, %swap3A_1363], %swap3A_1366 {strides = array<i32>} : memref<1024x8x64xf32, #tpu.memory_space<vmem>>, vector<1x8x64xf32>,
      %slice3A_1367 = vector.extract_strided_slice %get3A_1173 {offsets = [0, 0, 13], sizes = [8, 8, 64], strides = [1, 1, 1]} : vector<8x8x94xf32> to vector<8x8x64xf32>
      %sub3A_1368 = arith.subf %get3A_5, %slice3A_1367 : vector<8x8x64xf32>
      %mul3A_1369 = arith.mulf %sub3A_1368, %sub3A_1368 : vector<8x8x64xf32>
      %reduce_sum3A_1370 = arith.constant dense<0.000000e+00> : vector<8x64xf32>
      %reduce_sum3A_1371 = vector.multi_reduction <add>, %mul3A_1369, %reduce_sum3A_1370 [0] : vector<8x8x64xf32> to vector<8x64xf32>
      %mul3A_1372 = arith.constant 31 : i32
      %mul3A_1373 = arith.muli %scan3A_1166, %mul3A_1372 : i32
      %add3A_1374 = arith.constant 13 : i32
      %add3A_1375 = arith.addi %mul3A_1373, %add3A_1374 : i32
      %swap3A_1376 = arith.index_cast %add3A_1375 : i32 to index
      %swap3A_1377 = arith.constant 0 : index
      %swap3A_1378 = arith.constant 0 : index
      %swap3A_1379 = vector.load %arg5[%swap3A_1376, %swap3A_1377, %swap3A_1378] : memref<1024x8x64xf32, #tpu.memory_space<vmem>>, vector<1x8x64xf32>
      %swap3A_1380 = vector.shape_cast %swap3A_1379 : vector<1x8x64xf32> to vector<8x64xf32>
      %swap3A_1381 = vector.shape_cast %reduce_sum3A_1371 : vector<8x64xf32> to vector<1x8x64xf32>
      tpu.vector_store %arg5[%swap3A_1376, %swap3A_1377, %swap3A_1378], %swap3A_1381 {strides = array<i32>} : memref<1024x8x64xf32, #tpu.memory_space<vmem>>, vector<1x8x64xf32>,
      %slice3A_1382 = vector.extract_strided_slice %get3A_1173 {offsets = [0, 0, 14], sizes = [8, 8, 64], strides = [1, 1, 1]} : vector<8x8x94xf32> to vector<8x8x64xf32>
      %sub3A_1383 = arith.subf %get3A_5, %slice3A_1382 : vector<8x8x64xf32>
      %mul3A_1384 = arith.mulf %sub3A_1383, %sub3A_1383 : vector<8x8x64xf32>
      %reduce_sum3A_1385 = arith.constant dense<0.000000e+00> : vector<8x64xf32>
      %reduce_sum3A_1386 = vector.multi_reduction <add>, %mul3A_1384, %reduce_sum3A_1385 [0] : vector<8x8x64xf32> to vector<8x64xf32>
      %mul3A_1387 = arith.constant 31 : i32
      %mul3A_1388 = arith.muli %scan3A_1166, %mul3A_1387 : i32
      %add3A_1389 = arith.constant 14 : i32
      %add3A_1390 = arith.addi %mul3A_1388, %add3A_1389 : i32
      %swap3A_1391 = arith.index_cast %add3A_1390 : i32 to index
      %swap3A_1392 = arith.constant 0 : index
      %swap3A_1393 = arith.constant 0 : index
      %swap3A_1394 = vector.load %arg5[%swap3A_1391, %swap3A_1392, %swap3A_1393] : memref<1024x8x64xf32, #tpu.memory_space<vmem>>, vector<1x8x64xf32>
      %swap3A_1395 = vector.shape_cast %swap3A_1394 : vector<1x8x64xf32> to vector<8x64xf32>
      %swap3A_1396 = vector.shape_cast %reduce_sum3A_1386 : vector<8x64xf32> to vector<1x8x64xf32>
      tpu.vector_store %arg5[%swap3A_1391, %swap3A_1392, %swap3A_1393], %swap3A_1396 {strides = array<i32>} : memref<1024x8x64xf32, #tpu.memory_space<vmem>>, vector<1x8x64xf32>,
      %slice3A_1397 = vector.extract_strided_slice %get3A_1173 {offsets = [0, 0, 15], sizes = [8, 8, 64], strides = [1, 1, 1]} : vector<8x8x94xf32> to vector<8x8x64xf32>
      %sub3A_1398 = arith.subf %get3A_5, %slice3A_1397 : vector<8x8x64xf32>
      %mul3A_1399 = arith.mulf %sub3A_1398, %sub3A_1398 : vector<8x8x64xf32>
      %reduce_sum3A_1400 = arith.constant dense<0.000000e+00> : vector<8x64xf32>
      %reduce_sum3A_1401 = vector.multi_reduction <add>, %mul3A_1399, %reduce_sum3A_1400 [0] : vector<8x8x64xf32> to vector<8x64xf32>
      %mul3A_1402 = arith.constant 31 : i32
      %mul3A_1403 = arith.muli %scan3A_1166, %mul3A_1402 : i32
      %add3A_1404 = arith.constant 15 : i32
      %add3A_1405 = arith.addi %mul3A_1403, %add3A_1404 : i32
      %swap3A_1406 = arith.index_cast %add3A_1405 : i32 to index
      %swap3A_1407 = arith.constant 0 : index
      %swap3A_1408 = arith.constant 0 : index
      %swap3A_1409 = vector.load %arg5[%swap3A_1406, %swap3A_1407, %swap3A_1408] : memref<1024x8x64xf32, #tpu.memory_space<vmem>>, vector<1x8x64xf32>
      %swap3A_1410 = vector.shape_cast %swap3A_1409 : vector<1x8x64xf32> to vector<8x64xf32>
      %swap3A_1411 = vector.shape_cast %reduce_sum3A_1401 : vector<8x64xf32> to vector<1x8x64xf32>
      tpu.vector_store %arg5[%swap3A_1406, %swap3A_1407, %swap3A_1408], %swap3A_1411 {strides = array<i32>} : memref<1024x8x64xf32, #tpu.memory_space<vmem>>, vector<1x8x64xf32>,
      %slice3A_1412 = vector.extract_strided_slice %get3A_1173 {offsets = [0, 0, 16], sizes = [8, 8, 64], strides = [1, 1, 1]} : vector<8x8x94xf32> to vector<8x8x64xf32>
      %sub3A_1413 = arith.subf %get3A_5, %slice3A_1412 : vector<8x8x64xf32>
      %mul3A_1414 = arith.mulf %sub3A_1413, %sub3A_1413 : vector<8x8x64xf32>
      %reduce_sum3A_1415 = arith.constant dense<0.000000e+00> : vector<8x64xf32>
      %reduce_sum3A_1416 = vector.multi_reduction <add>, %mul3A_1414, %reduce_sum3A_1415 [0] : vector<8x8x64xf32> to vector<8x64xf32>
      %mul3A_1417 = arith.constant 31 : i32
      %mul3A_1418 = arith.muli %scan3A_1166, %mul3A_1417 : i32
      %add3A_1419 = arith.constant 16 : i32
      %add3A_1420 = arith.addi %mul3A_1418, %add3A_1419 : i32
      %swap3A_1421 = arith.index_cast %add3A_1420 : i32 to index
      %swap3A_1422 = arith.constant 0 : index
      %swap3A_1423 = arith.constant 0 : index
      %swap3A_1424 = vector.load %arg5[%swap3A_1421, %swap3A_1422, %swap3A_1423] : memref<1024x8x64xf32, #tpu.memory_space<vmem>>, vector<1x8x64xf32>
      %swap3A_1425 = vector.shape_cast %swap3A_1424 : vector<1x8x64xf32> to vector<8x64xf32>
      %swap3A_1426 = vector.shape_cast %reduce_sum3A_1416 : vector<8x64xf32> to vector<1x8x64xf32>
      tpu.vector_store %arg5[%swap3A_1421, %swap3A_1422, %swap3A_1423], %swap3A_1426 {strides = array<i32>} : memref<1024x8x64xf32, #tpu.memory_space<vmem>>, vector<1x8x64xf32>,
      %slice3A_1427 = vector.extract_strided_slice %get3A_1173 {offsets = [0, 0, 17], sizes = [8, 8, 64], strides = [1, 1, 1]} : vector<8x8x94xf32> to vector<8x8x64xf32>
      %sub3A_1428 = arith.subf %get3A_5, %slice3A_1427 : vector<8x8x64xf32>
      %mul3A_1429 = arith.mulf %sub3A_1428, %sub3A_1428 : vector<8x8x64xf32>
      %reduce_sum3A_1430 = arith.constant dense<0.000000e+00> : vector<8x64xf32>
      %reduce_sum3A_1431 = vector.multi_reduction <add>, %mul3A_1429, %reduce_sum3A_1430 [0] : vector<8x8x64xf32> to vector<8x64xf32>
      %mul3A_1432 = arith.constant 31 : i32
      %mul3A_1433 = arith.muli %scan3A_1166, %mul3A_1432 : i32
      %add3A_1434 = arith.constant 17 : i32
      %add3A_1435 = arith.addi %mul3A_1433, %add3A_1434 : i32
      %swap3A_1436 = arith.index_cast %add3A_1435 : i32 to index
      %swap3A_1437 = arith.constant 0 : index
      %swap3A_1438 = arith.constant 0 : index
      %swap3A_1439 = vector.load %arg5[%swap3A_1436, %swap3A_1437, %swap3A_1438] : memref<1024x8x64xf32, #tpu.memory_space<vmem>>, vector<1x8x64xf32>
      %swap3A_1440 = vector.shape_cast %swap3A_1439 : vector<1x8x64xf32> to vector<8x64xf32>
      %swap3A_1441 = vector.shape_cast %reduce_sum3A_1431 : vector<8x64xf32> to vector<1x8x64xf32>
      tpu.vector_store %arg5[%swap3A_1436, %swap3A_1437, %swap3A_1438], %swap3A_1441 {strides = array<i32>} : memref<1024x8x64xf32, #tpu.memory_space<vmem>>, vector<1x8x64xf32>,
      %slice3A_1442 = vector.extract_strided_slice %get3A_1173 {offsets = [0, 0, 18], sizes = [8, 8, 64], strides = [1, 1, 1]} : vector<8x8x94xf32> to vector<8x8x64xf32>
      %sub3A_1443 = arith.subf %get3A_5, %slice3A_1442 : vector<8x8x64xf32>
      %mul3A_1444 = arith.mulf %sub3A_1443, %sub3A_1443 : vector<8x8x64xf32>
      %reduce_sum3A_1445 = arith.constant dense<0.000000e+00> : vector<8x64xf32>
      %reduce_sum3A_1446 = vector.multi_reduction <add>, %mul3A_1444, %reduce_sum3A_1445 [0] : vector<8x8x64xf32> to vector<8x64xf32>
      %mul3A_1447 = arith.constant 31 : i32
      %mul3A_1448 = arith.muli %scan3A_1166, %mul3A_1447 : i32
      %add3A_1449 = arith.constant 18 : i32
      %add3A_1450 = arith.addi %mul3A_1448, %add3A_1449 : i32
      %swap3A_1451 = arith.index_cast %add3A_1450 : i32 to index
      %swap3A_1452 = arith.constant 0 : index
      %swap3A_1453 = arith.constant 0 : index
      %swap3A_1454 = vector.load %arg5[%swap3A_1451, %swap3A_1452, %swap3A_1453] : memref<1024x8x64xf32, #tpu.memory_space<vmem>>, vector<1x8x64xf32>
      %swap3A_1455 = vector.shape_cast %swap3A_1454 : vector<1x8x64xf32> to vector<8x64xf32>
      %swap3A_1456 = vector.shape_cast %reduce_sum3A_1446 : vector<8x64xf32> to vector<1x8x64xf32>
      tpu.vector_store %arg5[%swap3A_1451, %swap3A_1452, %swap3A_1453], %swap3A_1456 {strides = array<i32>} : memref<1024x8x64xf32, #tpu.memory_space<vmem>>, vector<1x8x64xf32>,
      %slice3A_1457 = vector.extract_strided_slice %get3A_1173 {offsets = [0, 0, 19], sizes = [8, 8, 64], strides = [1, 1, 1]} : vector<8x8x94xf32> to vector<8x8x64xf32>
      %sub3A_1458 = arith.subf %get3A_5, %slice3A_1457 : vector<8x8x64xf32>
      %mul3A_1459 = arith.mulf %sub3A_1458, %sub3A_1458 : vector<8x8x64xf32>
      %reduce_sum3A_1460 = arith.constant dense<0.000000e+00> : vector<8x64xf32>
      %reduce_sum3A_1461 = vector.multi_reduction <add>, %mul3A_1459, %reduce_sum3A_1460 [0] : vector<8x8x64xf32> to vector<8x64xf32>
      %mul3A_1462 = arith.constant 31 : i32
      %mul3A_1463 = arith.muli %scan3A_1166, %mul3A_1462 : i32
      %add3A_1464 = arith.constant 19 : i32
      %add3A_1465 = arith.addi %mul3A_1463, %add3A_1464 : i32
      %swap3A_1466 = arith.index_cast %add3A_1465 : i32 to index
      %swap3A_1467 = arith.constant 0 : index
      %swap3A_1468 = arith.constant 0 : index
      %swap3A_1469 = vector.load %arg5[%swap3A_1466, %swap3A_1467, %swap3A_1468] : memref<1024x8x64xf32, #tpu.memory_space<vmem>>, vector<1x8x64xf32>
      %swap3A_1470 = vector.shape_cast %swap3A_1469 : vector<1x8x64xf32> to vector<8x64xf32>
      %swap3A_1471 = vector.shape_cast %reduce_sum3A_1461 : vector<8x64xf32> to vector<1x8x64xf32>
      tpu.vector_store %arg5[%swap3A_1466, %swap3A_1467, %swap3A_1468], %swap3A_1471 {strides = array<i32>} : memref<1024x8x64xf32, #tpu.memory_space<vmem>>, vector<1x8x64xf32>,
      %slice3A_1472 = vector.extract_strided_slice %get3A_1173 {offsets = [0, 0, 20], sizes = [8, 8, 64], strides = [1, 1, 1]} : vector<8x8x94xf32> to vector<8x8x64xf32>
      %sub3A_1473 = arith.subf %get3A_5, %slice3A_1472 : vector<8x8x64xf32>
      %mul3A_1474 = arith.mulf %sub3A_1473, %sub3A_1473 : vector<8x8x64xf32>
      %reduce_sum3A_1475 = arith.constant dense<0.000000e+00> : vector<8x64xf32>
      %reduce_sum3A_1476 = vector.multi_reduction <add>, %mul3A_1474, %reduce_sum3A_1475 [0] : vector<8x8x64xf32> to vector<8x64xf32>
      %mul3A_1477 = arith.constant 31 : i32
      %mul3A_1478 = arith.muli %scan3A_1166, %mul3A_1477 : i32
      %add3A_1479 = arith.constant 20 : i32
      %add3A_1480 = arith.addi %mul3A_1478, %add3A_1479 : i32
      %swap3A_1481 = arith.index_cast %add3A_1480 : i32 to index
      %swap3A_1482 = arith.constant 0 : index
      %swap3A_1483 = arith.constant 0 : index
      %swap3A_1484 = vector.load %arg5[%swap3A_1481, %swap3A_1482, %swap3A_1483] : memref<1024x8x64xf32, #tpu.memory_space<vmem>>, vector<1x8x64xf32>
      %swap3A_1485 = vector.shape_cast %swap3A_1484 : vector<1x8x64xf32> to vector<8x64xf32>
      %swap3A_1486 = vector.shape_cast %reduce_sum3A_1476 : vector<8x64xf32> to vector<1x8x64xf32>
      tpu.vector_store %arg5[%swap3A_1481, %swap3A_1482, %swap3A_1483], %swap3A_1486 {strides = array<i32>} : memref<1024x8x64xf32, #tpu.memory_space<vmem>>, vector<1x8x64xf32>,
      %slice3A_1487 = vector.extract_strided_slice %get3A_1173 {offsets = [0, 0, 21], sizes = [8, 8, 64], strides = [1, 1, 1]} : vector<8x8x94xf32> to vector<8x8x64xf32>
      %sub3A_1488 = arith.subf %get3A_5, %slice3A_1487 : vector<8x8x64xf32>
      %mul3A_1489 = arith.mulf %sub3A_1488, %sub3A_1488 : vector<8x8x64xf32>
      %reduce_sum3A_1490 = arith.constant dense<0.000000e+00> : vector<8x64xf32>
      %reduce_sum3A_1491 = vector.multi_reduction <add>, %mul3A_1489, %reduce_sum3A_1490 [0] : vector<8x8x64xf32> to vector<8x64xf32>
      %mul3A_1492 = arith.constant 31 : i32
      %mul3A_1493 = arith.muli %scan3A_1166, %mul3A_1492 : i32
      %add3A_1494 = arith.constant 21 : i32
      %add3A_1495 = arith.addi %mul3A_1493, %add3A_1494 : i32
      %swap3A_1496 = arith.index_cast %add3A_1495 : i32 to index
      %swap3A_1497 = arith.constant 0 : index
      %swap3A_1498 = arith.constant 0 : index
      %swap3A_1499 = vector.load %arg5[%swap3A_1496, %swap3A_1497, %swap3A_1498] : memref<1024x8x64xf32, #tpu.memory_space<vmem>>, vector<1x8x64xf32>
      %swap3A_1500 = vector.shape_cast %swap3A_1499 : vector<1x8x64xf32> to vector<8x64xf32>
      %swap3A_1501 = vector.shape_cast %reduce_sum3A_1491 : vector<8x64xf32> to vector<1x8x64xf32>
      tpu.vector_store %arg5[%swap3A_1496, %swap3A_1497, %swap3A_1498], %swap3A_1501 {strides = array<i32>} : memref<1024x8x64xf32, #tpu.memory_space<vmem>>, vector<1x8x64xf32>,
      %slice3A_1502 = vector.extract_strided_slice %get3A_1173 {offsets = [0, 0, 22], sizes = [8, 8, 64], strides = [1, 1, 1]} : vector<8x8x94xf32> to vector<8x8x64xf32>
      %sub3A_1503 = arith.subf %get3A_5, %slice3A_1502 : vector<8x8x64xf32>
      %mul3A_1504 = arith.mulf %sub3A_1503, %sub3A_1503 : vector<8x8x64xf32>
      %reduce_sum3A_1505 = arith.constant dense<0.000000e+00> : vector<8x64xf32>
      %reduce_sum3A_1506 = vector.multi_reduction <add>, %mul3A_1504, %reduce_sum3A_1505 [0] : vector<8x8x64xf32> to vector<8x64xf32>
      %mul3A_1507 = arith.constant 31 : i32
      %mul3A_1508 = arith.muli %scan3A_1166, %mul3A_1507 : i32
      %add3A_1509 = arith.constant 22 : i32
      %add3A_1510 = arith.addi %mul3A_1508, %add3A_1509 : i32
      %swap3A_1511 = arith.index_cast %add3A_1510 : i32 to index
      %swap3A_1512 = arith.constant 0 : index
      %swap3A_1513 = arith.constant 0 : index
      %swap3A_1514 = vector.load %arg5[%swap3A_1511, %swap3A_1512, %swap3A_1513] : memref<1024x8x64xf32, #tpu.memory_space<vmem>>, vector<1x8x64xf32>
      %swap3A_1515 = vector.shape_cast %swap3A_1514 : vector<1x8x64xf32> to vector<8x64xf32>
      %swap3A_1516 = vector.shape_cast %reduce_sum3A_1506 : vector<8x64xf32> to vector<1x8x64xf32>
      tpu.vector_store %arg5[%swap3A_1511, %swap3A_1512, %swap3A_1513], %swap3A_1516 {strides = array<i32>} : memref<1024x8x64xf32, #tpu.memory_space<vmem>>, vector<1x8x64xf32>,
      %slice3A_1517 = vector.extract_strided_slice %get3A_1173 {offsets = [0, 0, 23], sizes = [8, 8, 64], strides = [1, 1, 1]} : vector<8x8x94xf32> to vector<8x8x64xf32>
      %sub3A_1518 = arith.subf %get3A_5, %slice3A_1517 : vector<8x8x64xf32>
      %mul3A_1519 = arith.mulf %sub3A_1518, %sub3A_1518 : vector<8x8x64xf32>
      %reduce_sum3A_1520 = arith.constant dense<0.000000e+00> : vector<8x64xf32>
      %reduce_sum3A_1521 = vector.multi_reduction <add>, %mul3A_1519, %reduce_sum3A_1520 [0] : vector<8x8x64xf32> to vector<8x64xf32>
      %mul3A_1522 = arith.constant 31 : i32
      %mul3A_1523 = arith.muli %scan3A_1166, %mul3A_1522 : i32
      %add3A_1524 = arith.constant 23 : i32
      %add3A_1525 = arith.addi %mul3A_1523, %add3A_1524 : i32
      %swap3A_1526 = arith.index_cast %add3A_1525 : i32 to index
      %swap3A_1527 = arith.constant 0 : index
      %swap3A_1528 = arith.constant 0 : index
      %swap3A_1529 = vector.load %arg5[%swap3A_1526, %swap3A_1527, %swap3A_1528] : memref<1024x8x64xf32, #tpu.memory_space<vmem>>, vector<1x8x64xf32>
      %swap3A_1530 = vector.shape_cast %swap3A_1529 : vector<1x8x64xf32> to vector<8x64xf32>
      %swap3A_1531 = vector.shape_cast %reduce_sum3A_1521 : vector<8x64xf32> to vector<1x8x64xf32>
      tpu.vector_store %arg5[%swap3A_1526, %swap3A_1527, %swap3A_1528], %swap3A_1531 {strides = array<i32>} : memref<1024x8x64xf32, #tpu.memory_space<vmem>>, vector<1x8x64xf32>,
      %slice3A_1532 = vector.extract_strided_slice %get3A_1173 {offsets = [0, 0, 24], sizes = [8, 8, 64], strides = [1, 1, 1]} : vector<8x8x94xf32> to vector<8x8x64xf32>
      %sub3A_1533 = arith.subf %get3A_5, %slice3A_1532 : vector<8x8x64xf32>
      %mul3A_1534 = arith.mulf %sub3A_1533, %sub3A_1533 : vector<8x8x64xf32>
      %reduce_sum3A_1535 = arith.constant dense<0.000000e+00> : vector<8x64xf32>
      %reduce_sum3A_1536 = vector.multi_reduction <add>, %mul3A_1534, %reduce_sum3A_1535 [0] : vector<8x8x64xf32> to vector<8x64xf32>
      %mul3A_1537 = arith.constant 31 : i32
      %mul3A_1538 = arith.muli %scan3A_1166, %mul3A_1537 : i32
      %add3A_1539 = arith.constant 24 : i32
      %add3A_1540 = arith.addi %mul3A_1538, %add3A_1539 : i32
      %swap3A_1541 = arith.index_cast %add3A_1540 : i32 to index
      %swap3A_1542 = arith.constant 0 : index
      %swap3A_1543 = arith.constant 0 : index
      %swap3A_1544 = vector.load %arg5[%swap3A_1541, %swap3A_1542, %swap3A_1543] : memref<1024x8x64xf32, #tpu.memory_space<vmem>>, vector<1x8x64xf32>
      %swap3A_1545 = vector.shape_cast %swap3A_1544 : vector<1x8x64xf32> to vector<8x64xf32>
      %swap3A_1546 = vector.shape_cast %reduce_sum3A_1536 : vector<8x64xf32> to vector<1x8x64xf32>
      tpu.vector_store %arg5[%swap3A_1541, %swap3A_1542, %swap3A_1543], %swap3A_1546 {strides = array<i32>} : memref<1024x8x64xf32, #tpu.memory_space<vmem>>, vector<1x8x64xf32>,
      %slice3A_1547 = vector.extract_strided_slice %get3A_1173 {offsets = [0, 0, 25], sizes = [8, 8, 64], strides = [1, 1, 1]} : vector<8x8x94xf32> to vector<8x8x64xf32>
      %sub3A_1548 = arith.subf %get3A_5, %slice3A_1547 : vector<8x8x64xf32>
      %mul3A_1549 = arith.mulf %sub3A_1548, %sub3A_1548 : vector<8x8x64xf32>
      %reduce_sum3A_1550 = arith.constant dense<0.000000e+00> : vector<8x64xf32>
      %reduce_sum3A_1551 = vector.multi_reduction <add>, %mul3A_1549, %reduce_sum3A_1550 [0] : vector<8x8x64xf32> to vector<8x64xf32>
      %mul3A_1552 = arith.constant 31 : i32
      %mul3A_1553 = arith.muli %scan3A_1166, %mul3A_1552 : i32
      %add3A_1554 = arith.constant 25 : i32
      %add3A_1555 = arith.addi %mul3A_1553, %add3A_1554 : i32
      %swap3A_1556 = arith.index_cast %add3A_1555 : i32 to index
      %swap3A_1557 = arith.constant 0 : index
      %swap3A_1558 = arith.constant 0 : index
      %swap3A_1559 = vector.load %arg5[%swap3A_1556, %swap3A_1557, %swap3A_1558] : memref<1024x8x64xf32, #tpu.memory_space<vmem>>, vector<1x8x64xf32>
      %swap3A_1560 = vector.shape_cast %swap3A_1559 : vector<1x8x64xf32> to vector<8x64xf32>
      %swap3A_1561 = vector.shape_cast %reduce_sum3A_1551 : vector<8x64xf32> to vector<1x8x64xf32>
      tpu.vector_store %arg5[%swap3A_1556, %swap3A_1557, %swap3A_1558], %swap3A_1561 {strides = array<i32>} : memref<1024x8x64xf32, #tpu.memory_space<vmem>>, vector<1x8x64xf32>,
      %slice3A_1562 = vector.extract_strided_slice %get3A_1173 {offsets = [0, 0, 26], sizes = [8, 8, 64], strides = [1, 1, 1]} : vector<8x8x94xf32> to vector<8x8x64xf32>
      %sub3A_1563 = arith.subf %get3A_5, %slice3A_1562 : vector<8x8x64xf32>
      %mul3A_1564 = arith.mulf %sub3A_1563, %sub3A_1563 : vector<8x8x64xf32>
      %reduce_sum3A_1565 = arith.constant dense<0.000000e+00> : vector<8x64xf32>
      %reduce_sum3A_1566 = vector.multi_reduction <add>, %mul3A_1564, %reduce_sum3A_1565 [0] : vector<8x8x64xf32> to vector<8x64xf32>
      %mul3A_1567 = arith.constant 31 : i32
      %mul3A_1568 = arith.muli %scan3A_1166, %mul3A_1567 : i32
      %add3A_1569 = arith.constant 26 : i32
      %add3A_1570 = arith.addi %mul3A_1568, %add3A_1569 : i32
      %swap3A_1571 = arith.index_cast %add3A_1570 : i32 to index
      %swap3A_1572 = arith.constant 0 : index
      %swap3A_1573 = arith.constant 0 : index
      %swap3A_1574 = vector.load %arg5[%swap3A_1571, %swap3A_1572, %swap3A_1573] : memref<1024x8x64xf32, #tpu.memory_space<vmem>>, vector<1x8x64xf32>
      %swap3A_1575 = vector.shape_cast %swap3A_1574 : vector<1x8x64xf32> to vector<8x64xf32>
      %swap3A_1576 = vector.shape_cast %reduce_sum3A_1566 : vector<8x64xf32> to vector<1x8x64xf32>
      tpu.vector_store %arg5[%swap3A_1571, %swap3A_1572, %swap3A_1573], %swap3A_1576 {strides = array<i32>} : memref<1024x8x64xf32, #tpu.memory_space<vmem>>, vector<1x8x64xf32>,
      %slice3A_1577 = vector.extract_strided_slice %get3A_1173 {offsets = [0, 0, 27], sizes = [8, 8, 64], strides = [1, 1, 1]} : vector<8x8x94xf32> to vector<8x8x64xf32>
      %sub3A_1578 = arith.subf %get3A_5, %slice3A_1577 : vector<8x8x64xf32>
      %mul3A_1579 = arith.mulf %sub3A_1578, %sub3A_1578 : vector<8x8x64xf32>
      %reduce_sum3A_1580 = arith.constant dense<0.000000e+00> : vector<8x64xf32>
      %reduce_sum3A_1581 = vector.multi_reduction <add>, %mul3A_1579, %reduce_sum3A_1580 [0] : vector<8x8x64xf32> to vector<8x64xf32>
      %mul3A_1582 = arith.constant 31 : i32
      %mul3A_1583 = arith.muli %scan3A_1166, %mul3A_1582 : i32
      %add3A_1584 = arith.constant 27 : i32
      %add3A_1585 = arith.addi %mul3A_1583, %add3A_1584 : i32
      %swap3A_1586 = arith.index_cast %add3A_1585 : i32 to index
      %swap3A_1587 = arith.constant 0 : index
      %swap3A_1588 = arith.constant 0 : index
      %swap3A_1589 = vector.load %arg5[%swap3A_1586, %swap3A_1587, %swap3A_1588] : memref<1024x8x64xf32, #tpu.memory_space<vmem>>, vector<1x8x64xf32>
      %swap3A_1590 = vector.shape_cast %swap3A_1589 : vector<1x8x64xf32> to vector<8x64xf32>
      %swap3A_1591 = vector.shape_cast %reduce_sum3A_1581 : vector<8x64xf32> to vector<1x8x64xf32>
      tpu.vector_store %arg5[%swap3A_1586, %swap3A_1587, %swap3A_1588], %swap3A_1591 {strides = array<i32>} : memref<1024x8x64xf32, #tpu.memory_space<vmem>>, vector<1x8x64xf32>,
      %slice3A_1592 = vector.extract_strided_slice %get3A_1173 {offsets = [0, 0, 28], sizes = [8, 8, 64], strides = [1, 1, 1]} : vector<8x8x94xf32> to vector<8x8x64xf32>
      %sub3A_1593 = arith.subf %get3A_5, %slice3A_1592 : vector<8x8x64xf32>
      %mul3A_1594 = arith.mulf %sub3A_1593, %sub3A_1593 : vector<8x8x64xf32>
      %reduce_sum3A_1595 = arith.constant dense<0.000000e+00> : vector<8x64xf32>
      %reduce_sum3A_1596 = vector.multi_reduction <add>, %mul3A_1594, %reduce_sum3A_1595 [0] : vector<8x8x64xf32> to vector<8x64xf32>
      %mul3A_1597 = arith.constant 31 : i32
      %mul3A_1598 = arith.muli %scan3A_1166, %mul3A_1597 : i32
      %add3A_1599 = arith.constant 28 : i32
      %add3A_1600 = arith.addi %mul3A_1598, %add3A_1599 : i32
      %swap3A_1601 = arith.index_cast %add3A_1600 : i32 to index
      %swap3A_1602 = arith.constant 0 : index
      %swap3A_1603 = arith.constant 0 : index
      %swap3A_1604 = vector.load %arg5[%swap3A_1601, %swap3A_1602, %swap3A_1603] : memref<1024x8x64xf32, #tpu.memory_space<vmem>>, vector<1x8x64xf32>
      %swap3A_1605 = vector.shape_cast %swap3A_1604 : vector<1x8x64xf32> to vector<8x64xf32>
      %swap3A_1606 = vector.shape_cast %reduce_sum3A_1596 : vector<8x64xf32> to vector<1x8x64xf32>
      tpu.vector_store %arg5[%swap3A_1601, %swap3A_1602, %swap3A_1603], %swap3A_1606 {strides = array<i32>} : memref<1024x8x64xf32, #tpu.memory_space<vmem>>, vector<1x8x64xf32>,
      %slice3A_1607 = vector.extract_strided_slice %get3A_1173 {offsets = [0, 0, 29], sizes = [8, 8, 64], strides = [1, 1, 1]} : vector<8x8x94xf32> to vector<8x8x64xf32>
      %sub3A_1608 = arith.subf %get3A_5, %slice3A_1607 : vector<8x8x64xf32>
      %mul3A_1609 = arith.mulf %sub3A_1608, %sub3A_1608 : vector<8x8x64xf32>
      %reduce_sum3A_1610 = arith.constant dense<0.000000e+00> : vector<8x64xf32>
      %reduce_sum3A_1611 = vector.multi_reduction <add>, %mul3A_1609, %reduce_sum3A_1610 [0] : vector<8x8x64xf32> to vector<8x64xf32>
      %mul3A_1612 = arith.constant 31 : i32
      %mul3A_1613 = arith.muli %scan3A_1166, %mul3A_1612 : i32
      %add3A_1614 = arith.constant 29 : i32
      %add3A_1615 = arith.addi %mul3A_1613, %add3A_1614 : i32
      %swap3A_1616 = arith.index_cast %add3A_1615 : i32 to index
      %swap3A_1617 = arith.constant 0 : index
      %swap3A_1618 = arith.constant 0 : index
      %swap3A_1619 = vector.load %arg5[%swap3A_1616, %swap3A_1617, %swap3A_1618] : memref<1024x8x64xf32, #tpu.memory_space<vmem>>, vector<1x8x64xf32>
      %swap3A_1620 = vector.shape_cast %swap3A_1619 : vector<1x8x64xf32> to vector<8x64xf32>
      %swap3A_1621 = vector.shape_cast %reduce_sum3A_1611 : vector<8x64xf32> to vector<1x8x64xf32>
      tpu.vector_store %arg5[%swap3A_1616, %swap3A_1617, %swap3A_1618], %swap3A_1621 {strides = array<i32>} : memref<1024x8x64xf32, #tpu.memory_space<vmem>>, vector<1x8x64xf32>,
      %slice3A_1622 = vector.extract_strided_slice %get3A_1173 {offsets = [0, 0, 30], sizes = [8, 8, 64], strides = [1, 1, 1]} : vector<8x8x94xf32> to vector<8x8x64xf32>
      %sub3A_1623 = arith.subf %get3A_5, %slice3A_1622 : vector<8x8x64xf32>
      %mul3A_1624 = arith.mulf %sub3A_1623, %sub3A_1623 : vector<8x8x64xf32>
      %reduce_sum3A_1625 = arith.constant dense<0.000000e+00> : vector<8x64xf32>
      %reduce_sum3A_1626 = vector.multi_reduction <add>, %mul3A_1624, %reduce_sum3A_1625 [0] : vector<8x8x64xf32> to vector<8x64xf32>
      %mul3A_1627 = arith.constant 31 : i32
      %mul3A_1628 = arith.muli %scan3A_1166, %mul3A_1627 : i32
      %add3A_1629 = arith.constant 30 : i32
      %add3A_1630 = arith.addi %mul3A_1628, %add3A_1629 : i32
      %swap3A_1631 = arith.index_cast %add3A_1630 : i32 to index
      %swap3A_1632 = arith.constant 0 : index
      %swap3A_1633 = arith.constant 0 : index
      %swap3A_1634 = vector.load %arg5[%swap3A_1631, %swap3A_1632, %swap3A_1633] : memref<1024x8x64xf32, #tpu.memory_space<vmem>>, vector<1x8x64xf32>
      %swap3A_1635 = vector.shape_cast %swap3A_1634 : vector<1x8x64xf32> to vector<8x64xf32>
      %swap3A_1636 = vector.shape_cast %reduce_sum3A_1626 : vector<8x64xf32> to vector<1x8x64xf32>
      tpu.vector_store %arg5[%swap3A_1631, %swap3A_1632, %swap3A_1633], %swap3A_1636 {strides = array<i32>} : memref<1024x8x64xf32, #tpu.memory_space<vmem>>, vector<1x8x64xf32>,
    }
    %scan3A_9 = arith.constant 31 : i32
    %broadcast_in_dim3A = arith.constant 1.000000e+30 : f32
    %broadcast_in_dim3A_10 = vector.broadcast %broadcast_in_dim3A : f32 to vector<63x8x64xf32>
    %swap3A = arith.constant 961 : index
    %swap3A_11 = arith.constant 0 : index
    %swap3A_12 = arith.constant 0 : index
    %swap3A_13 = vector.load %arg5[%swap3A, %swap3A_11, %swap3A_12] : memref<1024x8x64xf32, #tpu.memory_space<vmem>>, vector<63x8x64xf32>
    tpu.vector_store %arg5[%swap3A, %swap3A_11, %swap3A_12], %broadcast_in_dim3A_10 {strides = array<i32>} : memref<1024x8x64xf32, #tpu.memory_space<vmem>>, vector<63x8x64xf32>,
    %get3A_14 = arith.constant 0 : index
    %get3A_15 = arith.constant 0 : index
    %get3A_16 = arith.constant 0 : index
    %get3A_17 = vector.load %arg5[%get3A_14, %get3A_15, %get3A_16] : memref<1024x8x64xf32, #tpu.memory_space<vmem>>, vector<1024x8x64xf32>
    %iota3A = tpu.iota {dimensions = array<i32: 0>} : vector<1024x8x64xi32>
    %iota3A_18 = tpu.iota {dimensions = array<i32: 0>} : vector<8x64xi32>
    %add3A = vector.broadcast %mul3A_0 : i32 to vector<8x64xi32>
    %add3A_19 = arith.addi %iota3A_18, %add3A : vector<8x64xi32>
    %iota3A_20 = tpu.iota {dimensions = array<i32: 1>} : vector<8x64xi32>
    %reduce_min3A = arith.constant dense<0x7F800000> : vector<8x64xf32>
    %reduce_min3A_21 = vector.multi_reduction <minimumf>, %get3A_17, %reduce_min3A [0] : vector<1024x8x64xf32> to vector<8x64xf32>
    %broadcast_in_dim3A_22 = vector.shape_cast %reduce_min3A_21 : vector<8x64xf32> to vector<1x8x64xf32>
    %eq3A = vector.broadcast %broadcast_in_dim3A_22 : vector<1x8x64xf32> to vector<1024x8x64xf32>
    %eq3A_23 = arith.cmpf oeq, %get3A_17, %eq3A : vector<1024x8x64xf32>
    %jit3A = arith.constant 1024 : i32
    %broadcast_in_dim3A_24 = vector.broadcast %jit3A : i32 to vector<1024x8x64xi32>
    %select_n3A = arith.select %eq3A_23, %iota3A, %broadcast_in_dim3A_24 : vector<1024x8x64xi1>, vector<1024x8x64xi32>
    %reduce_min3A_25 = arith.constant dense<2147483647> : vector<8x64xi32>
    %reduce_min3A_26 = vector.multi_reduction <minsi>, %select_n3A, %reduce_min3A_25 [0] : vector<1024x8x64xi32> to vector<8x64xi32>
    %jit3A_27 = arith.constant 31 : i32
    %div3A = vector.broadcast %jit3A_27 : i32 to vector<8x64xi32>
    %div3A_28 = arith.divsi %reduce_min3A_26, %div3A : vector<8x64xi32>
    %sign3A = arith.constant 0 : i32
    %sign3A_29 = vector.broadcast %sign3A : i32 to vector<8x64xi32>
    %sign3A_30 = arith.cmpi sgt, %reduce_min3A_26, %sign3A_29 : vector<8x64xi32>
    %sign3A_31 = arith.extui %sign3A_30 : vector<8x64xi1> to vector<8x64xi32>
    %sign3A_32 = arith.constant 0 : i32
    %sign3A_33 = vector.broadcast %sign3A_32 : i32 to vector<8x64xi32>
    %sign3A_34 = arith.cmpi slt, %reduce_min3A_26, %sign3A_33 : vector<8x64xi32>
    %sign3A_35 = arith.extui %sign3A_34 : vector<8x64xi1> to vector<8x64xi32>
    %sign3A_36 = arith.subi %sign3A_31, %sign3A_35 : vector<8x64xi32>
    %sign3A_37 = arith.constant 0 : i32
    %sign3A_38 = arith.cmpi sgt, %jit3A_27, %sign3A_37 : i32
    %sign3A_39 = arith.extui %sign3A_38 : i1 to i32
    %sign3A_40 = arith.constant 0 : i32
    %sign3A_41 = arith.cmpi slt, %jit3A_27, %sign3A_40 : i32
    %sign3A_42 = arith.extui %sign3A_41 : i1 to i32
    %sign3A_43 = arith.subi %sign3A_39, %sign3A_42 : i32
    %ne3A = vector.broadcast %sign3A_43 : i32 to vector<8x64xi32>
    %ne3A_44 = arith.cmpi ne, %sign3A_36, %ne3A : vector<8x64xi32>
    %rem3A = vector.broadcast %jit3A_27 : i32 to vector<8x64xi32>
    %rem3A_45 = arith.remsi %reduce_min3A_26, %rem3A : vector<8x64xi32>
    %ne3A_46 = arith.constant 0 : i32
    %ne3A_47 = vector.broadcast %ne3A_46 : i32 to vector<8x64xi32>
    %ne3A_48 = arith.cmpi ne, %rem3A_45, %ne3A_47 : vector<8x64xi32>
    %and3A = arith.andi %ne3A_44, %ne3A_48 : vector<8x64xi1>
    %sub3A = arith.constant 1 : i32
    %sub3A_49 = vector.broadcast %sub3A : i32 to vector<8x64xi32>
    %sub3A_50 = arith.subi %div3A_28, %sub3A_49 : vector<8x64xi32>
    %select_n3A_51 = arith.select %and3A, %sub3A_50, %div3A_28 : vector<8x64xi1>, vector<8x64xi32>
    %add3A_52 = arith.addi %select_n3A_51, %add3A_19 : vector<8x64xi32>
    %mul3A_53 = arith.constant 94 : i32
    %mul3A_54 = vector.broadcast %mul3A_53 : i32 to vector<8x64xi32>
    %mul3A_55 = arith.muli %add3A_52, %mul3A_54 : vector<8x64xi32>
    %jit3A_56 = arith.constant 31 : i32
    %eq3A_57 = arith.constant 0 : i32
    %eq3A_58 = arith.cmpi eq, %jit3A_56, %eq3A_57 : i32
    %jit3A_59 = arith.constant 1 : i32
    %select_n3A_60 = arith.select %eq3A_58, %jit3A_59, %jit3A_56 : i32
    %rem3A_61 = vector.broadcast %select_n3A_60 : i32 to vector<8x64xi32>
    %rem3A_62 = arith.remsi %reduce_min3A_26, %rem3A_61 : vector<8x64xi32>
    %ne3A_63 = arith.constant 0 : i32
    %ne3A_64 = vector.broadcast %ne3A_63 : i32 to vector<8x64xi32>
    %ne3A_65 = arith.cmpi ne, %rem3A_62, %ne3A_64 : vector<8x64xi32>
    %lt3A = arith.constant 0 : i32
    %lt3A_66 = vector.broadcast %lt3A : i32 to vector<8x64xi32>
    %lt3A_67 = arith.cmpi slt, %rem3A_62, %lt3A_66 : vector<8x64xi32>
    %lt3A_68 = arith.constant 0 : i32
    %lt3A_69 = arith.cmpi slt, %select_n3A_60, %lt3A_68 : i32
    %ne3A_70 = vector.broadcast %lt3A_69 : i1 to vector<8x64xi1>
    %ne3A_71 = vector.broadcast %ne3A_70 : vector<8x64xi1> to vector<8x64xi1>
    %ne3A_72 = arith.xori %lt3A_67, %ne3A_71 : vector<8x64xi1>
    %and3A_73 = arith.andi %ne3A_72, %ne3A_65 : vector<8x64xi1>
    %add3A_74 = vector.broadcast %select_n3A_60 : i32 to vector<8x64xi32>
    %add3A_75 = arith.addi %rem3A_62, %add3A_74 : vector<8x64xi32>
    %select_n3A_76 = arith.select %and3A_73, %add3A_75, %rem3A_62 : vector<8x64xi1>, vector<8x64xi32>
    %add3A_77 = arith.addi %select_n3A_76, %iota3A_20 : vector<8x64xi32>
    %add3A_78 = arith.addi %mul3A_55, %add3A_77 : vector<8x64xi32>
    %swap3A_79 = arith.constant 0 : index
    %swap3A_80 = arith.constant 0 : index
    %swap3A_81 = arith.constant 0 : index
    %swap3A_82 = arith.constant 0 : index
    %swap3A_83 = arith.constant 0 : index
    %swap3A_84 = vector.load %arg4[%swap3A_79, %swap3A_80, %swap3A_81, %swap3A_82, %swap3A_83] : memref<1x1x14x8x64xi32, #tpu.memory_space<vmem>>, vector<1x1x1x8x64xi32>
    %swap3A_85 = vector.shape_cast %swap3A_84 : vector<1x1x1x8x64xi32> to vector<8x64xi32>
    %swap3A_86 = vector.shape_cast %add3A_78 : vector<8x64xi32> to vector<1x1x1x8x64xi32>
    tpu.vector_store %arg4[%swap3A_79, %swap3A_80, %swap3A_81, %swap3A_82, %swap3A_83], %swap3A_86 {strides = array<i32>} : memref<1x1x14x8x64xi32, #tpu.memory_space<vmem>>, vector<1x1x1x8x64xi32>,
    %broadcast_in_dim3A_87 = vector.shape_cast %reduce_min3A_26 : vector<8x64xi32> to vector<1x8x64xi32>
    %eq3A_88 = vector.broadcast %broadcast_in_dim3A_87 : vector<1x8x64xi32> to vector<1024x8x64xi32>
    %eq3A_89 = arith.cmpi eq, %iota3A, %eq3A_88 : vector<1024x8x64xi32>
    %jit3A_90 = arith.constant 1.000000e+30 : f32
    %broadcast_in_dim3A_91 = vector.broadcast %jit3A_90 : f32 to vector<1024x8x64xf32>
    %select_n3A_92 = arith.select %eq3A_89, %broadcast_in_dim3A_91, %get3A_17 : vector<1024x8x64xi1>, vector<1024x8x64xf32>
    %reduce_min3A_93 = arith.constant dense<0x7F800000> : vector<8x64xf32>
    %reduce_min3A_94 = vector.multi_reduction <minimumf>, %select_n3A_92, %reduce_min3A_93 [0] : vector<1024x8x64xf32> to vector<8x64xf32>
    %broadcast_in_dim3A_95 = vector.shape_cast %reduce_min3A_94 : vector<8x64xf32> to vector<1x8x64xf32>
    %eq3A_96 = vector.broadcast %broadcast_in_dim3A_95 : vector<1x8x64xf32> to vector<1024x8x64xf32>
    %eq3A_97 = arith.cmpf oeq, %select_n3A_92, %eq3A_96 : vector<1024x8x64xf32>
    %jit3A_98 = arith.constant 1024 : i32
    %broadcast_in_dim3A_99 = vector.broadcast %jit3A_98 : i32 to vector<1024x8x64xi32>
    %select_n3A_100 = arith.select %eq3A_97, %iota3A, %broadcast_in_dim3A_99 : vector<1024x8x64xi1>, vector<1024x8x64xi32>
    %reduce_min3A_101 = arith.constant dense<2147483647> : vector<8x64xi32>
    %reduce_min3A_102 = vector.multi_reduction <minsi>, %select_n3A_100, %reduce_min3A_101 [0] : vector<1024x8x64xi32> to vector<8x64xi32>
    %jit3A_103 = arith.constant 31 : i32
    %div3A_104 = vector.broadcast %jit3A_103 : i32 to vector<8x64xi32>
    %div3A_105 = arith.divsi %reduce_min3A_102, %div3A_104 : vector<8x64xi32>
    %sign3A_106 = arith.constant 0 : i32
    %sign3A_107 = vector.broadcast %sign3A_106 : i32 to vector<8x64xi32>
    %sign3A_108 = arith.cmpi sgt, %reduce_min3A_102, %sign3A_107 : vector<8x64xi32>
    %sign3A_109 = arith.extui %sign3A_108 : vector<8x64xi1> to vector<8x64xi32>
    %sign3A_110 = arith.constant 0 : i32
    %sign3A_111 = vector.broadcast %sign3A_110 : i32 to vector<8x64xi32>
    %sign3A_112 = arith.cmpi slt, %reduce_min3A_102, %sign3A_111 : vector<8x64xi32>
    %sign3A_113 = arith.extui %sign3A_112 : vector<8x64xi1> to vector<8x64xi32>
    %sign3A_114 = arith.subi %sign3A_109, %sign3A_113 : vector<8x64xi32>
    %sign3A_115 = arith.constant 0 : i32
    %sign3A_116 = arith.cmpi sgt, %jit3A_103, %sign3A_115 : i32
    %sign3A_117 = arith.extui %sign3A_116 : i1 to i32
    %sign3A_118 = arith.constant 0 : i32
    %sign3A_119 = arith.cmpi slt, %jit3A_103, %sign3A_118 : i32
    %sign3A_120 = arith.extui %sign3A_119 : i1 to i32
    %sign3A_121 = arith.subi %sign3A_117, %sign3A_120 : i32
    %ne3A_122 = vector.broadcast %sign3A_121 : i32 to vector<8x64xi32>
    %ne3A_123 = arith.cmpi ne, %sign3A_114, %ne3A_122 : vector<8x64xi32>
    %rem3A_124 = vector.broadcast %jit3A_103 : i32 to vector<8x64xi32>
    %rem3A_125 = arith.remsi %reduce_min3A_102, %rem3A_124 : vector<8x64xi32>
    %ne3A_126 = arith.constant 0 : i32
    %ne3A_127 = vector.broadcast %ne3A_126 : i32 to vector<8x64xi32>
    %ne3A_128 = arith.cmpi ne, %rem3A_125, %ne3A_127 : vector<8x64xi32>
    %and3A_129 = arith.andi %ne3A_123, %ne3A_128 : vector<8x64xi1>
    %sub3A_130 = arith.constant 1 : i32
    %sub3A_131 = vector.broadcast %sub3A_130 : i32 to vector<8x64xi32>
    %sub3A_132 = arith.subi %div3A_105, %sub3A_131 : vector<8x64xi32>
    %select_n3A_133 = arith.select %and3A_129, %sub3A_132, %div3A_105 : vector<8x64xi1>, vector<8x64xi32>
    %add3A_134 = arith.addi %select_n3A_133, %add3A_19 : vector<8x64xi32>
    %mul3A_135 = arith.constant 94 : i32
    %mul3A_136 = vector.broadcast %mul3A_135 : i32 to vector<8x64xi32>
    %mul3A_137 = arith.muli %add3A_134, %mul3A_136 : vector<8x64xi32>
    %jit3A_138 = arith.constant 31 : i32
    %eq3A_139 = arith.constant 0 : i32
    %eq3A_140 = arith.cmpi eq, %jit3A_138, %eq3A_139 : i32
    %jit3A_141 = arith.constant 1 : i32
    %select_n3A_142 = arith.select %eq3A_140, %jit3A_141, %jit3A_138 : i32
    %rem3A_143 = vector.broadcast %select_n3A_142 : i32 to vector<8x64xi32>
    %rem3A_144 = arith.remsi %reduce_min3A_102, %rem3A_143 : vector<8x64xi32>
    %ne3A_145 = arith.constant 0 : i32
    %ne3A_146 = vector.broadcast %ne3A_145 : i32 to vector<8x64xi32>
    %ne3A_147 = arith.cmpi ne, %rem3A_144, %ne3A_146 : vector<8x64xi32>
    %lt3A_148 = arith.constant 0 : i32
    %lt3A_149 = vector.broadcast %lt3A_148 : i32 to vector<8x64xi32>
    %lt3A_150 = arith.cmpi slt, %rem3A_144, %lt3A_149 : vector<8x64xi32>
    %lt3A_151 = arith.constant 0 : i32
    %lt3A_152 = arith.cmpi slt, %select_n3A_142, %lt3A_151 : i32
    %ne3A_153 = vector.broadcast %lt3A_152 : i1 to vector<8x64xi1>
    %ne3A_154 = vector.broadcast %ne3A_153 : vector<8x64xi1> to vector<8x64xi1>
    %ne3A_155 = arith.xori %lt3A_150, %ne3A_154 : vector<8x64xi1>
    %and3A_156 = arith.andi %ne3A_155, %ne3A_147 : vector<8x64xi1>
    %add3A_157 = vector.broadcast %select_n3A_142 : i32 to vector<8x64xi32>
    %add3A_158 = arith.addi %rem3A_144, %add3A_157 : vector<8x64xi32>
    %select_n3A_159 = arith.select %and3A_156, %add3A_158, %rem3A_144 : vector<8x64xi1>, vector<8x64xi32>
    %add3A_160 = arith.addi %select_n3A_159, %iota3A_20 : vector<8x64xi32>
    %add3A_161 = arith.addi %mul3A_137, %add3A_160 : vector<8x64xi32>
    %swap3A_162 = arith.constant 0 : index
    %swap3A_163 = arith.constant 0 : index
    %swap3A_164 = arith.constant 1 : index
    %swap3A_165 = arith.constant 0 : index
    %swap3A_166 = arith.constant 0 : index
    %swap3A_167 = vector.load %arg4[%swap3A_162, %swap3A_163, %swap3A_164, %swap3A_165, %swap3A_166] : memref<1x1x14x8x64xi32, #tpu.memory_space<vmem>>, vector<1x1x1x8x64xi32>
    %swap3A_168 = vector.shape_cast %swap3A_167 : vector<1x1x1x8x64xi32> to vector<8x64xi32>
    %swap3A_169 = vector.shape_cast %add3A_161 : vector<8x64xi32> to vector<1x1x1x8x64xi32>
    tpu.vector_store %arg4[%swap3A_162, %swap3A_163, %swap3A_164, %swap3A_165, %swap3A_166], %swap3A_169 {strides = array<i32>} : memref<1x1x14x8x64xi32, #tpu.memory_space<vmem>>, vector<1x1x1x8x64xi32>,
    %broadcast_in_dim3A_170 = vector.shape_cast %reduce_min3A_102 : vector<8x64xi32> to vector<1x8x64xi32>
    %eq3A_171 = vector.broadcast %broadcast_in_dim3A_170 : vector<1x8x64xi32> to vector<1024x8x64xi32>
    %eq3A_172 = arith.cmpi eq, %iota3A, %eq3A_171 : vector<1024x8x64xi32>
    %jit3A_173 = arith.constant 1.000000e+30 : f32
    %broadcast_in_dim3A_174 = vector.broadcast %jit3A_173 : f32 to vector<1024x8x64xf32>
    %select_n3A_175 = arith.select %eq3A_172, %broadcast_in_dim3A_174, %select_n3A_92 : vector<1024x8x64xi1>, vector<1024x8x64xf32>
    %reduce_min3A_176 = arith.constant dense<0x7F800000> : vector<8x64xf32>
    %reduce_min3A_177 = vector.multi_reduction <minimumf>, %select_n3A_175, %reduce_min3A_176 [0] : vector<1024x8x64xf32> to vector<8x64xf32>
    %broadcast_in_dim3A_178 = vector.shape_cast %reduce_min3A_177 : vector<8x64xf32> to vector<1x8x64xf32>
    %eq3A_179 = vector.broadcast %broadcast_in_dim3A_178 : vector<1x8x64xf32> to vector<1024x8x64xf32>
    %eq3A_180 = arith.cmpf oeq, %select_n3A_175, %eq3A_179 : vector<1024x8x64xf32>
    %jit3A_181 = arith.constant 1024 : i32
    %broadcast_in_dim3A_182 = vector.broadcast %jit3A_181 : i32 to vector<1024x8x64xi32>
    %select_n3A_183 = arith.select %eq3A_180, %iota3A, %broadcast_in_dim3A_182 : vector<1024x8x64xi1>, vector<1024x8x64xi32>
    %reduce_min3A_184 = arith.constant dense<2147483647> : vector<8x64xi32>
    %reduce_min3A_185 = vector.multi_reduction <minsi>, %select_n3A_183, %reduce_min3A_184 [0] : vector<1024x8x64xi32> to vector<8x64xi32>
    %jit3A_186 = arith.constant 31 : i32
    %div3A_187 = vector.broadcast %jit3A_186 : i32 to vector<8x64xi32>
    %div3A_188 = arith.divsi %reduce_min3A_185, %div3A_187 : vector<8x64xi32>
    %sign3A_189 = arith.constant 0 : i32
    %sign3A_190 = vector.broadcast %sign3A_189 : i32 to vector<8x64xi32>
    %sign3A_191 = arith.cmpi sgt, %reduce_min3A_185, %sign3A_190 : vector<8x64xi32>
    %sign3A_192 = arith.extui %sign3A_191 : vector<8x64xi1> to vector<8x64xi32>
    %sign3A_193 = arith.constant 0 : i32
    %sign3A_194 = vector.broadcast %sign3A_193 : i32 to vector<8x64xi32>
    %sign3A_195 = arith.cmpi slt, %reduce_min3A_185, %sign3A_194 : vector<8x64xi32>
    %sign3A_196 = arith.extui %sign3A_195 : vector<8x64xi1> to vector<8x64xi32>
    %sign3A_197 = arith.subi %sign3A_192, %sign3A_196 : vector<8x64xi32>
    %sign3A_198 = arith.constant 0 : i32
    %sign3A_199 = arith.cmpi sgt, %jit3A_186, %sign3A_198 : i32
    %sign3A_200 = arith.extui %sign3A_199 : i1 to i32
    %sign3A_201 = arith.constant 0 : i32
    %sign3A_202 = arith.cmpi slt, %jit3A_186, %sign3A_201 : i32
    %sign3A_203 = arith.extui %sign3A_202 : i1 to i32
    %sign3A_204 = arith.subi %sign3A_200, %sign3A_203 : i32
    %ne3A_205 = vector.broadcast %sign3A_204 : i32 to vector<8x64xi32>
    %ne3A_206 = arith.cmpi ne, %sign3A_197, %ne3A_205 : vector<8x64xi32>
    %rem3A_207 = vector.broadcast %jit3A_186 : i32 to vector<8x64xi32>
    %rem3A_208 = arith.remsi %reduce_min3A_185, %rem3A_207 : vector<8x64xi32>
    %ne3A_209 = arith.constant 0 : i32
    %ne3A_210 = vector.broadcast %ne3A_209 : i32 to vector<8x64xi32>
    %ne3A_211 = arith.cmpi ne, %rem3A_208, %ne3A_210 : vector<8x64xi32>
    %and3A_212 = arith.andi %ne3A_206, %ne3A_211 : vector<8x64xi1>
    %sub3A_213 = arith.constant 1 : i32
    %sub3A_214 = vector.broadcast %sub3A_213 : i32 to vector<8x64xi32>
    %sub3A_215 = arith.subi %div3A_188, %sub3A_214 : vector<8x64xi32>
    %select_n3A_216 = arith.select %and3A_212, %sub3A_215, %div3A_188 : vector<8x64xi1>, vector<8x64xi32>
    %add3A_217 = arith.addi %select_n3A_216, %add3A_19 : vector<8x64xi32>
    %mul3A_218 = arith.constant 94 : i32
    %mul3A_219 = vector.broadcast %mul3A_218 : i32 to vector<8x64xi32>
    %mul3A_220 = arith.muli %add3A_217, %mul3A_219 : vector<8x64xi32>
    %jit3A_221 = arith.constant 31 : i32
    %eq3A_222 = arith.constant 0 : i32
    %eq3A_223 = arith.cmpi eq, %jit3A_221, %eq3A_222 : i32
    %jit3A_224 = arith.constant 1 : i32
    %select_n3A_225 = arith.select %eq3A_223, %jit3A_224, %jit3A_221 : i32
    %rem3A_226 = vector.broadcast %select_n3A_225 : i32 to vector<8x64xi32>
    %rem3A_227 = arith.remsi %reduce_min3A_185, %rem3A_226 : vector<8x64xi32>
    %ne3A_228 = arith.constant 0 : i32
    %ne3A_229 = vector.broadcast %ne3A_228 : i32 to vector<8x64xi32>
    %ne3A_230 = arith.cmpi ne, %rem3A_227, %ne3A_229 : vector<8x64xi32>
    %lt3A_231 = arith.constant 0 : i32
    %lt3A_232 = vector.broadcast %lt3A_231 : i32 to vector<8x64xi32>
    %lt3A_233 = arith.cmpi slt, %rem3A_227, %lt3A_232 : vector<8x64xi32>
    %lt3A_234 = arith.constant 0 : i32
    %lt3A_235 = arith.cmpi slt, %select_n3A_225, %lt3A_234 : i32
    %ne3A_236 = vector.broadcast %lt3A_235 : i1 to vector<8x64xi1>
    %ne3A_237 = vector.broadcast %ne3A_236 : vector<8x64xi1> to vector<8x64xi1>
    %ne3A_238 = arith.xori %lt3A_233, %ne3A_237 : vector<8x64xi1>
    %and3A_239 = arith.andi %ne3A_238, %ne3A_230 : vector<8x64xi1>
    %add3A_240 = vector.broadcast %select_n3A_225 : i32 to vector<8x64xi32>
    %add3A_241 = arith.addi %rem3A_227, %add3A_240 : vector<8x64xi32>
    %select_n3A_242 = arith.select %and3A_239, %add3A_241, %rem3A_227 : vector<8x64xi1>, vector<8x64xi32>
    %add3A_243 = arith.addi %select_n3A_242, %iota3A_20 : vector<8x64xi32>
    %add3A_244 = arith.addi %mul3A_220, %add3A_243 : vector<8x64xi32>
    %swap3A_245 = arith.constant 0 : index
    %swap3A_246 = arith.constant 0 : index
    %swap3A_247 = arith.constant 2 : index
    %swap3A_248 = arith.constant 0 : index
    %swap3A_249 = arith.constant 0 : index
    %swap3A_250 = vector.load %arg4[%swap3A_245, %swap3A_246, %swap3A_247, %swap3A_248, %swap3A_249] : memref<1x1x14x8x64xi32, #tpu.memory_space<vmem>>, vector<1x1x1x8x64xi32>
    %swap3A_251 = vector.shape_cast %swap3A_250 : vector<1x1x1x8x64xi32> to vector<8x64xi32>
    %swap3A_252 = vector.shape_cast %add3A_244 : vector<8x64xi32> to vector<1x1x1x8x64xi32>
    tpu.vector_store %arg4[%swap3A_245, %swap3A_246, %swap3A_247, %swap3A_248, %swap3A_249], %swap3A_252 {strides = array<i32>} : memref<1x1x14x8x64xi32, #tpu.memory_space<vmem>>, vector<1x1x1x8x64xi32>,
    %broadcast_in_dim3A_253 = vector.shape_cast %reduce_min3A_185 : vector<8x64xi32> to vector<1x8x64xi32>
    %eq3A_254 = vector.broadcast %broadcast_in_dim3A_253 : vector<1x8x64xi32> to vector<1024x8x64xi32>
    %eq3A_255 = arith.cmpi eq, %iota3A, %eq3A_254 : vector<1024x8x64xi32>
    %jit3A_256 = arith.constant 1.000000e+30 : f32
    %broadcast_in_dim3A_257 = vector.broadcast %jit3A_256 : f32 to vector<1024x8x64xf32>
    %select_n3A_258 = arith.select %eq3A_255, %broadcast_in_dim3A_257, %select_n3A_175 : vector<1024x8x64xi1>, vector<1024x8x64xf32>
    %reduce_min3A_259 = arith.constant dense<0x7F800000> : vector<8x64xf32>
    %reduce_min3A_260 = vector.multi_reduction <minimumf>, %select_n3A_258, %reduce_min3A_259 [0] : vector<1024x8x64xf32> to vector<8x64xf32>
    %broadcast_in_dim3A_261 = vector.shape_cast %reduce_min3A_260 : vector<8x64xf32> to vector<1x8x64xf32>
    %eq3A_262 = vector.broadcast %broadcast_in_dim3A_261 : vector<1x8x64xf32> to vector<1024x8x64xf32>
    %eq3A_263 = arith.cmpf oeq, %select_n3A_258, %eq3A_262 : vector<1024x8x64xf32>
    %jit3A_264 = arith.constant 1024 : i32
    %broadcast_in_dim3A_265 = vector.broadcast %jit3A_264 : i32 to vector<1024x8x64xi32>
    %select_n3A_266 = arith.select %eq3A_263, %iota3A, %broadcast_in_dim3A_265 : vector<1024x8x64xi1>, vector<1024x8x64xi32>
    %reduce_min3A_267 = arith.constant dense<2147483647> : vector<8x64xi32>
    %reduce_min3A_268 = vector.multi_reduction <minsi>, %select_n3A_266, %reduce_min3A_267 [0] : vector<1024x8x64xi32> to vector<8x64xi32>
    %jit3A_269 = arith.constant 31 : i32
    %div3A_270 = vector.broadcast %jit3A_269 : i32 to vector<8x64xi32>
    %div3A_271 = arith.divsi %reduce_min3A_268, %div3A_270 : vector<8x64xi32>
    %sign3A_272 = arith.constant 0 : i32
    %sign3A_273 = vector.broadcast %sign3A_272 : i32 to vector<8x64xi32>
    %sign3A_274 = arith.cmpi sgt, %reduce_min3A_268, %sign3A_273 : vector<8x64xi32>
    %sign3A_275 = arith.extui %sign3A_274 : vector<8x64xi1> to vector<8x64xi32>
    %sign3A_276 = arith.constant 0 : i32
    %sign3A_277 = vector.broadcast %sign3A_276 : i32 to vector<8x64xi32>
    %sign3A_278 = arith.cmpi slt, %reduce_min3A_268, %sign3A_277 : vector<8x64xi32>
    %sign3A_279 = arith.extui %sign3A_278 : vector<8x64xi1> to vector<8x64xi32>
    %sign3A_280 = arith.subi %sign3A_275, %sign3A_279 : vector<8x64xi32>
    %sign3A_281 = arith.constant 0 : i32
    %sign3A_282 = arith.cmpi sgt, %jit3A_269, %sign3A_281 : i32
    %sign3A_283 = arith.extui %sign3A_282 : i1 to i32
    %sign3A_284 = arith.constant 0 : i32
    %sign3A_285 = arith.cmpi slt, %jit3A_269, %sign3A_284 : i32
    %sign3A_286 = arith.extui %sign3A_285 : i1 to i32
    %sign3A_287 = arith.subi %sign3A_283, %sign3A_286 : i32
    %ne3A_288 = vector.broadcast %sign3A_287 : i32 to vector<8x64xi32>
    %ne3A_289 = arith.cmpi ne, %sign3A_280, %ne3A_288 : vector<8x64xi32>
    %rem3A_290 = vector.broadcast %jit3A_269 : i32 to vector<8x64xi32>
    %rem3A_291 = arith.remsi %reduce_min3A_268, %rem3A_290 : vector<8x64xi32>
    %ne3A_292 = arith.constant 0 : i32
    %ne3A_293 = vector.broadcast %ne3A_292 : i32 to vector<8x64xi32>
    %ne3A_294 = arith.cmpi ne, %rem3A_291, %ne3A_293 : vector<8x64xi32>
    %and3A_295 = arith.andi %ne3A_289, %ne3A_294 : vector<8x64xi1>
    %sub3A_296 = arith.constant 1 : i32
    %sub3A_297 = vector.broadcast %sub3A_296 : i32 to vector<8x64xi32>
    %sub3A_298 = arith.subi %div3A_271, %sub3A_297 : vector<8x64xi32>
    %select_n3A_299 = arith.select %and3A_295, %sub3A_298, %div3A_271 : vector<8x64xi1>, vector<8x64xi32>
    %add3A_300 = arith.addi %select_n3A_299, %add3A_19 : vector<8x64xi32>
    %mul3A_301 = arith.constant 94 : i32
    %mul3A_302 = vector.broadcast %mul3A_301 : i32 to vector<8x64xi32>
    %mul3A_303 = arith.muli %add3A_300, %mul3A_302 : vector<8x64xi32>
    %jit3A_304 = arith.constant 31 : i32
    %eq3A_305 = arith.constant 0 : i32
    %eq3A_306 = arith.cmpi eq, %jit3A_304, %eq3A_305 : i32
    %jit3A_307 = arith.constant 1 : i32
    %select_n3A_308 = arith.select %eq3A_306, %jit3A_307, %jit3A_304 : i32
    %rem3A_309 = vector.broadcast %select_n3A_308 : i32 to vector<8x64xi32>
    %rem3A_310 = arith.remsi %reduce_min3A_268, %rem3A_309 : vector<8x64xi32>
    %ne3A_311 = arith.constant 0 : i32
    %ne3A_312 = vector.broadcast %ne3A_311 : i32 to vector<8x64xi32>
    %ne3A_313 = arith.cmpi ne, %rem3A_310, %ne3A_312 : vector<8x64xi32>
    %lt3A_314 = arith.constant 0 : i32
    %lt3A_315 = vector.broadcast %lt3A_314 : i32 to vector<8x64xi32>
    %lt3A_316 = arith.cmpi slt, %rem3A_310, %lt3A_315 : vector<8x64xi32>
    %lt3A_317 = arith.constant 0 : i32
    %lt3A_318 = arith.cmpi slt, %select_n3A_308, %lt3A_317 : i32
    %ne3A_319 = vector.broadcast %lt3A_318 : i1 to vector<8x64xi1>
    %ne3A_320 = vector.broadcast %ne3A_319 : vector<8x64xi1> to vector<8x64xi1>
    %ne3A_321 = arith.xori %lt3A_316, %ne3A_320 : vector<8x64xi1>
    %and3A_322 = arith.andi %ne3A_321, %ne3A_313 : vector<8x64xi1>
    %add3A_323 = vector.broadcast %select_n3A_308 : i32 to vector<8x64xi32>
    %add3A_324 = arith.addi %rem3A_310, %add3A_323 : vector<8x64xi32>
    %select_n3A_325 = arith.select %and3A_322, %add3A_324, %rem3A_310 : vector<8x64xi1>, vector<8x64xi32>
    %add3A_326 = arith.addi %select_n3A_325, %iota3A_20 : vector<8x64xi32>
    %add3A_327 = arith.addi %mul3A_303, %add3A_326 : vector<8x64xi32>
    %swap3A_328 = arith.constant 0 : index
    %swap3A_329 = arith.constant 0 : index
    %swap3A_330 = arith.constant 3 : index
    %swap3A_331 = arith.constant 0 : index
    %swap3A_332 = arith.constant 0 : index
    %swap3A_333 = vector.load %arg4[%swap3A_328, %swap3A_329, %swap3A_330, %swap3A_331, %swap3A_332] : memref<1x1x14x8x64xi32, #tpu.memory_space<vmem>>, vector<1x1x1x8x64xi32>
    %swap3A_334 = vector.shape_cast %swap3A_333 : vector<1x1x1x8x64xi32> to vector<8x64xi32>
    %swap3A_335 = vector.shape_cast %add3A_327 : vector<8x64xi32> to vector<1x1x1x8x64xi32>
    tpu.vector_store %arg4[%swap3A_328, %swap3A_329, %swap3A_330, %swap3A_331, %swap3A_332], %swap3A_335 {strides = array<i32>} : memref<1x1x14x8x64xi32, #tpu.memory_space<vmem>>, vector<1x1x1x8x64xi32>,
    %broadcast_in_dim3A_336 = vector.shape_cast %reduce_min3A_268 : vector<8x64xi32> to vector<1x8x64xi32>
    %eq3A_337 = vector.broadcast %broadcast_in_dim3A_336 : vector<1x8x64xi32> to vector<1024x8x64xi32>
    %eq3A_338 = arith.cmpi eq, %iota3A, %eq3A_337 : vector<1024x8x64xi32>
    %jit3A_339 = arith.constant 1.000000e+30 : f32
    %broadcast_in_dim3A_340 = vector.broadcast %jit3A_339 : f32 to vector<1024x8x64xf32>
    %select_n3A_341 = arith.select %eq3A_338, %broadcast_in_dim3A_340, %select_n3A_258 : vector<1024x8x64xi1>, vector<1024x8x64xf32>
    %reduce_min3A_342 = arith.constant dense<0x7F800000> : vector<8x64xf32>
    %reduce_min3A_343 = vector.multi_reduction <minimumf>, %select_n3A_341, %reduce_min3A_342 [0] : vector<1024x8x64xf32> to vector<8x64xf32>
    %broadcast_in_dim3A_344 = vector.shape_cast %reduce_min3A_343 : vector<8x64xf32> to vector<1x8x64xf32>
    %eq3A_345 = vector.broadcast %broadcast_in_dim3A_344 : vector<1x8x64xf32> to vector<1024x8x64xf32>
    %eq3A_346 = arith.cmpf oeq, %select_n3A_341, %eq3A_345 : vector<1024x8x64xf32>
    %jit3A_347 = arith.constant 1024 : i32
    %broadcast_in_dim3A_348 = vector.broadcast %jit3A_347 : i32 to vector<1024x8x64xi32>
    %select_n3A_349 = arith.select %eq3A_346, %iota3A, %broadcast_in_dim3A_348 : vector<1024x8x64xi1>, vector<1024x8x64xi32>
    %reduce_min3A_350 = arith.constant dense<2147483647> : vector<8x64xi32>
    %reduce_min3A_351 = vector.multi_reduction <minsi>, %select_n3A_349, %reduce_min3A_350 [0] : vector<1024x8x64xi32> to vector<8x64xi32>
    %jit3A_352 = arith.constant 31 : i32
    %div3A_353 = vector.broadcast %jit3A_352 : i32 to vector<8x64xi32>
    %div3A_354 = arith.divsi %reduce_min3A_351, %div3A_353 : vector<8x64xi32>
    %sign3A_355 = arith.constant 0 : i32
    %sign3A_356 = vector.broadcast %sign3A_355 : i32 to vector<8x64xi32>
    %sign3A_357 = arith.cmpi sgt, %reduce_min3A_351, %sign3A_356 : vector<8x64xi32>
    %sign3A_358 = arith.extui %sign3A_357 : vector<8x64xi1> to vector<8x64xi32>
    %sign3A_359 = arith.constant 0 : i32
    %sign3A_360 = vector.broadcast %sign3A_359 : i32 to vector<8x64xi32>
    %sign3A_361 = arith.cmpi slt, %reduce_min3A_351, %sign3A_360 : vector<8x64xi32>
    %sign3A_362 = arith.extui %sign3A_361 : vector<8x64xi1> to vector<8x64xi32>
    %sign3A_363 = arith.subi %sign3A_358, %sign3A_362 : vector<8x64xi32>
    %sign3A_364 = arith.constant 0 : i32
    %sign3A_365 = arith.cmpi sgt, %jit3A_352, %sign3A_364 : i32
    %sign3A_366 = arith.extui %sign3A_365 : i1 to i32
    %sign3A_367 = arith.constant 0 : i32
    %sign3A_368 = arith.cmpi slt, %jit3A_352, %sign3A_367 : i32
    %sign3A_369 = arith.extui %sign3A_368 : i1 to i32
    %sign3A_370 = arith.subi %sign3A_366, %sign3A_369 : i32
    %ne3A_371 = vector.broadcast %sign3A_370 : i32 to vector<8x64xi32>
    %ne3A_372 = arith.cmpi ne, %sign3A_363, %ne3A_371 : vector<8x64xi32>
    %rem3A_373 = vector.broadcast %jit3A_352 : i32 to vector<8x64xi32>
    %rem3A_374 = arith.remsi %reduce_min3A_351, %rem3A_373 : vector<8x64xi32>
    %ne3A_375 = arith.constant 0 : i32
    %ne3A_376 = vector.broadcast %ne3A_375 : i32 to vector<8x64xi32>
    %ne3A_377 = arith.cmpi ne, %rem3A_374, %ne3A_376 : vector<8x64xi32>
    %and3A_378 = arith.andi %ne3A_372, %ne3A_377 : vector<8x64xi1>
    %sub3A_379 = arith.constant 1 : i32
    %sub3A_380 = vector.broadcast %sub3A_379 : i32 to vector<8x64xi32>
    %sub3A_381 = arith.subi %div3A_354, %sub3A_380 : vector<8x64xi32>
    %select_n3A_382 = arith.select %and3A_378, %sub3A_381, %div3A_354 : vector<8x64xi1>, vector<8x64xi32>
    %add3A_383 = arith.addi %select_n3A_382, %add3A_19 : vector<8x64xi32>
    %mul3A_384 = arith.constant 94 : i32
    %mul3A_385 = vector.broadcast %mul3A_384 : i32 to vector<8x64xi32>
    %mul3A_386 = arith.muli %add3A_383, %mul3A_385 : vector<8x64xi32>
    %jit3A_387 = arith.constant 31 : i32
    %eq3A_388 = arith.constant 0 : i32
    %eq3A_389 = arith.cmpi eq, %jit3A_387, %eq3A_388 : i32
    %jit3A_390 = arith.constant 1 : i32
    %select_n3A_391 = arith.select %eq3A_389, %jit3A_390, %jit3A_387 : i32
    %rem3A_392 = vector.broadcast %select_n3A_391 : i32 to vector<8x64xi32>
    %rem3A_393 = arith.remsi %reduce_min3A_351, %rem3A_392 : vector<8x64xi32>
    %ne3A_394 = arith.constant 0 : i32
    %ne3A_395 = vector.broadcast %ne3A_394 : i32 to vector<8x64xi32>
    %ne3A_396 = arith.cmpi ne, %rem3A_393, %ne3A_395 : vector<8x64xi32>
    %lt3A_397 = arith.constant 0 : i32
    %lt3A_398 = vector.broadcast %lt3A_397 : i32 to vector<8x64xi32>
    %lt3A_399 = arith.cmpi slt, %rem3A_393, %lt3A_398 : vector<8x64xi32>
    %lt3A_400 = arith.constant 0 : i32
    %lt3A_401 = arith.cmpi slt, %select_n3A_391, %lt3A_400 : i32
    %ne3A_402 = vector.broadcast %lt3A_401 : i1 to vector<8x64xi1>
    %ne3A_403 = vector.broadcast %ne3A_402 : vector<8x64xi1> to vector<8x64xi1>
    %ne3A_404 = arith.xori %lt3A_399, %ne3A_403 : vector<8x64xi1>
    %and3A_405 = arith.andi %ne3A_404, %ne3A_396 : vector<8x64xi1>
    %add3A_406 = vector.broadcast %select_n3A_391 : i32 to vector<8x64xi32>
    %add3A_407 = arith.addi %rem3A_393, %add3A_406 : vector<8x64xi32>
    %select_n3A_408 = arith.select %and3A_405, %add3A_407, %rem3A_393 : vector<8x64xi1>, vector<8x64xi32>
    %add3A_409 = arith.addi %select_n3A_408, %iota3A_20 : vector<8x64xi32>
    %add3A_410 = arith.addi %mul3A_386, %add3A_409 : vector<8x64xi32>
    %swap3A_411 = arith.constant 0 : index
    %swap3A_412 = arith.constant 0 : index
    %swap3A_413 = arith.constant 4 : index
    %swap3A_414 = arith.constant 0 : index
    %swap3A_415 = arith.constant 0 : index
    %swap3A_416 = vector.load %arg4[%swap3A_411, %swap3A_412, %swap3A_413, %swap3A_414, %swap3A_415] : memref<1x1x14x8x64xi32, #tpu.memory_space<vmem>>, vector<1x1x1x8x64xi32>
    %swap3A_417 = vector.shape_cast %swap3A_416 : vector<1x1x1x8x64xi32> to vector<8x64xi32>
    %swap3A_418 = vector.shape_cast %add3A_410 : vector<8x64xi32> to vector<1x1x1x8x64xi32>
    tpu.vector_store %arg4[%swap3A_411, %swap3A_412, %swap3A_413, %swap3A_414, %swap3A_415], %swap3A_418 {strides = array<i32>} : memref<1x1x14x8x64xi32, #tpu.memory_space<vmem>>, vector<1x1x1x8x64xi32>,
    %broadcast_in_dim3A_419 = vector.shape_cast %reduce_min3A_351 : vector<8x64xi32> to vector<1x8x64xi32>
    %eq3A_420 = vector.broadcast %broadcast_in_dim3A_419 : vector<1x8x64xi32> to vector<1024x8x64xi32>
    %eq3A_421 = arith.cmpi eq, %iota3A, %eq3A_420 : vector<1024x8x64xi32>
    %jit3A_422 = arith.constant 1.000000e+30 : f32
    %broadcast_in_dim3A_423 = vector.broadcast %jit3A_422 : f32 to vector<1024x8x64xf32>
    %select_n3A_424 = arith.select %eq3A_421, %broadcast_in_dim3A_423, %select_n3A_341 : vector<1024x8x64xi1>, vector<1024x8x64xf32>
    %reduce_min3A_425 = arith.constant dense<0x7F800000> : vector<8x64xf32>
    %reduce_min3A_426 = vector.multi_reduction <minimumf>, %select_n3A_424, %reduce_min3A_425 [0] : vector<1024x8x64xf32> to vector<8x64xf32>
    %broadcast_in_dim3A_427 = vector.shape_cast %reduce_min3A_426 : vector<8x64xf32> to vector<1x8x64xf32>
    %eq3A_428 = vector.broadcast %broadcast_in_dim3A_427 : vector<1x8x64xf32> to vector<1024x8x64xf32>
    %eq3A_429 = arith.cmpf oeq, %select_n3A_424, %eq3A_428 : vector<1024x8x64xf32>
    %jit3A_430 = arith.constant 1024 : i32
    %broadcast_in_dim3A_431 = vector.broadcast %jit3A_430 : i32 to vector<1024x8x64xi32>
    %select_n3A_432 = arith.select %eq3A_429, %iota3A, %broadcast_in_dim3A_431 : vector<1024x8x64xi1>, vector<1024x8x64xi32>
    %reduce_min3A_433 = arith.constant dense<2147483647> : vector<8x64xi32>
    %reduce_min3A_434 = vector.multi_reduction <minsi>, %select_n3A_432, %reduce_min3A_433 [0] : vector<1024x8x64xi32> to vector<8x64xi32>
    %jit3A_435 = arith.constant 31 : i32
    %div3A_436 = vector.broadcast %jit3A_435 : i32 to vector<8x64xi32>
    %div3A_437 = arith.divsi %reduce_min3A_434, %div3A_436 : vector<8x64xi32>
    %sign3A_438 = arith.constant 0 : i32
    %sign3A_439 = vector.broadcast %sign3A_438 : i32 to vector<8x64xi32>
    %sign3A_440 = arith.cmpi sgt, %reduce_min3A_434, %sign3A_439 : vector<8x64xi32>
    %sign3A_441 = arith.extui %sign3A_440 : vector<8x64xi1> to vector<8x64xi32>
    %sign3A_442 = arith.constant 0 : i32
    %sign3A_443 = vector.broadcast %sign3A_442 : i32 to vector<8x64xi32>
    %sign3A_444 = arith.cmpi slt, %reduce_min3A_434, %sign3A_443 : vector<8x64xi32>
    %sign3A_445 = arith.extui %sign3A_444 : vector<8x64xi1> to vector<8x64xi32>
    %sign3A_446 = arith.subi %sign3A_441, %sign3A_445 : vector<8x64xi32>
    %sign3A_447 = arith.constant 0 : i32
    %sign3A_448 = arith.cmpi sgt, %jit3A_435, %sign3A_447 : i32
    %sign3A_449 = arith.extui %sign3A_448 : i1 to i32
    %sign3A_450 = arith.constant 0 : i32
    %sign3A_451 = arith.cmpi slt, %jit3A_435, %sign3A_450 : i32
    %sign3A_452 = arith.extui %sign3A_451 : i1 to i32
    %sign3A_453 = arith.subi %sign3A_449, %sign3A_452 : i32
    %ne3A_454 = vector.broadcast %sign3A_453 : i32 to vector<8x64xi32>
    %ne3A_455 = arith.cmpi ne, %sign3A_446, %ne3A_454 : vector<8x64xi32>
    %rem3A_456 = vector.broadcast %jit3A_435 : i32 to vector<8x64xi32>
    %rem3A_457 = arith.remsi %reduce_min3A_434, %rem3A_456 : vector<8x64xi32>
    %ne3A_458 = arith.constant 0 : i32
    %ne3A_459 = vector.broadcast %ne3A_458 : i32 to vector<8x64xi32>
    %ne3A_460 = arith.cmpi ne, %rem3A_457, %ne3A_459 : vector<8x64xi32>
    %and3A_461 = arith.andi %ne3A_455, %ne3A_460 : vector<8x64xi1>
    %sub3A_462 = arith.constant 1 : i32
    %sub3A_463 = vector.broadcast %sub3A_462 : i32 to vector<8x64xi32>
    %sub3A_464 = arith.subi %div3A_437, %sub3A_463 : vector<8x64xi32>
    %select_n3A_465 = arith.select %and3A_461, %sub3A_464, %div3A_437 : vector<8x64xi1>, vector<8x64xi32>
    %add3A_466 = arith.addi %select_n3A_465, %add3A_19 : vector<8x64xi32>
    %mul3A_467 = arith.constant 94 : i32
    %mul3A_468 = vector.broadcast %mul3A_467 : i32 to vector<8x64xi32>
    %mul3A_469 = arith.muli %add3A_466, %mul3A_468 : vector<8x64xi32>
    %jit3A_470 = arith.constant 31 : i32
    %eq3A_471 = arith.constant 0 : i32
    %eq3A_472 = arith.cmpi eq, %jit3A_470, %eq3A_471 : i32
    %jit3A_473 = arith.constant 1 : i32
    %select_n3A_474 = arith.select %eq3A_472, %jit3A_473, %jit3A_470 : i32
    %rem3A_475 = vector.broadcast %select_n3A_474 : i32 to vector<8x64xi32>
    %rem3A_476 = arith.remsi %reduce_min3A_434, %rem3A_475 : vector<8x64xi32>
    %ne3A_477 = arith.constant 0 : i32
    %ne3A_478 = vector.broadcast %ne3A_477 : i32 to vector<8x64xi32>
    %ne3A_479 = arith.cmpi ne, %rem3A_476, %ne3A_478 : vector<8x64xi32>
    %lt3A_480 = arith.constant 0 : i32
    %lt3A_481 = vector.broadcast %lt3A_480 : i32 to vector<8x64xi32>
    %lt3A_482 = arith.cmpi slt, %rem3A_476, %lt3A_481 : vector<8x64xi32>
    %lt3A_483 = arith.constant 0 : i32
    %lt3A_484 = arith.cmpi slt, %select_n3A_474, %lt3A_483 : i32
    %ne3A_485 = vector.broadcast %lt3A_484 : i1 to vector<8x64xi1>
    %ne3A_486 = vector.broadcast %ne3A_485 : vector<8x64xi1> to vector<8x64xi1>
    %ne3A_487 = arith.xori %lt3A_482, %ne3A_486 : vector<8x64xi1>
    %and3A_488 = arith.andi %ne3A_487, %ne3A_479 : vector<8x64xi1>
    %add3A_489 = vector.broadcast %select_n3A_474 : i32 to vector<8x64xi32>
    %add3A_490 = arith.addi %rem3A_476, %add3A_489 : vector<8x64xi32>
    %select_n3A_491 = arith.select %and3A_488, %add3A_490, %rem3A_476 : vector<8x64xi1>, vector<8x64xi32>
    %add3A_492 = arith.addi %select_n3A_491, %iota3A_20 : vector<8x64xi32>
    %add3A_493 = arith.addi %mul3A_469, %add3A_492 : vector<8x64xi32>
    %swap3A_494 = arith.constant 0 : index
    %swap3A_495 = arith.constant 0 : index
    %swap3A_496 = arith.constant 5 : index
    %swap3A_497 = arith.constant 0 : index
    %swap3A_498 = arith.constant 0 : index
    %swap3A_499 = vector.load %arg4[%swap3A_494, %swap3A_495, %swap3A_496, %swap3A_497, %swap3A_498] : memref<1x1x14x8x64xi32, #tpu.memory_space<vmem>>, vector<1x1x1x8x64xi32>
    %swap3A_500 = vector.shape_cast %swap3A_499 : vector<1x1x1x8x64xi32> to vector<8x64xi32>
    %swap3A_501 = vector.shape_cast %add3A_493 : vector<8x64xi32> to vector<1x1x1x8x64xi32>
    tpu.vector_store %arg4[%swap3A_494, %swap3A_495, %swap3A_496, %swap3A_497, %swap3A_498], %swap3A_501 {strides = array<i32>} : memref<1x1x14x8x64xi32, #tpu.memory_space<vmem>>, vector<1x1x1x8x64xi32>,
    %broadcast_in_dim3A_502 = vector.shape_cast %reduce_min3A_434 : vector<8x64xi32> to vector<1x8x64xi32>
    %eq3A_503 = vector.broadcast %broadcast_in_dim3A_502 : vector<1x8x64xi32> to vector<1024x8x64xi32>
    %eq3A_504 = arith.cmpi eq, %iota3A, %eq3A_503 : vector<1024x8x64xi32>
    %jit3A_505 = arith.constant 1.000000e+30 : f32
    %broadcast_in_dim3A_506 = vector.broadcast %jit3A_505 : f32 to vector<1024x8x64xf32>
    %select_n3A_507 = arith.select %eq3A_504, %broadcast_in_dim3A_506, %select_n3A_424 : vector<1024x8x64xi1>, vector<1024x8x64xf32>
    %reduce_min3A_508 = arith.constant dense<0x7F800000> : vector<8x64xf32>
    %reduce_min3A_509 = vector.multi_reduction <minimumf>, %select_n3A_507, %reduce_min3A_508 [0] : vector<1024x8x64xf32> to vector<8x64xf32>
    %broadcast_in_dim3A_510 = vector.shape_cast %reduce_min3A_509 : vector<8x64xf32> to vector<1x8x64xf32>
    %eq3A_511 = vector.broadcast %broadcast_in_dim3A_510 : vector<1x8x64xf32> to vector<1024x8x64xf32>
    %eq3A_512 = arith.cmpf oeq, %select_n3A_507, %eq3A_511 : vector<1024x8x64xf32>
    %jit3A_513 = arith.constant 1024 : i32
    %broadcast_in_dim3A_514 = vector.broadcast %jit3A_513 : i32 to vector<1024x8x64xi32>
    %select_n3A_515 = arith.select %eq3A_512, %iota3A, %broadcast_in_dim3A_514 : vector<1024x8x64xi1>, vector<1024x8x64xi32>
    %reduce_min3A_516 = arith.constant dense<2147483647> : vector<8x64xi32>
    %reduce_min3A_517 = vector.multi_reduction <minsi>, %select_n3A_515, %reduce_min3A_516 [0] : vector<1024x8x64xi32> to vector<8x64xi32>
    %jit3A_518 = arith.constant 31 : i32
    %div3A_519 = vector.broadcast %jit3A_518 : i32 to vector<8x64xi32>
    %div3A_520 = arith.divsi %reduce_min3A_517, %div3A_519 : vector<8x64xi32>
    %sign3A_521 = arith.constant 0 : i32
    %sign3A_522 = vector.broadcast %sign3A_521 : i32 to vector<8x64xi32>
    %sign3A_523 = arith.cmpi sgt, %reduce_min3A_517, %sign3A_522 : vector<8x64xi32>
    %sign3A_524 = arith.extui %sign3A_523 : vector<8x64xi1> to vector<8x64xi32>
    %sign3A_525 = arith.constant 0 : i32
    %sign3A_526 = vector.broadcast %sign3A_525 : i32 to vector<8x64xi32>
    %sign3A_527 = arith.cmpi slt, %reduce_min3A_517, %sign3A_526 : vector<8x64xi32>
    %sign3A_528 = arith.extui %sign3A_527 : vector<8x64xi1> to vector<8x64xi32>
    %sign3A_529 = arith.subi %sign3A_524, %sign3A_528 : vector<8x64xi32>
    %sign3A_530 = arith.constant 0 : i32
    %sign3A_531 = arith.cmpi sgt, %jit3A_518, %sign3A_530 : i32
    %sign3A_532 = arith.extui %sign3A_531 : i1 to i32
    %sign3A_533 = arith.constant 0 : i32
    %sign3A_534 = arith.cmpi slt, %jit3A_518, %sign3A_533 : i32
    %sign3A_535 = arith.extui %sign3A_534 : i1 to i32
    %sign3A_536 = arith.subi %sign3A_532, %sign3A_535 : i32
    %ne3A_537 = vector.broadcast %sign3A_536 : i32 to vector<8x64xi32>
    %ne3A_538 = arith.cmpi ne, %sign3A_529, %ne3A_537 : vector<8x64xi32>
    %rem3A_539 = vector.broadcast %jit3A_518 : i32 to vector<8x64xi32>
    %rem3A_540 = arith.remsi %reduce_min3A_517, %rem3A_539 : vector<8x64xi32>
    %ne3A_541 = arith.constant 0 : i32
    %ne3A_542 = vector.broadcast %ne3A_541 : i32 to vector<8x64xi32>
    %ne3A_543 = arith.cmpi ne, %rem3A_540, %ne3A_542 : vector<8x64xi32>
    %and3A_544 = arith.andi %ne3A_538, %ne3A_543 : vector<8x64xi1>
    %sub3A_545 = arith.constant 1 : i32
    %sub3A_546 = vector.broadcast %sub3A_545 : i32 to vector<8x64xi32>
    %sub3A_547 = arith.subi %div3A_520, %sub3A_546 : vector<8x64xi32>
    %select_n3A_548 = arith.select %and3A_544, %sub3A_547, %div3A_520 : vector<8x64xi1>, vector<8x64xi32>
    %add3A_549 = arith.addi %select_n3A_548, %add3A_19 : vector<8x64xi32>
    %mul3A_550 = arith.constant 94 : i32
    %mul3A_551 = vector.broadcast %mul3A_550 : i32 to vector<8x64xi32>
    %mul3A_552 = arith.muli %add3A_549, %mul3A_551 : vector<8x64xi32>
    %jit3A_553 = arith.constant 31 : i32
    %eq3A_554 = arith.constant 0 : i32
    %eq3A_555 = arith.cmpi eq, %jit3A_553, %eq3A_554 : i32
    %jit3A_556 = arith.constant 1 : i32
    %select_n3A_557 = arith.select %eq3A_555, %jit3A_556, %jit3A_553 : i32
    %rem3A_558 = vector.broadcast %select_n3A_557 : i32 to vector<8x64xi32>
    %rem3A_559 = arith.remsi %reduce_min3A_517, %rem3A_558 : vector<8x64xi32>
    %ne3A_560 = arith.constant 0 : i32
    %ne3A_561 = vector.broadcast %ne3A_560 : i32 to vector<8x64xi32>
    %ne3A_562 = arith.cmpi ne, %rem3A_559, %ne3A_561 : vector<8x64xi32>
    %lt3A_563 = arith.constant 0 : i32
    %lt3A_564 = vector.broadcast %lt3A_563 : i32 to vector<8x64xi32>
    %lt3A_565 = arith.cmpi slt, %rem3A_559, %lt3A_564 : vector<8x64xi32>
    %lt3A_566 = arith.constant 0 : i32
    %lt3A_567 = arith.cmpi slt, %select_n3A_557, %lt3A_566 : i32
    %ne3A_568 = vector.broadcast %lt3A_567 : i1 to vector<8x64xi1>
    %ne3A_569 = vector.broadcast %ne3A_568 : vector<8x64xi1> to vector<8x64xi1>
    %ne3A_570 = arith.xori %lt3A_565, %ne3A_569 : vector<8x64xi1>
    %and3A_571 = arith.andi %ne3A_570, %ne3A_562 : vector<8x64xi1>
    %add3A_572 = vector.broadcast %select_n3A_557 : i32 to vector<8x64xi32>
    %add3A_573 = arith.addi %rem3A_559, %add3A_572 : vector<8x64xi32>
    %select_n3A_574 = arith.select %and3A_571, %add3A_573, %rem3A_559 : vector<8x64xi1>, vector<8x64xi32>
    %add3A_575 = arith.addi %select_n3A_574, %iota3A_20 : vector<8x64xi32>
    %add3A_576 = arith.addi %mul3A_552, %add3A_575 : vector<8x64xi32>
    %swap3A_577 = arith.constant 0 : index
    %swap3A_578 = arith.constant 0 : index
    %swap3A_579 = arith.constant 6 : index
    %swap3A_580 = arith.constant 0 : index
    %swap3A_581 = arith.constant 0 : index
    %swap3A_582 = vector.load %arg4[%swap3A_577, %swap3A_578, %swap3A_579, %swap3A_580, %swap3A_581] : memref<1x1x14x8x64xi32, #tpu.memory_space<vmem>>, vector<1x1x1x8x64xi32>
    %swap3A_583 = vector.shape_cast %swap3A_582 : vector<1x1x1x8x64xi32> to vector<8x64xi32>
    %swap3A_584 = vector.shape_cast %add3A_576 : vector<8x64xi32> to vector<1x1x1x8x64xi32>
    tpu.vector_store %arg4[%swap3A_577, %swap3A_578, %swap3A_579, %swap3A_580, %swap3A_581], %swap3A_584 {strides = array<i32>} : memref<1x1x14x8x64xi32, #tpu.memory_space<vmem>>, vector<1x1x1x8x64xi32>,
    %broadcast_in_dim3A_585 = vector.shape_cast %reduce_min3A_517 : vector<8x64xi32> to vector<1x8x64xi32>
    %eq3A_586 = vector.broadcast %broadcast_in_dim3A_585 : vector<1x8x64xi32> to vector<1024x8x64xi32>
    %eq3A_587 = arith.cmpi eq, %iota3A, %eq3A_586 : vector<1024x8x64xi32>
    %jit3A_588 = arith.constant 1.000000e+30 : f32
    %broadcast_in_dim3A_589 = vector.broadcast %jit3A_588 : f32 to vector<1024x8x64xf32>
    %select_n3A_590 = arith.select %eq3A_587, %broadcast_in_dim3A_589, %select_n3A_507 : vector<1024x8x64xi1>, vector<1024x8x64xf32>
    %reduce_min3A_591 = arith.constant dense<0x7F800000> : vector<8x64xf32>
    %reduce_min3A_592 = vector.multi_reduction <minimumf>, %select_n3A_590, %reduce_min3A_591 [0] : vector<1024x8x64xf32> to vector<8x64xf32>
    %broadcast_in_dim3A_593 = vector.shape_cast %reduce_min3A_592 : vector<8x64xf32> to vector<1x8x64xf32>
    %eq3A_594 = vector.broadcast %broadcast_in_dim3A_593 : vector<1x8x64xf32> to vector<1024x8x64xf32>
    %eq3A_595 = arith.cmpf oeq, %select_n3A_590, %eq3A_594 : vector<1024x8x64xf32>
    %jit3A_596 = arith.constant 1024 : i32
    %broadcast_in_dim3A_597 = vector.broadcast %jit3A_596 : i32 to vector<1024x8x64xi32>
    %select_n3A_598 = arith.select %eq3A_595, %iota3A, %broadcast_in_dim3A_597 : vector<1024x8x64xi1>, vector<1024x8x64xi32>
    %reduce_min3A_599 = arith.constant dense<2147483647> : vector<8x64xi32>
    %reduce_min3A_600 = vector.multi_reduction <minsi>, %select_n3A_598, %reduce_min3A_599 [0] : vector<1024x8x64xi32> to vector<8x64xi32>
    %jit3A_601 = arith.constant 31 : i32
    %div3A_602 = vector.broadcast %jit3A_601 : i32 to vector<8x64xi32>
    %div3A_603 = arith.divsi %reduce_min3A_600, %div3A_602 : vector<8x64xi32>
    %sign3A_604 = arith.constant 0 : i32
    %sign3A_605 = vector.broadcast %sign3A_604 : i32 to vector<8x64xi32>
    %sign3A_606 = arith.cmpi sgt, %reduce_min3A_600, %sign3A_605 : vector<8x64xi32>
    %sign3A_607 = arith.extui %sign3A_606 : vector<8x64xi1> to vector<8x64xi32>
    %sign3A_608 = arith.constant 0 : i32
    %sign3A_609 = vector.broadcast %sign3A_608 : i32 to vector<8x64xi32>
    %sign3A_610 = arith.cmpi slt, %reduce_min3A_600, %sign3A_609 : vector<8x64xi32>
    %sign3A_611 = arith.extui %sign3A_610 : vector<8x64xi1> to vector<8x64xi32>
    %sign3A_612 = arith.subi %sign3A_607, %sign3A_611 : vector<8x64xi32>
    %sign3A_613 = arith.constant 0 : i32
    %sign3A_614 = arith.cmpi sgt, %jit3A_601, %sign3A_613 : i32
    %sign3A_615 = arith.extui %sign3A_614 : i1 to i32
    %sign3A_616 = arith.constant 0 : i32
    %sign3A_617 = arith.cmpi slt, %jit3A_601, %sign3A_616 : i32
    %sign3A_618 = arith.extui %sign3A_617 : i1 to i32
    %sign3A_619 = arith.subi %sign3A_615, %sign3A_618 : i32
    %ne3A_620 = vector.broadcast %sign3A_619 : i32 to vector<8x64xi32>
    %ne3A_621 = arith.cmpi ne, %sign3A_612, %ne3A_620 : vector<8x64xi32>
    %rem3A_622 = vector.broadcast %jit3A_601 : i32 to vector<8x64xi32>
    %rem3A_623 = arith.remsi %reduce_min3A_600, %rem3A_622 : vector<8x64xi32>
    %ne3A_624 = arith.constant 0 : i32
    %ne3A_625 = vector.broadcast %ne3A_624 : i32 to vector<8x64xi32>
    %ne3A_626 = arith.cmpi ne, %rem3A_623, %ne3A_625 : vector<8x64xi32>
    %and3A_627 = arith.andi %ne3A_621, %ne3A_626 : vector<8x64xi1>
    %sub3A_628 = arith.constant 1 : i32
    %sub3A_629 = vector.broadcast %sub3A_628 : i32 to vector<8x64xi32>
    %sub3A_630 = arith.subi %div3A_603, %sub3A_629 : vector<8x64xi32>
    %select_n3A_631 = arith.select %and3A_627, %sub3A_630, %div3A_603 : vector<8x64xi1>, vector<8x64xi32>
    %add3A_632 = arith.addi %select_n3A_631, %add3A_19 : vector<8x64xi32>
    %mul3A_633 = arith.constant 94 : i32
    %mul3A_634 = vector.broadcast %mul3A_633 : i32 to vector<8x64xi32>
    %mul3A_635 = arith.muli %add3A_632, %mul3A_634 : vector<8x64xi32>
    %jit3A_636 = arith.constant 31 : i32
    %eq3A_637 = arith.constant 0 : i32
    %eq3A_638 = arith.cmpi eq, %jit3A_636, %eq3A_637 : i32
    %jit3A_639 = arith.constant 1 : i32
    %select_n3A_640 = arith.select %eq3A_638, %jit3A_639, %jit3A_636 : i32
    %rem3A_641 = vector.broadcast %select_n3A_640 : i32 to vector<8x64xi32>
    %rem3A_642 = arith.remsi %reduce_min3A_600, %rem3A_641 : vector<8x64xi32>
    %ne3A_643 = arith.constant 0 : i32
    %ne3A_644 = vector.broadcast %ne3A_643 : i32 to vector<8x64xi32>
    %ne3A_645 = arith.cmpi ne, %rem3A_642, %ne3A_644 : vector<8x64xi32>
    %lt3A_646 = arith.constant 0 : i32
    %lt3A_647 = vector.broadcast %lt3A_646 : i32 to vector<8x64xi32>
    %lt3A_648 = arith.cmpi slt, %rem3A_642, %lt3A_647 : vector<8x64xi32>
    %lt3A_649 = arith.constant 0 : i32
    %lt3A_650 = arith.cmpi slt, %select_n3A_640, %lt3A_649 : i32
    %ne3A_651 = vector.broadcast %lt3A_650 : i1 to vector<8x64xi1>
    %ne3A_652 = vector.broadcast %ne3A_651 : vector<8x64xi1> to vector<8x64xi1>
    %ne3A_653 = arith.xori %lt3A_648, %ne3A_652 : vector<8x64xi1>
    %and3A_654 = arith.andi %ne3A_653, %ne3A_645 : vector<8x64xi1>
    %add3A_655 = vector.broadcast %select_n3A_640 : i32 to vector<8x64xi32>
    %add3A_656 = arith.addi %rem3A_642, %add3A_655 : vector<8x64xi32>
    %select_n3A_657 = arith.select %and3A_654, %add3A_656, %rem3A_642 : vector<8x64xi1>, vector<8x64xi32>
    %add3A_658 = arith.addi %select_n3A_657, %iota3A_20 : vector<8x64xi32>
    %add3A_659 = arith.addi %mul3A_635, %add3A_658 : vector<8x64xi32>
    %swap3A_660 = arith.constant 0 : index
    %swap3A_661 = arith.constant 0 : index
    %swap3A_662 = arith.constant 7 : index
    %swap3A_663 = arith.constant 0 : index
    %swap3A_664 = arith.constant 0 : index
    %swap3A_665 = vector.load %arg4[%swap3A_660, %swap3A_661, %swap3A_662, %swap3A_663, %swap3A_664] : memref<1x1x14x8x64xi32, #tpu.memory_space<vmem>>, vector<1x1x1x8x64xi32>
    %swap3A_666 = vector.shape_cast %swap3A_665 : vector<1x1x1x8x64xi32> to vector<8x64xi32>
    %swap3A_667 = vector.shape_cast %add3A_659 : vector<8x64xi32> to vector<1x1x1x8x64xi32>
    tpu.vector_store %arg4[%swap3A_660, %swap3A_661, %swap3A_662, %swap3A_663, %swap3A_664], %swap3A_667 {strides = array<i32>} : memref<1x1x14x8x64xi32, #tpu.memory_space<vmem>>, vector<1x1x1x8x64xi32>,
    %broadcast_in_dim3A_668 = vector.shape_cast %reduce_min3A_600 : vector<8x64xi32> to vector<1x8x64xi32>
    %eq3A_669 = vector.broadcast %broadcast_in_dim3A_668 : vector<1x8x64xi32> to vector<1024x8x64xi32>
    %eq3A_670 = arith.cmpi eq, %iota3A, %eq3A_669 : vector<1024x8x64xi32>
    %jit3A_671 = arith.constant 1.000000e+30 : f32
    %broadcast_in_dim3A_672 = vector.broadcast %jit3A_671 : f32 to vector<1024x8x64xf32>
    %select_n3A_673 = arith.select %eq3A_670, %broadcast_in_dim3A_672, %select_n3A_590 : vector<1024x8x64xi1>, vector<1024x8x64xf32>
    %reduce_min3A_674 = arith.constant dense<0x7F800000> : vector<8x64xf32>
    %reduce_min3A_675 = vector.multi_reduction <minimumf>, %select_n3A_673, %reduce_min3A_674 [0] : vector<1024x8x64xf32> to vector<8x64xf32>
    %broadcast_in_dim3A_676 = vector.shape_cast %reduce_min3A_675 : vector<8x64xf32> to vector<1x8x64xf32>
    %eq3A_677 = vector.broadcast %broadcast_in_dim3A_676 : vector<1x8x64xf32> to vector<1024x8x64xf32>
    %eq3A_678 = arith.cmpf oeq, %select_n3A_673, %eq3A_677 : vector<1024x8x64xf32>
    %jit3A_679 = arith.constant 1024 : i32
    %broadcast_in_dim3A_680 = vector.broadcast %jit3A_679 : i32 to vector<1024x8x64xi32>
    %select_n3A_681 = arith.select %eq3A_678, %iota3A, %broadcast_in_dim3A_680 : vector<1024x8x64xi1>, vector<1024x8x64xi32>
    %reduce_min3A_682 = arith.constant dense<2147483647> : vector<8x64xi32>
    %reduce_min3A_683 = vector.multi_reduction <minsi>, %select_n3A_681, %reduce_min3A_682 [0] : vector<1024x8x64xi32> to vector<8x64xi32>
    %jit3A_684 = arith.constant 31 : i32
    %div3A_685 = vector.broadcast %jit3A_684 : i32 to vector<8x64xi32>
    %div3A_686 = arith.divsi %reduce_min3A_683, %div3A_685 : vector<8x64xi32>
    %sign3A_687 = arith.constant 0 : i32
    %sign3A_688 = vector.broadcast %sign3A_687 : i32 to vector<8x64xi32>
    %sign3A_689 = arith.cmpi sgt, %reduce_min3A_683, %sign3A_688 : vector<8x64xi32>
    %sign3A_690 = arith.extui %sign3A_689 : vector<8x64xi1> to vector<8x64xi32>
    %sign3A_691 = arith.constant 0 : i32
    %sign3A_692 = vector.broadcast %sign3A_691 : i32 to vector<8x64xi32>
    %sign3A_693 = arith.cmpi slt, %reduce_min3A_683, %sign3A_692 : vector<8x64xi32>
    %sign3A_694 = arith.extui %sign3A_693 : vector<8x64xi1> to vector<8x64xi32>
    %sign3A_695 = arith.subi %sign3A_690, %sign3A_694 : vector<8x64xi32>
    %sign3A_696 = arith.constant 0 : i32
    %sign3A_697 = arith.cmpi sgt, %jit3A_684, %sign3A_696 : i32
    %sign3A_698 = arith.extui %sign3A_697 : i1 to i32
    %sign3A_699 = arith.constant 0 : i32
    %sign3A_700 = arith.cmpi slt, %jit3A_684, %sign3A_699 : i32
    %sign3A_701 = arith.extui %sign3A_700 : i1 to i32
    %sign3A_702 = arith.subi %sign3A_698, %sign3A_701 : i32
    %ne3A_703 = vector.broadcast %sign3A_702 : i32 to vector<8x64xi32>
    %ne3A_704 = arith.cmpi ne, %sign3A_695, %ne3A_703 : vector<8x64xi32>
    %rem3A_705 = vector.broadcast %jit3A_684 : i32 to vector<8x64xi32>
    %rem3A_706 = arith.remsi %reduce_min3A_683, %rem3A_705 : vector<8x64xi32>
    %ne3A_707 = arith.constant 0 : i32
    %ne3A_708 = vector.broadcast %ne3A_707 : i32 to vector<8x64xi32>
    %ne3A_709 = arith.cmpi ne, %rem3A_706, %ne3A_708 : vector<8x64xi32>
    %and3A_710 = arith.andi %ne3A_704, %ne3A_709 : vector<8x64xi1>
    %sub3A_711 = arith.constant 1 : i32
    %sub3A_712 = vector.broadcast %sub3A_711 : i32 to vector<8x64xi32>
    %sub3A_713 = arith.subi %div3A_686, %sub3A_712 : vector<8x64xi32>
    %select_n3A_714 = arith.select %and3A_710, %sub3A_713, %div3A_686 : vector<8x64xi1>, vector<8x64xi32>
    %add3A_715 = arith.addi %select_n3A_714, %add3A_19 : vector<8x64xi32>
    %mul3A_716 = arith.constant 94 : i32
    %mul3A_717 = vector.broadcast %mul3A_716 : i32 to vector<8x64xi32>
    %mul3A_718 = arith.muli %add3A_715, %mul3A_717 : vector<8x64xi32>
    %jit3A_719 = arith.constant 31 : i32
    %eq3A_720 = arith.constant 0 : i32
    %eq3A_721 = arith.cmpi eq, %jit3A_719, %eq3A_720 : i32
    %jit3A_722 = arith.constant 1 : i32
    %select_n3A_723 = arith.select %eq3A_721, %jit3A_722, %jit3A_719 : i32
    %rem3A_724 = vector.broadcast %select_n3A_723 : i32 to vector<8x64xi32>
    %rem3A_725 = arith.remsi %reduce_min3A_683, %rem3A_724 : vector<8x64xi32>
    %ne3A_726 = arith.constant 0 : i32
    %ne3A_727 = vector.broadcast %ne3A_726 : i32 to vector<8x64xi32>
    %ne3A_728 = arith.cmpi ne, %rem3A_725, %ne3A_727 : vector<8x64xi32>
    %lt3A_729 = arith.constant 0 : i32
    %lt3A_730 = vector.broadcast %lt3A_729 : i32 to vector<8x64xi32>
    %lt3A_731 = arith.cmpi slt, %rem3A_725, %lt3A_730 : vector<8x64xi32>
    %lt3A_732 = arith.constant 0 : i32
    %lt3A_733 = arith.cmpi slt, %select_n3A_723, %lt3A_732 : i32
    %ne3A_734 = vector.broadcast %lt3A_733 : i1 to vector<8x64xi1>
    %ne3A_735 = vector.broadcast %ne3A_734 : vector<8x64xi1> to vector<8x64xi1>
    %ne3A_736 = arith.xori %lt3A_731, %ne3A_735 : vector<8x64xi1>
    %and3A_737 = arith.andi %ne3A_736, %ne3A_728 : vector<8x64xi1>
    %add3A_738 = vector.broadcast %select_n3A_723 : i32 to vector<8x64xi32>
    %add3A_739 = arith.addi %rem3A_725, %add3A_738 : vector<8x64xi32>
    %select_n3A_740 = arith.select %and3A_737, %add3A_739, %rem3A_725 : vector<8x64xi1>, vector<8x64xi32>
    %add3A_741 = arith.addi %select_n3A_740, %iota3A_20 : vector<8x64xi32>
    %add3A_742 = arith.addi %mul3A_718, %add3A_741 : vector<8x64xi32>
    %swap3A_743 = arith.constant 0 : index
    %swap3A_744 = arith.constant 0 : index
    %swap3A_745 = arith.constant 8 : index
    %swap3A_746 = arith.constant 0 : index
    %swap3A_747 = arith.constant 0 : index
    %swap3A_748 = vector.load %arg4[%swap3A_743, %swap3A_744, %swap3A_745, %swap3A_746, %swap3A_747] : memref<1x1x14x8x64xi32, #tpu.memory_space<vmem>>, vector<1x1x1x8x64xi32>
    %swap3A_749 = vector.shape_cast %swap3A_748 : vector<1x1x1x8x64xi32> to vector<8x64xi32>
    %swap3A_750 = vector.shape_cast %add3A_742 : vector<8x64xi32> to vector<1x1x1x8x64xi32>
    tpu.vector_store %arg4[%swap3A_743, %swap3A_744, %swap3A_745, %swap3A_746, %swap3A_747], %swap3A_750 {strides = array<i32>} : memref<1x1x14x8x64xi32, #tpu.memory_space<vmem>>, vector<1x1x1x8x64xi32>,
    %broadcast_in_dim3A_751 = vector.shape_cast %reduce_min3A_683 : vector<8x64xi32> to vector<1x8x64xi32>
    %eq3A_752 = vector.broadcast %broadcast_in_dim3A_751 : vector<1x8x64xi32> to vector<1024x8x64xi32>
    %eq3A_753 = arith.cmpi eq, %iota3A, %eq3A_752 : vector<1024x8x64xi32>
    %jit3A_754 = arith.constant 1.000000e+30 : f32
    %broadcast_in_dim3A_755 = vector.broadcast %jit3A_754 : f32 to vector<1024x8x64xf32>
    %select_n3A_756 = arith.select %eq3A_753, %broadcast_in_dim3A_755, %select_n3A_673 : vector<1024x8x64xi1>, vector<1024x8x64xf32>
    %reduce_min3A_757 = arith.constant dense<0x7F800000> : vector<8x64xf32>
    %reduce_min3A_758 = vector.multi_reduction <minimumf>, %select_n3A_756, %reduce_min3A_757 [0] : vector<1024x8x64xf32> to vector<8x64xf32>
    %broadcast_in_dim3A_759 = vector.shape_cast %reduce_min3A_758 : vector<8x64xf32> to vector<1x8x64xf32>
    %eq3A_760 = vector.broadcast %broadcast_in_dim3A_759 : vector<1x8x64xf32> to vector<1024x8x64xf32>
    %eq3A_761 = arith.cmpf oeq, %select_n3A_756, %eq3A_760 : vector<1024x8x64xf32>
    %jit3A_762 = arith.constant 1024 : i32
    %broadcast_in_dim3A_763 = vector.broadcast %jit3A_762 : i32 to vector<1024x8x64xi32>
    %select_n3A_764 = arith.select %eq3A_761, %iota3A, %broadcast_in_dim3A_763 : vector<1024x8x64xi1>, vector<1024x8x64xi32>
    %reduce_min3A_765 = arith.constant dense<2147483647> : vector<8x64xi32>
    %reduce_min3A_766 = vector.multi_reduction <minsi>, %select_n3A_764, %reduce_min3A_765 [0] : vector<1024x8x64xi32> to vector<8x64xi32>
    %jit3A_767 = arith.constant 31 : i32
    %div3A_768 = vector.broadcast %jit3A_767 : i32 to vector<8x64xi32>
    %div3A_769 = arith.divsi %reduce_min3A_766, %div3A_768 : vector<8x64xi32>
    %sign3A_770 = arith.constant 0 : i32
    %sign3A_771 = vector.broadcast %sign3A_770 : i32 to vector<8x64xi32>
    %sign3A_772 = arith.cmpi sgt, %reduce_min3A_766, %sign3A_771 : vector<8x64xi32>
    %sign3A_773 = arith.extui %sign3A_772 : vector<8x64xi1> to vector<8x64xi32>
    %sign3A_774 = arith.constant 0 : i32
    %sign3A_775 = vector.broadcast %sign3A_774 : i32 to vector<8x64xi32>
    %sign3A_776 = arith.cmpi slt, %reduce_min3A_766, %sign3A_775 : vector<8x64xi32>
    %sign3A_777 = arith.extui %sign3A_776 : vector<8x64xi1> to vector<8x64xi32>
    %sign3A_778 = arith.subi %sign3A_773, %sign3A_777 : vector<8x64xi32>
    %sign3A_779 = arith.constant 0 : i32
    %sign3A_780 = arith.cmpi sgt, %jit3A_767, %sign3A_779 : i32
    %sign3A_781 = arith.extui %sign3A_780 : i1 to i32
    %sign3A_782 = arith.constant 0 : i32
    %sign3A_783 = arith.cmpi slt, %jit3A_767, %sign3A_782 : i32
    %sign3A_784 = arith.extui %sign3A_783 : i1 to i32
    %sign3A_785 = arith.subi %sign3A_781, %sign3A_784 : i32
    %ne3A_786 = vector.broadcast %sign3A_785 : i32 to vector<8x64xi32>
    %ne3A_787 = arith.cmpi ne, %sign3A_778, %ne3A_786 : vector<8x64xi32>
    %rem3A_788 = vector.broadcast %jit3A_767 : i32 to vector<8x64xi32>
    %rem3A_789 = arith.remsi %reduce_min3A_766, %rem3A_788 : vector<8x64xi32>
    %ne3A_790 = arith.constant 0 : i32
    %ne3A_791 = vector.broadcast %ne3A_790 : i32 to vector<8x64xi32>
    %ne3A_792 = arith.cmpi ne, %rem3A_789, %ne3A_791 : vector<8x64xi32>
    %and3A_793 = arith.andi %ne3A_787, %ne3A_792 : vector<8x64xi1>
    %sub3A_794 = arith.constant 1 : i32
    %sub3A_795 = vector.broadcast %sub3A_794 : i32 to vector<8x64xi32>
    %sub3A_796 = arith.subi %div3A_769, %sub3A_795 : vector<8x64xi32>
    %select_n3A_797 = arith.select %and3A_793, %sub3A_796, %div3A_769 : vector<8x64xi1>, vector<8x64xi32>
    %add3A_798 = arith.addi %select_n3A_797, %add3A_19 : vector<8x64xi32>
    %mul3A_799 = arith.constant 94 : i32
    %mul3A_800 = vector.broadcast %mul3A_799 : i32 to vector<8x64xi32>
    %mul3A_801 = arith.muli %add3A_798, %mul3A_800 : vector<8x64xi32>
    %jit3A_802 = arith.constant 31 : i32
    %eq3A_803 = arith.constant 0 : i32
    %eq3A_804 = arith.cmpi eq, %jit3A_802, %eq3A_803 : i32
    %jit3A_805 = arith.constant 1 : i32
    %select_n3A_806 = arith.select %eq3A_804, %jit3A_805, %jit3A_802 : i32
    %rem3A_807 = vector.broadcast %select_n3A_806 : i32 to vector<8x64xi32>
    %rem3A_808 = arith.remsi %reduce_min3A_766, %rem3A_807 : vector<8x64xi32>
    %ne3A_809 = arith.constant 0 : i32
    %ne3A_810 = vector.broadcast %ne3A_809 : i32 to vector<8x64xi32>
    %ne3A_811 = arith.cmpi ne, %rem3A_808, %ne3A_810 : vector<8x64xi32>
    %lt3A_812 = arith.constant 0 : i32
    %lt3A_813 = vector.broadcast %lt3A_812 : i32 to vector<8x64xi32>
    %lt3A_814 = arith.cmpi slt, %rem3A_808, %lt3A_813 : vector<8x64xi32>
    %lt3A_815 = arith.constant 0 : i32
    %lt3A_816 = arith.cmpi slt, %select_n3A_806, %lt3A_815 : i32
    %ne3A_817 = vector.broadcast %lt3A_816 : i1 to vector<8x64xi1>
    %ne3A_818 = vector.broadcast %ne3A_817 : vector<8x64xi1> to vector<8x64xi1>
    %ne3A_819 = arith.xori %lt3A_814, %ne3A_818 : vector<8x64xi1>
    %and3A_820 = arith.andi %ne3A_819, %ne3A_811 : vector<8x64xi1>
    %add3A_821 = vector.broadcast %select_n3A_806 : i32 to vector<8x64xi32>
    %add3A_822 = arith.addi %rem3A_808, %add3A_821 : vector<8x64xi32>
    %select_n3A_823 = arith.select %and3A_820, %add3A_822, %rem3A_808 : vector<8x64xi1>, vector<8x64xi32>
    %add3A_824 = arith.addi %select_n3A_823, %iota3A_20 : vector<8x64xi32>
    %add3A_825 = arith.addi %mul3A_801, %add3A_824 : vector<8x64xi32>
    %swap3A_826 = arith.constant 0 : index
    %swap3A_827 = arith.constant 0 : index
    %swap3A_828 = arith.constant 9 : index
    %swap3A_829 = arith.constant 0 : index
    %swap3A_830 = arith.constant 0 : index
    %swap3A_831 = vector.load %arg4[%swap3A_826, %swap3A_827, %swap3A_828, %swap3A_829, %swap3A_830] : memref<1x1x14x8x64xi32, #tpu.memory_space<vmem>>, vector<1x1x1x8x64xi32>
    %swap3A_832 = vector.shape_cast %swap3A_831 : vector<1x1x1x8x64xi32> to vector<8x64xi32>
    %swap3A_833 = vector.shape_cast %add3A_825 : vector<8x64xi32> to vector<1x1x1x8x64xi32>
    tpu.vector_store %arg4[%swap3A_826, %swap3A_827, %swap3A_828, %swap3A_829, %swap3A_830], %swap3A_833 {strides = array<i32>} : memref<1x1x14x8x64xi32, #tpu.memory_space<vmem>>, vector<1x1x1x8x64xi32>,
    %broadcast_in_dim3A_834 = vector.shape_cast %reduce_min3A_766 : vector<8x64xi32> to vector<1x8x64xi32>
    %eq3A_835 = vector.broadcast %broadcast_in_dim3A_834 : vector<1x8x64xi32> to vector<1024x8x64xi32>
    %eq3A_836 = arith.cmpi eq, %iota3A, %eq3A_835 : vector<1024x8x64xi32>
    %jit3A_837 = arith.constant 1.000000e+30 : f32
    %broadcast_in_dim3A_838 = vector.broadcast %jit3A_837 : f32 to vector<1024x8x64xf32>
    %select_n3A_839 = arith.select %eq3A_836, %broadcast_in_dim3A_838, %select_n3A_756 : vector<1024x8x64xi1>, vector<1024x8x64xf32>
    %reduce_min3A_840 = arith.constant dense<0x7F800000> : vector<8x64xf32>
    %reduce_min3A_841 = vector.multi_reduction <minimumf>, %select_n3A_839, %reduce_min3A_840 [0] : vector<1024x8x64xf32> to vector<8x64xf32>
    %broadcast_in_dim3A_842 = vector.shape_cast %reduce_min3A_841 : vector<8x64xf32> to vector<1x8x64xf32>
    %eq3A_843 = vector.broadcast %broadcast_in_dim3A_842 : vector<1x8x64xf32> to vector<1024x8x64xf32>
    %eq3A_844 = arith.cmpf oeq, %select_n3A_839, %eq3A_843 : vector<1024x8x64xf32>
    %jit3A_845 = arith.constant 1024 : i32
    %broadcast_in_dim3A_846 = vector.broadcast %jit3A_845 : i32 to vector<1024x8x64xi32>
    %select_n3A_847 = arith.select %eq3A_844, %iota3A, %broadcast_in_dim3A_846 : vector<1024x8x64xi1>, vector<1024x8x64xi32>
    %reduce_min3A_848 = arith.constant dense<2147483647> : vector<8x64xi32>
    %reduce_min3A_849 = vector.multi_reduction <minsi>, %select_n3A_847, %reduce_min3A_848 [0] : vector<1024x8x64xi32> to vector<8x64xi32>
    %jit3A_850 = arith.constant 31 : i32
    %div3A_851 = vector.broadcast %jit3A_850 : i32 to vector<8x64xi32>
    %div3A_852 = arith.divsi %reduce_min3A_849, %div3A_851 : vector<8x64xi32>
    %sign3A_853 = arith.constant 0 : i32
    %sign3A_854 = vector.broadcast %sign3A_853 : i32 to vector<8x64xi32>
    %sign3A_855 = arith.cmpi sgt, %reduce_min3A_849, %sign3A_854 : vector<8x64xi32>
    %sign3A_856 = arith.extui %sign3A_855 : vector<8x64xi1> to vector<8x64xi32>
    %sign3A_857 = arith.constant 0 : i32
    %sign3A_858 = vector.broadcast %sign3A_857 : i32 to vector<8x64xi32>
    %sign3A_859 = arith.cmpi slt, %reduce_min3A_849, %sign3A_858 : vector<8x64xi32>
    %sign3A_860 = arith.extui %sign3A_859 : vector<8x64xi1> to vector<8x64xi32>
    %sign3A_861 = arith.subi %sign3A_856, %sign3A_860 : vector<8x64xi32>
    %sign3A_862 = arith.constant 0 : i32
    %sign3A_863 = arith.cmpi sgt, %jit3A_850, %sign3A_862 : i32
    %sign3A_864 = arith.extui %sign3A_863 : i1 to i32
    %sign3A_865 = arith.constant 0 : i32
    %sign3A_866 = arith.cmpi slt, %jit3A_850, %sign3A_865 : i32
    %sign3A_867 = arith.extui %sign3A_866 : i1 to i32
    %sign3A_868 = arith.subi %sign3A_864, %sign3A_867 : i32
    %ne3A_869 = vector.broadcast %sign3A_868 : i32 to vector<8x64xi32>
    %ne3A_870 = arith.cmpi ne, %sign3A_861, %ne3A_869 : vector<8x64xi32>
    %rem3A_871 = vector.broadcast %jit3A_850 : i32 to vector<8x64xi32>
    %rem3A_872 = arith.remsi %reduce_min3A_849, %rem3A_871 : vector<8x64xi32>
    %ne3A_873 = arith.constant 0 : i32
    %ne3A_874 = vector.broadcast %ne3A_873 : i32 to vector<8x64xi32>
    %ne3A_875 = arith.cmpi ne, %rem3A_872, %ne3A_874 : vector<8x64xi32>
    %and3A_876 = arith.andi %ne3A_870, %ne3A_875 : vector<8x64xi1>
    %sub3A_877 = arith.constant 1 : i32
    %sub3A_878 = vector.broadcast %sub3A_877 : i32 to vector<8x64xi32>
    %sub3A_879 = arith.subi %div3A_852, %sub3A_878 : vector<8x64xi32>
    %select_n3A_880 = arith.select %and3A_876, %sub3A_879, %div3A_852 : vector<8x64xi1>, vector<8x64xi32>
    %add3A_881 = arith.addi %select_n3A_880, %add3A_19 : vector<8x64xi32>
    %mul3A_882 = arith.constant 94 : i32
    %mul3A_883 = vector.broadcast %mul3A_882 : i32 to vector<8x64xi32>
    %mul3A_884 = arith.muli %add3A_881, %mul3A_883 : vector<8x64xi32>
    %jit3A_885 = arith.constant 31 : i32
    %eq3A_886 = arith.constant 0 : i32
    %eq3A_887 = arith.cmpi eq, %jit3A_885, %eq3A_886 : i32
    %jit3A_888 = arith.constant 1 : i32
    %select_n3A_889 = arith.select %eq3A_887, %jit3A_888, %jit3A_885 : i32
    %rem3A_890 = vector.broadcast %select_n3A_889 : i32 to vector<8x64xi32>
    %rem3A_891 = arith.remsi %reduce_min3A_849, %rem3A_890 : vector<8x64xi32>
    %ne3A_892 = arith.constant 0 : i32
    %ne3A_893 = vector.broadcast %ne3A_892 : i32 to vector<8x64xi32>
    %ne3A_894 = arith.cmpi ne, %rem3A_891, %ne3A_893 : vector<8x64xi32>
    %lt3A_895 = arith.constant 0 : i32
    %lt3A_896 = vector.broadcast %lt3A_895 : i32 to vector<8x64xi32>
    %lt3A_897 = arith.cmpi slt, %rem3A_891, %lt3A_896 : vector<8x64xi32>
    %lt3A_898 = arith.constant 0 : i32
    %lt3A_899 = arith.cmpi slt, %select_n3A_889, %lt3A_898 : i32
    %ne3A_900 = vector.broadcast %lt3A_899 : i1 to vector<8x64xi1>
    %ne3A_901 = vector.broadcast %ne3A_900 : vector<8x64xi1> to vector<8x64xi1>
    %ne3A_902 = arith.xori %lt3A_897, %ne3A_901 : vector<8x64xi1>
    %and3A_903 = arith.andi %ne3A_902, %ne3A_894 : vector<8x64xi1>
    %add3A_904 = vector.broadcast %select_n3A_889 : i32 to vector<8x64xi32>
    %add3A_905 = arith.addi %rem3A_891, %add3A_904 : vector<8x64xi32>
    %select_n3A_906 = arith.select %and3A_903, %add3A_905, %rem3A_891 : vector<8x64xi1>, vector<8x64xi32>
    %add3A_907 = arith.addi %select_n3A_906, %iota3A_20 : vector<8x64xi32>
    %add3A_908 = arith.addi %mul3A_884, %add3A_907 : vector<8x64xi32>
    %swap3A_909 = arith.constant 0 : index
    %swap3A_910 = arith.constant 0 : index
    %swap3A_911 = arith.constant 10 : index
    %swap3A_912 = arith.constant 0 : index
    %swap3A_913 = arith.constant 0 : index
    %swap3A_914 = vector.load %arg4[%swap3A_909, %swap3A_910, %swap3A_911, %swap3A_912, %swap3A_913] : memref<1x1x14x8x64xi32, #tpu.memory_space<vmem>>, vector<1x1x1x8x64xi32>
    %swap3A_915 = vector.shape_cast %swap3A_914 : vector<1x1x1x8x64xi32> to vector<8x64xi32>
    %swap3A_916 = vector.shape_cast %add3A_908 : vector<8x64xi32> to vector<1x1x1x8x64xi32>
    tpu.vector_store %arg4[%swap3A_909, %swap3A_910, %swap3A_911, %swap3A_912, %swap3A_913], %swap3A_916 {strides = array<i32>} : memref<1x1x14x8x64xi32, #tpu.memory_space<vmem>>, vector<1x1x1x8x64xi32>,
    %broadcast_in_dim3A_917 = vector.shape_cast %reduce_min3A_849 : vector<8x64xi32> to vector<1x8x64xi32>
    %eq3A_918 = vector.broadcast %broadcast_in_dim3A_917 : vector<1x8x64xi32> to vector<1024x8x64xi32>
    %eq3A_919 = arith.cmpi eq, %iota3A, %eq3A_918 : vector<1024x8x64xi32>
    %jit3A_920 = arith.constant 1.000000e+30 : f32
    %broadcast_in_dim3A_921 = vector.broadcast %jit3A_920 : f32 to vector<1024x8x64xf32>
    %select_n3A_922 = arith.select %eq3A_919, %broadcast_in_dim3A_921, %select_n3A_839 : vector<1024x8x64xi1>, vector<1024x8x64xf32>
    %reduce_min3A_923 = arith.constant dense<0x7F800000> : vector<8x64xf32>
    %reduce_min3A_924 = vector.multi_reduction <minimumf>, %select_n3A_922, %reduce_min3A_923 [0] : vector<1024x8x64xf32> to vector<8x64xf32>
    %broadcast_in_dim3A_925 = vector.shape_cast %reduce_min3A_924 : vector<8x64xf32> to vector<1x8x64xf32>
    %eq3A_926 = vector.broadcast %broadcast_in_dim3A_925 : vector<1x8x64xf32> to vector<1024x8x64xf32>
    %eq3A_927 = arith.cmpf oeq, %select_n3A_922, %eq3A_926 : vector<1024x8x64xf32>
    %jit3A_928 = arith.constant 1024 : i32
    %broadcast_in_dim3A_929 = vector.broadcast %jit3A_928 : i32 to vector<1024x8x64xi32>
    %select_n3A_930 = arith.select %eq3A_927, %iota3A, %broadcast_in_dim3A_929 : vector<1024x8x64xi1>, vector<1024x8x64xi32>
    %reduce_min3A_931 = arith.constant dense<2147483647> : vector<8x64xi32>
    %reduce_min3A_932 = vector.multi_reduction <minsi>, %select_n3A_930, %reduce_min3A_931 [0] : vector<1024x8x64xi32> to vector<8x64xi32>
    %jit3A_933 = arith.constant 31 : i32
    %div3A_934 = vector.broadcast %jit3A_933 : i32 to vector<8x64xi32>
    %div3A_935 = arith.divsi %reduce_min3A_932, %div3A_934 : vector<8x64xi32>
    %sign3A_936 = arith.constant 0 : i32
    %sign3A_937 = vector.broadcast %sign3A_936 : i32 to vector<8x64xi32>
    %sign3A_938 = arith.cmpi sgt, %reduce_min3A_932, %sign3A_937 : vector<8x64xi32>
    %sign3A_939 = arith.extui %sign3A_938 : vector<8x64xi1> to vector<8x64xi32>
    %sign3A_940 = arith.constant 0 : i32
    %sign3A_941 = vector.broadcast %sign3A_940 : i32 to vector<8x64xi32>
    %sign3A_942 = arith.cmpi slt, %reduce_min3A_932, %sign3A_941 : vector<8x64xi32>
    %sign3A_943 = arith.extui %sign3A_942 : vector<8x64xi1> to vector<8x64xi32>
    %sign3A_944 = arith.subi %sign3A_939, %sign3A_943 : vector<8x64xi32>
    %sign3A_945 = arith.constant 0 : i32
    %sign3A_946 = arith.cmpi sgt, %jit3A_933, %sign3A_945 : i32
    %sign3A_947 = arith.extui %sign3A_946 : i1 to i32
    %sign3A_948 = arith.constant 0 : i32
    %sign3A_949 = arith.cmpi slt, %jit3A_933, %sign3A_948 : i32
    %sign3A_950 = arith.extui %sign3A_949 : i1 to i32
    %sign3A_951 = arith.subi %sign3A_947, %sign3A_950 : i32
    %ne3A_952 = vector.broadcast %sign3A_951 : i32 to vector<8x64xi32>
    %ne3A_953 = arith.cmpi ne, %sign3A_944, %ne3A_952 : vector<8x64xi32>
    %rem3A_954 = vector.broadcast %jit3A_933 : i32 to vector<8x64xi32>
    %rem3A_955 = arith.remsi %reduce_min3A_932, %rem3A_954 : vector<8x64xi32>
    %ne3A_956 = arith.constant 0 : i32
    %ne3A_957 = vector.broadcast %ne3A_956 : i32 to vector<8x64xi32>
    %ne3A_958 = arith.cmpi ne, %rem3A_955, %ne3A_957 : vector<8x64xi32>
    %and3A_959 = arith.andi %ne3A_953, %ne3A_958 : vector<8x64xi1>
    %sub3A_960 = arith.constant 1 : i32
    %sub3A_961 = vector.broadcast %sub3A_960 : i32 to vector<8x64xi32>
    %sub3A_962 = arith.subi %div3A_935, %sub3A_961 : vector<8x64xi32>
    %select_n3A_963 = arith.select %and3A_959, %sub3A_962, %div3A_935 : vector<8x64xi1>, vector<8x64xi32>
    %add3A_964 = arith.addi %select_n3A_963, %add3A_19 : vector<8x64xi32>
    %mul3A_965 = arith.constant 94 : i32
    %mul3A_966 = vector.broadcast %mul3A_965 : i32 to vector<8x64xi32>
    %mul3A_967 = arith.muli %add3A_964, %mul3A_966 : vector<8x64xi32>
    %jit3A_968 = arith.constant 31 : i32
    %eq3A_969 = arith.constant 0 : i32
    %eq3A_970 = arith.cmpi eq, %jit3A_968, %eq3A_969 : i32
    %jit3A_971 = arith.constant 1 : i32
    %select_n3A_972 = arith.select %eq3A_970, %jit3A_971, %jit3A_968 : i32
    %rem3A_973 = vector.broadcast %select_n3A_972 : i32 to vector<8x64xi32>
    %rem3A_974 = arith.remsi %reduce_min3A_932, %rem3A_973 : vector<8x64xi32>
    %ne3A_975 = arith.constant 0 : i32
    %ne3A_976 = vector.broadcast %ne3A_975 : i32 to vector<8x64xi32>
    %ne3A_977 = arith.cmpi ne, %rem3A_974, %ne3A_976 : vector<8x64xi32>
    %lt3A_978 = arith.constant 0 : i32
    %lt3A_979 = vector.broadcast %lt3A_978 : i32 to vector<8x64xi32>
    %lt3A_980 = arith.cmpi slt, %rem3A_974, %lt3A_979 : vector<8x64xi32>
    %lt3A_981 = arith.constant 0 : i32
    %lt3A_982 = arith.cmpi slt, %select_n3A_972, %lt3A_981 : i32
    %ne3A_983 = vector.broadcast %lt3A_982 : i1 to vector<8x64xi1>
    %ne3A_984 = vector.broadcast %ne3A_983 : vector<8x64xi1> to vector<8x64xi1>
    %ne3A_985 = arith.xori %lt3A_980, %ne3A_984 : vector<8x64xi1>
    %and3A_986 = arith.andi %ne3A_985, %ne3A_977 : vector<8x64xi1>
    %add3A_987 = vector.broadcast %select_n3A_972 : i32 to vector<8x64xi32>
    %add3A_988 = arith.addi %rem3A_974, %add3A_987 : vector<8x64xi32>
    %select_n3A_989 = arith.select %and3A_986, %add3A_988, %rem3A_974 : vector<8x64xi1>, vector<8x64xi32>
    %add3A_990 = arith.addi %select_n3A_989, %iota3A_20 : vector<8x64xi32>
    %add3A_991 = arith.addi %mul3A_967, %add3A_990 : vector<8x64xi32>
    %swap3A_992 = arith.constant 0 : index
    %swap3A_993 = arith.constant 0 : index
    %swap3A_994 = arith.constant 11 : index
    %swap3A_995 = arith.constant 0 : index
    %swap3A_996 = arith.constant 0 : index
    %swap3A_997 = vector.load %arg4[%swap3A_992, %swap3A_993, %swap3A_994, %swap3A_995, %swap3A_996] : memref<1x1x14x8x64xi32, #tpu.memory_space<vmem>>, vector<1x1x1x8x64xi32>
    %swap3A_998 = vector.shape_cast %swap3A_997 : vector<1x1x1x8x64xi32> to vector<8x64xi32>
    %swap3A_999 = vector.shape_cast %add3A_991 : vector<8x64xi32> to vector<1x1x1x8x64xi32>
    tpu.vector_store %arg4[%swap3A_992, %swap3A_993, %swap3A_994, %swap3A_995, %swap3A_996], %swap3A_999 {strides = array<i32>} : memref<1x1x14x8x64xi32, #tpu.memory_space<vmem>>, vector<1x1x1x8x64xi32>,
    %broadcast_in_dim3A_1000 = vector.shape_cast %reduce_min3A_932 : vector<8x64xi32> to vector<1x8x64xi32>
    %eq3A_1001 = vector.broadcast %broadcast_in_dim3A_1000 : vector<1x8x64xi32> to vector<1024x8x64xi32>
    %eq3A_1002 = arith.cmpi eq, %iota3A, %eq3A_1001 : vector<1024x8x64xi32>
    %jit3A_1003 = arith.constant 1.000000e+30 : f32
    %broadcast_in_dim3A_1004 = vector.broadcast %jit3A_1003 : f32 to vector<1024x8x64xf32>
    %select_n3A_1005 = arith.select %eq3A_1002, %broadcast_in_dim3A_1004, %select_n3A_922 : vector<1024x8x64xi1>, vector<1024x8x64xf32>
    %reduce_min3A_1006 = arith.constant dense<0x7F800000> : vector<8x64xf32>
    %reduce_min3A_1007 = vector.multi_reduction <minimumf>, %select_n3A_1005, %reduce_min3A_1006 [0] : vector<1024x8x64xf32> to vector<8x64xf32>
    %broadcast_in_dim3A_1008 = vector.shape_cast %reduce_min3A_1007 : vector<8x64xf32> to vector<1x8x64xf32>
    %eq3A_1009 = vector.broadcast %broadcast_in_dim3A_1008 : vector<1x8x64xf32> to vector<1024x8x64xf32>
    %eq3A_1010 = arith.cmpf oeq, %select_n3A_1005, %eq3A_1009 : vector<1024x8x64xf32>
    %jit3A_1011 = arith.constant 1024 : i32
    %broadcast_in_dim3A_1012 = vector.broadcast %jit3A_1011 : i32 to vector<1024x8x64xi32>
    %select_n3A_1013 = arith.select %eq3A_1010, %iota3A, %broadcast_in_dim3A_1012 : vector<1024x8x64xi1>, vector<1024x8x64xi32>
    %reduce_min3A_1014 = arith.constant dense<2147483647> : vector<8x64xi32>
    %reduce_min3A_1015 = vector.multi_reduction <minsi>, %select_n3A_1013, %reduce_min3A_1014 [0] : vector<1024x8x64xi32> to vector<8x64xi32>
    %jit3A_1016 = arith.constant 31 : i32
    %div3A_1017 = vector.broadcast %jit3A_1016 : i32 to vector<8x64xi32>
    %div3A_1018 = arith.divsi %reduce_min3A_1015, %div3A_1017 : vector<8x64xi32>
    %sign3A_1019 = arith.constant 0 : i32
    %sign3A_1020 = vector.broadcast %sign3A_1019 : i32 to vector<8x64xi32>
    %sign3A_1021 = arith.cmpi sgt, %reduce_min3A_1015, %sign3A_1020 : vector<8x64xi32>
    %sign3A_1022 = arith.extui %sign3A_1021 : vector<8x64xi1> to vector<8x64xi32>
    %sign3A_1023 = arith.constant 0 : i32
    %sign3A_1024 = vector.broadcast %sign3A_1023 : i32 to vector<8x64xi32>
    %sign3A_1025 = arith.cmpi slt, %reduce_min3A_1015, %sign3A_1024 : vector<8x64xi32>
    %sign3A_1026 = arith.extui %sign3A_1025 : vector<8x64xi1> to vector<8x64xi32>
    %sign3A_1027 = arith.subi %sign3A_1022, %sign3A_1026 : vector<8x64xi32>
    %sign3A_1028 = arith.constant 0 : i32
    %sign3A_1029 = arith.cmpi sgt, %jit3A_1016, %sign3A_1028 : i32
    %sign3A_1030 = arith.extui %sign3A_1029 : i1 to i32
    %sign3A_1031 = arith.constant 0 : i32
    %sign3A_1032 = arith.cmpi slt, %jit3A_1016, %sign3A_1031 : i32
    %sign3A_1033 = arith.extui %sign3A_1032 : i1 to i32
    %sign3A_1034 = arith.subi %sign3A_1030, %sign3A_1033 : i32
    %ne3A_1035 = vector.broadcast %sign3A_1034 : i32 to vector<8x64xi32>
    %ne3A_1036 = arith.cmpi ne, %sign3A_1027, %ne3A_1035 : vector<8x64xi32>
    %rem3A_1037 = vector.broadcast %jit3A_1016 : i32 to vector<8x64xi32>
    %rem3A_1038 = arith.remsi %reduce_min3A_1015, %rem3A_1037 : vector<8x64xi32>
    %ne3A_1039 = arith.constant 0 : i32
    %ne3A_1040 = vector.broadcast %ne3A_1039 : i32 to vector<8x64xi32>
    %ne3A_1041 = arith.cmpi ne, %rem3A_1038, %ne3A_1040 : vector<8x64xi32>
    %and3A_1042 = arith.andi %ne3A_1036, %ne3A_1041 : vector<8x64xi1>
    %sub3A_1043 = arith.constant 1 : i32
    %sub3A_1044 = vector.broadcast %sub3A_1043 : i32 to vector<8x64xi32>
    %sub3A_1045 = arith.subi %div3A_1018, %sub3A_1044 : vector<8x64xi32>
    %select_n3A_1046 = arith.select %and3A_1042, %sub3A_1045, %div3A_1018 : vector<8x64xi1>, vector<8x64xi32>
    %add3A_1047 = arith.addi %select_n3A_1046, %add3A_19 : vector<8x64xi32>
    %mul3A_1048 = arith.constant 94 : i32
    %mul3A_1049 = vector.broadcast %mul3A_1048 : i32 to vector<8x64xi32>
    %mul3A_1050 = arith.muli %add3A_1047, %mul3A_1049 : vector<8x64xi32>
    %jit3A_1051 = arith.constant 31 : i32
    %eq3A_1052 = arith.constant 0 : i32
    %eq3A_1053 = arith.cmpi eq, %jit3A_1051, %eq3A_1052 : i32
    %jit3A_1054 = arith.constant 1 : i32
    %select_n3A_1055 = arith.select %eq3A_1053, %jit3A_1054, %jit3A_1051 : i32
    %rem3A_1056 = vector.broadcast %select_n3A_1055 : i32 to vector<8x64xi32>
    %rem3A_1057 = arith.remsi %reduce_min3A_1015, %rem3A_1056 : vector<8x64xi32>
    %ne3A_1058 = arith.constant 0 : i32
    %ne3A_1059 = vector.broadcast %ne3A_1058 : i32 to vector<8x64xi32>
    %ne3A_1060 = arith.cmpi ne, %rem3A_1057, %ne3A_1059 : vector<8x64xi32>
    %lt3A_1061 = arith.constant 0 : i32
    %lt3A_1062 = vector.broadcast %lt3A_1061 : i32 to vector<8x64xi32>
    %lt3A_1063 = arith.cmpi slt, %rem3A_1057, %lt3A_1062 : vector<8x64xi32>
    %lt3A_1064 = arith.constant 0 : i32
    %lt3A_1065 = arith.cmpi slt, %select_n3A_1055, %lt3A_1064 : i32
    %ne3A_1066 = vector.broadcast %lt3A_1065 : i1 to vector<8x64xi1>
    %ne3A_1067 = vector.broadcast %ne3A_1066 : vector<8x64xi1> to vector<8x64xi1>
    %ne3A_1068 = arith.xori %lt3A_1063, %ne3A_1067 : vector<8x64xi1>
    %and3A_1069 = arith.andi %ne3A_1068, %ne3A_1060 : vector<8x64xi1>
    %add3A_1070 = vector.broadcast %select_n3A_1055 : i32 to vector<8x64xi32>
    %add3A_1071 = arith.addi %rem3A_1057, %add3A_1070 : vector<8x64xi32>
    %select_n3A_1072 = arith.select %and3A_1069, %add3A_1071, %rem3A_1057 : vector<8x64xi1>, vector<8x64xi32>
    %add3A_1073 = arith.addi %select_n3A_1072, %iota3A_20 : vector<8x64xi32>
    %add3A_1074 = arith.addi %mul3A_1050, %add3A_1073 : vector<8x64xi32>
    %swap3A_1075 = arith.constant 0 : index
    %swap3A_1076 = arith.constant 0 : index
    %swap3A_1077 = arith.constant 12 : index
    %swap3A_1078 = arith.constant 0 : index
    %swap3A_1079 = arith.constant 0 : index
    %swap3A_1080 = vector.load %arg4[%swap3A_1075, %swap3A_1076, %swap3A_1077, %swap3A_1078, %swap3A_1079] : memref<1x1x14x8x64xi32, #tpu.memory_space<vmem>>, vector<1x1x1x8x64xi32>
    %swap3A_1081 = vector.shape_cast %swap3A_1080 : vector<1x1x1x8x64xi32> to vector<8x64xi32>
    %swap3A_1082 = vector.shape_cast %add3A_1074 : vector<8x64xi32> to vector<1x1x1x8x64xi32>
    tpu.vector_store %arg4[%swap3A_1075, %swap3A_1076, %swap3A_1077, %swap3A_1078, %swap3A_1079], %swap3A_1082 {strides = array<i32>} : memref<1x1x14x8x64xi32, #tpu.memory_space<vmem>>, vector<1x1x1x8x64xi32>,
    %broadcast_in_dim3A_1083 = vector.shape_cast %reduce_min3A_1015 : vector<8x64xi32> to vector<1x8x64xi32>
    %eq3A_1084 = vector.broadcast %broadcast_in_dim3A_1083 : vector<1x8x64xi32> to vector<1024x8x64xi32>
    %eq3A_1085 = arith.cmpi eq, %iota3A, %eq3A_1084 : vector<1024x8x64xi32>
    %jit3A_1086 = arith.constant 1.000000e+30 : f32
    %broadcast_in_dim3A_1087 = vector.broadcast %jit3A_1086 : f32 to vector<1024x8x64xf32>
    %select_n3A_1088 = arith.select %eq3A_1085, %broadcast_in_dim3A_1087, %select_n3A_1005 : vector<1024x8x64xi1>, vector<1024x8x64xf32>
    %reduce_min3A_1089 = arith.constant dense<0x7F800000> : vector<8x64xf32>
    %reduce_min3A_1090 = vector.multi_reduction <minimumf>, %select_n3A_1088, %reduce_min3A_1089 [0] : vector<1024x8x64xf32> to vector<8x64xf32>
    %broadcast_in_dim3A_1091 = vector.shape_cast %reduce_min3A_1090 : vector<8x64xf32> to vector<1x8x64xf32>
    %eq3A_1092 = vector.broadcast %broadcast_in_dim3A_1091 : vector<1x8x64xf32> to vector<1024x8x64xf32>
    %eq3A_1093 = arith.cmpf oeq, %select_n3A_1088, %eq3A_1092 : vector<1024x8x64xf32>
    %jit3A_1094 = arith.constant 1024 : i32
    %broadcast_in_dim3A_1095 = vector.broadcast %jit3A_1094 : i32 to vector<1024x8x64xi32>
    %select_n3A_1096 = arith.select %eq3A_1093, %iota3A, %broadcast_in_dim3A_1095 : vector<1024x8x64xi1>, vector<1024x8x64xi32>
    %reduce_min3A_1097 = arith.constant dense<2147483647> : vector<8x64xi32>
    %reduce_min3A_1098 = vector.multi_reduction <minsi>, %select_n3A_1096, %reduce_min3A_1097 [0] : vector<1024x8x64xi32> to vector<8x64xi32>
    %jit3A_1099 = arith.constant 31 : i32
    %div3A_1100 = vector.broadcast %jit3A_1099 : i32 to vector<8x64xi32>
    %div3A_1101 = arith.divsi %reduce_min3A_1098, %div3A_1100 : vector<8x64xi32>
    %sign3A_1102 = arith.constant 0 : i32
    %sign3A_1103 = vector.broadcast %sign3A_1102 : i32 to vector<8x64xi32>
    %sign3A_1104 = arith.cmpi sgt, %reduce_min3A_1098, %sign3A_1103 : vector<8x64xi32>
    %sign3A_1105 = arith.extui %sign3A_1104 : vector<8x64xi1> to vector<8x64xi32>
    %sign3A_1106 = arith.constant 0 : i32
    %sign3A_1107 = vector.broadcast %sign3A_1106 : i32 to vector<8x64xi32>
    %sign3A_1108 = arith.cmpi slt, %reduce_min3A_1098, %sign3A_1107 : vector<8x64xi32>
    %sign3A_1109 = arith.extui %sign3A_1108 : vector<8x64xi1> to vector<8x64xi32>
    %sign3A_1110 = arith.subi %sign3A_1105, %sign3A_1109 : vector<8x64xi32>
    %sign3A_1111 = arith.constant 0 : i32
    %sign3A_1112 = arith.cmpi sgt, %jit3A_1099, %sign3A_1111 : i32
    %sign3A_1113 = arith.extui %sign3A_1112 : i1 to i32
    %sign3A_1114 = arith.constant 0 : i32
    %sign3A_1115 = arith.cmpi slt, %jit3A_1099, %sign3A_1114 : i32
    %sign3A_1116 = arith.extui %sign3A_1115 : i1 to i32
    %sign3A_1117 = arith.subi %sign3A_1113, %sign3A_1116 : i32
    %ne3A_1118 = vector.broadcast %sign3A_1117 : i32 to vector<8x64xi32>
    %ne3A_1119 = arith.cmpi ne, %sign3A_1110, %ne3A_1118 : vector<8x64xi32>
    %rem3A_1120 = vector.broadcast %jit3A_1099 : i32 to vector<8x64xi32>
    %rem3A_1121 = arith.remsi %reduce_min3A_1098, %rem3A_1120 : vector<8x64xi32>
    %ne3A_1122 = arith.constant 0 : i32
    %ne3A_1123 = vector.broadcast %ne3A_1122 : i32 to vector<8x64xi32>
    %ne3A_1124 = arith.cmpi ne, %rem3A_1121, %ne3A_1123 : vector<8x64xi32>
    %and3A_1125 = arith.andi %ne3A_1119, %ne3A_1124 : vector<8x64xi1>
    %sub3A_1126 = arith.constant 1 : i32
    %sub3A_1127 = vector.broadcast %sub3A_1126 : i32 to vector<8x64xi32>
    %sub3A_1128 = arith.subi %div3A_1101, %sub3A_1127 : vector<8x64xi32>
    %select_n3A_1129 = arith.select %and3A_1125, %sub3A_1128, %div3A_1101 : vector<8x64xi1>, vector<8x64xi32>
    %add3A_1130 = arith.addi %select_n3A_1129, %add3A_19 : vector<8x64xi32>
    %mul3A_1131 = arith.constant 94 : i32
    %mul3A_1132 = vector.broadcast %mul3A_1131 : i32 to vector<8x64xi32>
    %mul3A_1133 = arith.muli %add3A_1130, %mul3A_1132 : vector<8x64xi32>
    %jit3A_1134 = arith.constant 31 : i32
    %eq3A_1135 = arith.constant 0 : i32
    %eq3A_1136 = arith.cmpi eq, %jit3A_1134, %eq3A_1135 : i32
    %jit3A_1137 = arith.constant 1 : i32
    %select_n3A_1138 = arith.select %eq3A_1136, %jit3A_1137, %jit3A_1134 : i32
    %rem3A_1139 = vector.broadcast %select_n3A_1138 : i32 to vector<8x64xi32>
    %rem3A_1140 = arith.remsi %reduce_min3A_1098, %rem3A_1139 : vector<8x64xi32>
    %ne3A_1141 = arith.constant 0 : i32
    %ne3A_1142 = vector.broadcast %ne3A_1141 : i32 to vector<8x64xi32>
    %ne3A_1143 = arith.cmpi ne, %rem3A_1140, %ne3A_1142 : vector<8x64xi32>
    %lt3A_1144 = arith.constant 0 : i32
    %lt3A_1145 = vector.broadcast %lt3A_1144 : i32 to vector<8x64xi32>
    %lt3A_1146 = arith.cmpi slt, %rem3A_1140, %lt3A_1145 : vector<8x64xi32>
    %lt3A_1147 = arith.constant 0 : i32
    %lt3A_1148 = arith.cmpi slt, %select_n3A_1138, %lt3A_1147 : i32
    %ne3A_1149 = vector.broadcast %lt3A_1148 : i1 to vector<8x64xi1>
    %ne3A_1150 = vector.broadcast %ne3A_1149 : vector<8x64xi1> to vector<8x64xi1>
    %ne3A_1151 = arith.xori %lt3A_1146, %ne3A_1150 : vector<8x64xi1>
    %and3A_1152 = arith.andi %ne3A_1151, %ne3A_1143 : vector<8x64xi1>
    %add3A_1153 = vector.broadcast %select_n3A_1138 : i32 to vector<8x64xi32>
    %add3A_1154 = arith.addi %rem3A_1140, %add3A_1153 : vector<8x64xi32>
    %select_n3A_1155 = arith.select %and3A_1152, %add3A_1154, %rem3A_1140 : vector<8x64xi1>, vector<8x64xi32>
    %add3A_1156 = arith.addi %select_n3A_1155, %iota3A_20 : vector<8x64xi32>
    %add3A_1157 = arith.addi %mul3A_1133, %add3A_1156 : vector<8x64xi32>
    %swap3A_1158 = arith.constant 0 : index
    %swap3A_1159 = arith.constant 0 : index
    %swap3A_1160 = arith.constant 13 : index
    %swap3A_1161 = arith.constant 0 : index
    %swap3A_1162 = arith.constant 0 : index
    %swap3A_1163 = vector.load %arg4[%swap3A_1158, %swap3A_1159, %swap3A_1160, %swap3A_1161, %swap3A_1162] : memref<1x1x14x8x64xi32, #tpu.memory_space<vmem>>, vector<1x1x1x8x64xi32>
    %swap3A_1164 = vector.shape_cast %swap3A_1163 : vector<1x1x1x8x64xi32> to vector<8x64xi32>
    %swap3A_1165 = vector.shape_cast %add3A_1157 : vector<8x64xi32> to vector<1x1x1x8x64xi32>
    tpu.vector_store %arg4[%swap3A_1158, %swap3A_1159, %swap3A_1160, %swap3A_1161, %swap3A_1162], %swap3A_1165 {strides = array<i32>} : memref<1x1x14x8x64xi32, #tpu.memory_space<vmem>>, vector<1x1x1x8x64xi32>,
    return
  }
  func.func @transform_0(%arg0: i32, %arg1: i32) -> (i32, i32, i32, i32) {
    %c0_i32 = arith.constant 0 : i32
    %c0_i32_0 = arith.constant 0 : i32
    %c0_i32_1 = arith.constant 0 : i32
    return %arg0, %c0_i32, %arg1, %c0_i32_0 : i32, i32, i32, i32
  }
  func.func @transform_1(%arg0: i32, %arg1: i32) -> (i32, i32, i32, i32) {
    %c0_i32 = arith.constant 0 : i32
    %c0_i32_0 = arith.constant 0 : i32
    %c0_i32_1 = arith.constant 0 : i32
    %c0_i32_2 = arith.constant 0 : i32
    return %arg0, %c0_i32, %c0_i32_0, %c0_i32_1 : i32, i32, i32, i32
  }
  func.func @transform_2(%arg0: i32, %arg1: i32) -> (i32, i32, i32, i32, i32) {
    %c0_i32 = arith.constant 0 : i32
    %c0_i32_0 = arith.constant 0 : i32
    %c0_i32_1 = arith.constant 0 : i32
    %c0_i32_2 = arith.constant 0 : i32
    return %arg0, %arg1, %c0_i32, %c0_i32_0, %c0_i32_1 : i32, i32, i32, i32, i32
  }
}

</mosaic_0001>

<sc_bundles>
// kernel: kernel.7.cloned.1.call-start
scs
__scs_entry_jumppad:
0x0: {  	(pc) =	sbr.rel $0x88, $3  }
0x1: {  	(tag) =	ssettag $0x0;
	lr =	simm.s32 $0x1  }
0x2: {  	[smem:$0x3F96] =	sst lr;
	_ =	strace $0xD0000000  }
0x3: {  	_ = 	snop  }
0x4: {  	_ = 	snop  }
0x5: {  	_ = 	snop  }
0x6: {  	_ = 	snop  }
0x7: {  	_ = 	snop  }
__scs_overlays_trampoline_lowered:
0x8: {  	[smem:$0x3FA5] =	sst s0  }
0x9: {  	[smem:$0x3FA6] =	sst s1  }
0xa: {  	[smem:$0x3FA7] =	sst s2  }
0xb: {  	[smem:$0x3FA8] =	sst s3  }
0xc: {  	[smem:$0x3FA9] =	sst s4  }
0xd: {  	[smem:$0x3FAA] =	sst s5  }
0xe: {  	[smem:$0x3FAB] =	sst s6  }
0xf: {  	[smem:$0x3FAC] =	sst s7  }
0x10: {  	[smem:$0x3FAD] =	sst s8  }
0x11: {  	[smem:$0x3FAE] =	sst s9;
	s0 =	simm.s32 @!p0 $0x0  }
0x12: {  	s1 =	sld [smem:$0x3F94];
	s0 =	simm.s32 @p0 $0x1  }
0x13: {  	[smem:$0x3FAF] =	sst s0;
	s0 =	simm.s32 @!p1 $0x0  }
0x14: {  	s2 =	sld [smem:$0x3F93];
	s0 =	simm.s32 @p1 $0x1  }
0x15: {  	[smem:$0x3FB0] =	sst s0;
	s0 =	simm.s32 @!p2 $0x0  }
0x16: {  	s3 =	sld [smem:$0x3FDB];
	s0 =	simm.s32 @p2 $0x1  }
0x17: {  	s4 =	simm.s32 $0x1BF5;
	[smem:$0x3FB2] =	sst s0  }
0x18: {  	s0 =	sld [smem:$0x3F95];
	_ =	swait.ge [sflag:s4], $0x0  }
0x19: {  	s7 =	sld [smem:$0x3F96]  }
0x1a: {  	s8 =	sadd.s32 $0xFFFFE003, lr  }
0x1b: {  	s9 =	sadd.s32 $0xFFFFFEF7, lr;
	s5 =	simm.s32 $0xFFFFFFFF;
	p2 =	slt.u32 s8, $0xFFFFF086  }
0x1c: {  	p1 =	slt.u32 s9, $0xF7A;
	s5 =	simm.s32 @!p2 $0x0  }
0x1d: {  	s5 =	simm.s32 @p1 $0x1;
	p0 =	seq.s32 s7, s2  }
0x1e: {  	s7 =	smul.u32 @!p0 $0xF7A, s2;
	p2 =	seq.s32 @!p0 s5, $0x0  }
0x1f: {  	s9 =	smul.u32 $0xF7A, s1;
	s8 =	simm.s32 @!p0 $0x1BF5;
	p2 =	por !p2, p0  }
0x20: {  	[sflag:s8] =	ssyncset.s32 @!p0 $0xFFFFF086;
	s6 =	sadd.s32 @!p0 s3, s7;
	s7 =	simm.s32 @!p0 $0x108  }
0x21: {  	s3 =	sadd.s32 s3, s9;
	s6 =	sadd.s32 @!p0 $0x88, s6;
	s7 =	simm.s32 @p2 $0x1082  }
0x22: {  	[simem:s7], [sflag:s8] =	dma.local @!p0 [hbm:s6], $0xF7A  }
0x23: {  	s9 =	sor.u32 $0xD0000000, s2;
	s6 =	simm.s32 $0x108;
	_ =	swait.ge @!p0 [sflag:s8], $0x0  }
0x24: {  	s3 =	sadd.s32 $0x88, s3;
	s6 =	simm.s32 @!p1 $0x1082;
	[sflag:s4] =	ssyncset.s32 $0xFFFFF086  }
0x25: {  	[simem:s6], [sflag:s4] =	dma.local [hbm:s3], $0xF7A  }
0x26: {  	[smem:$0x3F96] =	sst s1;
	(tag) =	ssettag s2;
	_ =	strace s9  }
0x27: {  	s1 =	sld [smem:$0x3FA6]  }
0x28: {  	s2 =	sld [smem:$0x3FA7]  }
0x29: {  	s4 =	sld [smem:$0x3FA9]  }
0x2a: {  	p0 =	seq.s32 s5, $0x0;
	s5 =	sld [smem:$0x3FAA]  }
0x2b: {  	s6 =	sld [smem:$0x3FAB]  }
0x2c: {  	s7 =	sld [smem:$0x3FAC]  }
0x2d: {  	s3 =	simm.s32 $0x108;
	s8 =	sld [smem:$0x3FAD]  }
0x2e: {  	s3 =	simm.s32 @!p0 $0x1082;
	s9 =	sld [smem:$0x3FAE]  }
0x2f: {  	lr =	sadd.s32 s0, s3;
	s0 =	sld [smem:$0x3FA5]  }
0x30: {  	s3 =	sld [smem:$0x3FA8]  }
0x31: {  	[smem:$0x3FB1] =	sst s10  }
0x32: {  	s10 =	sld [smem:$0x3FAF];
	_ =	sdelay $0x3  }
0x33: {  	p0 =	seq.s32 s10, $0x1;
	s10 =	sld [smem:$0x3FB1];
	_ =	sdelay $0x3  }
0x34: {  	[smem:$0x3FB1] =	sst s10  }
0x35: {  	s10 =	sld [smem:$0x3FB0];
	_ =	sdelay $0x3  }
0x36: {  	p1 =	seq.s32 s10, $0x1;
	s10 =	sld [smem:$0x3FB1];
	_ =	sdelay $0x3  }
0x37: {  	[smem:$0x3FB1] =	sst s10  }
0x38: {  	s10 =	sld [smem:$0x3FB2]  }
0x39: {  	_ = 	snop;
	(pc) =	sbr.ind lr, $3  }
0x3a: {  	_ = 	snop  }
0x3b: {  	_ = 	snop  }
0x3c: {  	p2 =	seq.s32 s10, $0x1;
	s10 =	sld [smem:$0x3FB1]  }
0x3d: {  	_ =	shalt  }
0x3e: {  	_ =	shalt  }
0x3f: {  	_ =	shalt  }
0x40: {  	_ =	shalt  }
0x41: {  	_ =	shalt  }
0x42: {  	_ =	shalt  }
0x43: {  	_ =	shalt  }
0x44: {  	_ =	shalt  }
0x45: {  	_ =	shalt  }
0x46: {  	_ =	shalt  }
0x47: {  	_ =	shalt  }
0x48: {  	_ =	shalt  }
0x49: {  	_ =	shalt  }
0x4a: {  	_ =	shalt  }
0x4b: {  	_ =	shalt  }
0x4c: {  	_ =	shalt  }
0x4d: {  	_ =	shalt  }
0x4e: {  	_ =	shalt  }
0x4f: {  	_ =	shalt  }
0x50: {  	_ =	shalt  }
0x51: {  	_ =	shalt  }
0x52: {  	_ =	shalt  }
0x53: {  	_ =	shalt  }
0x54: {  	_ =	shalt  }
0x55: {  	_ =	shalt  }
0x56: {  	_ =	shalt  }
0x57: {  	_ =	shalt  }
0x58: {  	_ =	shalt  }
0x59: {  	_ =	shalt  }
0x5a: {  	_ =	shalt  }
0x5b: {  	_ =	shalt  }
0x5c: {  	_ =	shalt  }
0x5d: {  	_ =	shalt  }
0x5e: {  	_ =	shalt  }
0x5f: {  	_ =	shalt  }
0x60: {  	_ =	shalt  }
0x61: {  	_ =	shalt  }
0x62: {  	_ =	shalt  }
0x63: {  	_ =	shalt  }
0x64: {  	_ =	shalt  }
0x65: {  	_ =	shalt  }
0x66: {  	_ =	shalt  }
0x67: {  	_ =	shalt  }
0x68: {  	_ =	shalt  }
0x69: {  	_ =	shalt  }
0x6a: {  	_ =	shalt  }
0x6b: {  	_ =	shalt  }
0x6c: {  	_ =	shalt  }
0x6d: {  	_ =	shalt  }
0x6e: {  	_ =	shalt  }
0x6f: {  	_ =	shalt  }
0x70: {  	_ =	shalt  }
0x71: {  	_ =	shalt  }
0x72: {  	_ =	shalt  }
0x73: {  	_ =	shalt  }
0x74: {  	_ =	shalt  }
0x75: {  	_ =	shalt  }
0x76: {  	_ =	shalt  }
0x77: {  	_ =	shalt  }
0x78: {  	_ =	shalt  }
0x79: {  	_ =	shalt  }
0x7a: {  	_ =	shalt  }
0x7b: {  	_ =	shalt  }
0x7c: {  	_ =	shalt  }
0x7d: {  	_ =	shalt  }
0x7e: {  	_ =	shalt  }
0x7f: {  	_ =	shalt  }
0x80: {  	_ =	shalt  }
0x81: {  	_ =	shalt  }
0x82: {  	_ =	shalt  }
0x83: {  	_ =	shalt  }
0x84: {  	_ =	shalt  }
0x85: {  	_ =	shalt  }
0x86: {  	_ =	shalt  }
0x87: {  	_ =	shalt  }
.Lfunc_end0:
.L_simem_size_0:
called_computation_lowered:
.L_overlay_start_0:
0x88: {  	s2 =	sld [smem:$0x3FD9]  }
0x89: {  	s3 =	sld [smem:$0x3FFE];
	_ =	sdelay $0x1  }
0x8a: {  	s1 =	srdreg.scid  }
0x8b: {  	s0 =	sand.u32 $0x1, s1  }
0x8c: {  	s17 =	sshll.u32 s0, $0xA;
	s2 =	sadd.s32 s3, s2  }
0x8d: {  	s2 =	sadd.s32 s2, s17  }
0x8e: {  	[smem:$0x3FBD] =	sst s2  }
0x8f: {  	_ = 	snop  }
0x90: {  	s2 =	sld [smem:$0x3FD0];
	(tm) =	ssettm $0x1  }
0x91: {  	s18 =	sld [smem:$0x3FFB];
	_ =	sdelay $0x3  }
0x92: {  	_ =	strace s18  }
0x93: {  	s3 =	sld [smem:$0x3FFC];
	_ =	sdelay $0x3  }
0x94: {  	_ =	strace s3  }
0x95: {  	s3 =	sld [smem:$0x3FFD];
	_ =	sdelay $0x3  }
0x96: {  	_ =	strace s3  }
0x97: {  	_ =	strace $0x8FFFFFFF  }
0x98: {  	s19 =	sld [smem:$0x3FDB];
	_ =	sdelay $0x1  }
0x99: {  	s4 =	simm.s32 $_scs_section_size  }
0x9a: {  	s5 =	simm.s32 $_size__tile_overlayer_lowered;
	s6 =	simm.s32 $_tile_overlayer_lowered  }
0x9b: {  	s22 =	simm.s32 $0x1BFF;
	s21 =	sshll.u32 s6, $0x1;
	s3 =	sadd.s32 s4, s19  }
0x9c: {  	s7 =	simm.s32 $0x0;
	s20 =	sshll.u32 s5, $0x1;
	s5 =	sadd.s32 s21, s3  }
0x9d: {  	[timem:s7], [sflag:s22] =	dma.local [hbm:s5], s20  }
0x9e: {  	_ =	swait.ge [sflag:s22], s20  }
0x9f: {  	s4 =	ssub.s32 $0x0, s20;
	[sflag:s22] =	ssyncset.done $0x0  }
0xa0: {  	[sflag:s22] =	ssyncadd.s32 s4;
	_ =	sdelay $0x1  }
0xa1: {  	s23 =	simm.s32 $0x1B8B  }
0xa2: {  	_ =	swait.ge [sflag:s23], $0x1  }
0xa3: {  	[sflag:s23] =	ssyncset.done $0x0  }
0xa4: {  	s25 =	simm.s32 $0x1B8E;
	s24 =	sld [smem:$0x3FFE];
	[sflag:s23] =	ssyncadd.s32 $0xFFFFFFFF  }
0xa5: {  	s26 =	simm.s32 $execute0_lowered;
	[smem:$0x3FD2] =	sst s25  }
0xa6: {  	s5 =	sshll.u32 s26, $0x1;
	_ =	strace $0x80000046;
	[dreg:$0x1] =	wrdreg $0xFFFFFFFF  }
0xa7: {  	s28 =	simm.s32 $_size_execute0_lowered;
	s3 =	sadd.s32 s3, s5;
	[dreg:$0x0] =	wrdreg $0x0  }
0xa8: {  	s5 =	sshll.u32 s28, $0x1;
	[dreg:$0x2] =	wrdreg s3  }
0xa9: {  	[dreg:$0x3] =	wrdreg s5  }
0xaa: {  	[dreg:$0x4] =	wrdreg $0xC0  }
0xab: {  	_ =	task [dreg:s7], $0x5FFFF  }
0xac: {  	[dreg:$0x1] =	wrdreg $0xFFFFFFFF  }
0xad: {  	[dreg:$0x0] =	wrdreg $0x60  }
0xae: {  	[dreg:$0x2] =	wrdreg s24  }
0xaf: {  	[dreg:$0x3] =	wrdreg s2  }
0xb0: {  	[dreg:$0x4] =	wrdreg $0x9  }
0xb1: {  	_ =	task.clear_ibuf [dreg:s7], $0x5FFFF;
	_ =	strace $0x90000046  }
0xb2: {  	s29 =	simm.s32 $0x9;
	_ =	strace $0x80000048  }
0xb3: {  	_ =	swait.ge [sflag:s29], $0x1  }
0xb4: {  	[sflag:s29] =	ssyncadd.s32 $0xFFFFFFFF  }
0xb5: {  	_ =	strace $0x90000048  }
0xb6: {  	_ =	sfence  }
0xb7: {  	s30 =	sld [smem:$0x0];
	_ =	sdelay $0x2  }
0xb8: {  	s31 =	sshll.u32 s1, $0xD;
	s1 =	sshrl.u32 s1, $0x2  }
0xb9: {  	s3 =	sand.u32 $0x4000, s31;
	s1 =	sadd.s32 s1, s30  }
0xba: {  	s0 =	sor.u32 s3, s0;
	s1 =	sshll.u32 s1, $0x11  }
0xbb: {  	s0 =	sor.u32 s1, s0  }
0xbc: {  	s0 =	sadd.s32 $0x8F2B, s0  }
0xbd: {  	[sflag:s0] =	ssyncadd.remote.s32 $0x1  }
0xbe: {  	_ =	sfence.sel $0xFFFF  }
0xbf: {  	[dreg:$0x0] =	wrdreg $0xFFFFFFFF;
	(pc) =	sbr.abs _section_cstart, $3  }
0xc0: {  	[dreg:$0x1] =	wrdreg $0xFFFFFFFF  }
0xc1: {  	_ =	task.clear_ibuf [dreg:s7], $0x2FFFF;
	_ =	strace $0x9FFFFFFF  }
0xc2: {  	(tm) =	ssettm $0x7FFFFFFF  }
0xc3: {  	_ =	shalt  }
tec
execute0_lowered:
.L_overlay_start_1:
0x0: {  	(tag) =	ssettag $0x1  }
0x1: {  	s5 =	rddreg [dreg:$0x0]  }
0x2: {  	s4 =	rddreg [dreg:$0x1]  }
0x3: {  	s0 =	rddreg [dreg:$0x2]  }
0x4: {  	s2 =	simm.s32 $0x0;
	s1 =	stileid.u32;
	s6 =	srdreg.scid  }
0x5: {  	s11 =	simm.s32 $0x400;
	s12 =	simm.s32 $0x12E80;
	s13 =	simm.s32 $0x0  }
0x6: {  	[smem:$0x7FF] =	sst s2;
	s3 =	sshll.u32 s1, $0x2;
	s6 =	sand.u32 $0x1, s6  }
0x7: {  	s7 =	sshll.u32 s1, $0x1;
	s8 =	sshrl.u32 s1, $0x2;
	_ =	strace $0x80000047  }
0x8: {  	s3 =	sand.u32 $0x30, s3;
	s7 =	sor.u32 s6, s7;
	s8 =	smul.u32 $0xD000, s8  }
0x9: {  	s6 =	ssub.s32 $0x2, s6;
	s9 =	sshll.u32 s7, $0x7;
	s7 =	smul.u32 $0xD000, s7  }
0xa: {  	s3 =	sadd.s32 s3, s5;
	s10 =	sshrl.u32 s6, $0x1;
	s9 =	sand.u32 $0x380, s9  }
0xb: {  	s10 =	ssub.s32 s6, s10;
	s3 =	sadd.s32 $0x6800, s3;
	s31 =	sor.u32 s8, s9  }
0xc: {  	s7 =	sshrl.u32 s7, $0x3;
	s8 =	simm.s32 $0x80;
	s9 =	simm.s32 $0x200  }
0xd: {  	s6 =	sshrl.u32 s31, $0x3;
	s4 =	sadd.s32 s4, s7;
	s7 =	smax.u32 s10, $0x1  }
0xe: {  	s10 =	simm.s32 $0x1;
	s5 =	sadd.s32 s5, s6;
	s6 =	sadd.s32 $0xD00, s4  }
.LBB2_1:
0xf: {  	[tilespmem:s2], [sflag:$0x1] =	stream.strided.gather [hbm4b:s3+s8], $0x11480, s9, s8, $0x38;
	[tilespmem:$0x19680] =	vst v63  }
0x10: {  	_ =	swait.ge [sflag:s10], $0x11480  }
0x11: {  	[sflag:s10] =	ssyncset.done $0x0  }
0x12: {  	s14 =	simm.s32 $0x11480;
	[sflag:s10] =	ssyncadd.s32 $0xFFFEEB80  }
0x13: {  	[tilespmem:s14], [sflag:$0x1] =	stream.strided.gather [hbm4b:s5+s8], $0x1A00, s11, s8, $0x38;
	[tilespmem:$0x19680] =	vst v63  }
0x14: {  	_ =	swait.ge [sflag:s10], $0x1A00  }
0x15: {  	[sflag:s10] =	ssyncset.done $0x0  }
0x16: {  	[sflag:s10] =	ssyncadd.s32 $0xFFFFE600  }
0x17: {  	v0 =	vld [tilespmem:s14+$0x0];
	_ =	sdelay $0x4  }
0x18: {  	v0 =	vshll.u32 v0, $0x3;
	_ =	sdelay $0x4  }
0x19: {  	v1 =	vld.idx.msk [tilespmem:v0+s2+$0x0], $0xffff  }
0x1a: {  	v2 =	vor.u32 $0x1, v0;
	_ =	sdelay $0x1  }
0x1b: {  	s15 =	sand.u32 $0x70, s2;
	s16 =	sand.u32 $0x7C00, s2  }
0x1c: {  	s15 =	sor.u32 s15, s16  }
0x1d: {  	[tilespmem:s15+$0x12E80] =	vst v1  }
0x1e: {  	v1 =	vld.idx.msk [tilespmem:v2+s2+$0x0], $0xffff  }
0x1f: {  	v2 =	vor.u32 $0x2, v0;
	_ =	sdelay $0x2  }
0x20: {  	s16 =	sadd.s32 $0x12E80, s15  }
0x21: {  	[tilespmem:s16+$0x80] =	vst v1  }
0x22: {  	v1 =	vld.idx.msk [tilespmem:v2+s2+$0x0], $0xffff  }
0x23: {  	v2 =	vor.u32 $0x3, v0;
	_ =	sdelay $0x3  }
0x24: {  	[tilespmem:s16+$0x100] =	vst v1  }
0x25: {  	v1 =	vld.idx.msk [tilespmem:v2+s2+$0x0], $0xffff  }
0x26: {  	v2 =	vor.u32 $0x4, v0;
	_ =	sdelay $0x3  }
0x27: {  	[tilespmem:s16+$0x180] =	vst v1  }
0x28: {  	v1 =	vld.idx.msk [tilespmem:v2+s2+$0x0], $0xffff  }
0x29: {  	v2 =	vor.u32 $0x5, v0;
	_ =	sdelay $0x3  }
0x2a: {  	[tilespmem:s16+$0x200] =	vst v1  }
0x2b: {  	v1 =	vld.idx.msk [tilespmem:v2+s2+$0x0], $0xffff  }
0x2c: {  	v2 =	vor.u32 $0x6, v0;
	_ =	sdelay $0x3  }
0x2d: {  	[tilespmem:s16+$0x280] =	vst v1  }
0x2e: {  	v1 =	vld.idx.msk [tilespmem:v2+s2+$0x0], $0xffff  }
0x2f: {  	v0 =	vor.u32 $0x7, v0;
	_ =	sdelay $0x3  }
0x30: {  	[tilespmem:s16+$0x300] =	vst v1  }
0x31: {  	v0 =	vld.idx.msk [tilespmem:v0+s2+$0x0], $0xffff  }
0x32: {  	s30 =	sand.u32 $0x7, s2  }
0x33: {  	s17 =	sshll.u32 s30, $0x4  }
0x34: {  	s31 =	sadd.s32 $0x0, s17;
	s17 =	simm.s32 $0x0  }
0x35: {  	s18 =	sor.u32 $0x380, s31;
	s15 =	simm.s32 $0x10;
	s16 =	simm.s32 $0x0  }
.LBB2_2:
0x36: {  	[tilespmem:s18+$0x12E80] =	vst v0;
	s16 =	sadd.s32 $0x80, s16;
	s17 =	sadd.s32 $0x1, s17;
	s14 =	sadd.s32 $0x10, s14  }
0x37: {  	p0 =	sne.s32 s15, $0xCF0;
	s18 =	smov.u32 s15;
	s15 =	sadd.s32 $0x10, s15;
	v0 =	vld [tilespmem:s14+$0x0]  }
0x38: {  	_ =	sdelay $0x3  }
0x39: {  	v0 =	vshll.u32 v0, $0x3;
	_ =	sdelay $0x4  }
0x3a: {  	v1 =	vld.idx.msk [tilespmem:v0+s2+$0x0], $0xffff;
	_ =	sdelay $0x1  }
0x3b: {  	v2 =	vor.u32 $0x1, v0;
	_ =	sdelay $0x1  }
0x3c: {  	s18 =	sand.u32 $0x70, s18;
	s19 =	sand.u32 $0x7C00, s16  }
0x3d: {  	s18 =	sor.u32 s18, s19  }
0x3e: {  	[tilespmem:s18+$0x12E80] =	vst v1  }
0x3f: {  	v1 =	vld.idx.msk [tilespmem:v2+s2+$0x0], $0xffff;
	_ =	sdelay $0x1  }
0x40: {  	v2 =	vor.u32 $0x2, v0;
	_ =	sdelay $0x2  }
0x41: {  	s18 =	sadd.s32 $0x12E80, s18  }
0x42: {  	[tilespmem:s18+$0x80] =	vst v1  }
0x43: {  	v1 =	vld.idx.msk [tilespmem:v2+s2+$0x0], $0xffff;
	_ =	sdelay $0x1  }
0x44: {  	v2 =	vor.u32 $0x3, v0;
	_ =	sdelay $0x3  }
0x45: {  	[tilespmem:s18+$0x100] =	vst v1  }
0x46: {  	v1 =	vld.idx.msk [tilespmem:v2+s2+$0x0], $0xffff;
	_ =	sdelay $0x1  }
0x47: {  	v2 =	vor.u32 $0x4, v0;
	_ =	sdelay $0x3  }
0x48: {  	[tilespmem:s18+$0x180] =	vst v1  }
0x49: {  	v1 =	vld.idx.msk [tilespmem:v2+s2+$0x0], $0xffff;
	_ =	sdelay $0x1  }
0x4a: {  	v2 =	vor.u32 $0x5, v0;
	_ =	sdelay $0x3  }
0x4b: {  	[tilespmem:s18+$0x200] =	vst v1  }
0x4c: {  	v1 =	vld.idx.msk [tilespmem:v2+s2+$0x0], $0xffff;
	_ =	sdelay $0x1  }
0x4d: {  	v2 =	vor.u32 $0x6, v0;
	_ =	sdelay $0x3  }
0x4e: {  	[tilespmem:s18+$0x280] =	vst v1  }
0x4f: {  	v1 =	vld.idx.msk [tilespmem:v2+s2+$0x0], $0xffff;
	_ =	sdelay $0x1  }
0x50: {  	v0 =	vor.u32 $0x7, v0;
	_ =	sdelay $0x3  }
0x51: {  	[tilespmem:s18+$0x300] =	vst v1  }
0x52: {  	v0 =	vld.idx.msk [tilespmem:v0+s2+$0x0], $0xffff  }
.Ltmp0:
0x53: {  	(pc) =	sbr.rel @p0 .LBB2_2-.Ltmp0, $4  }
0x54: {  	s18 =	sand.u32 $0x7, s17  }
0x55: {  	s18 =	sshll.u32 s18, $0x4  }
0x56: {  	s18 =	sadd.s32 s18, s16  }
0x57: {  	s18 =	sor.u32 $0x380, s18  }
0x58: {  	[tilespmem:s18+$0x12E80] =	vst v0;
	s14 =	simm.s32 $0x0  }
0x59: {  	[hbm4b:s4+s14] =	stream.linear.scatter [tilespmem:s12], [sflag:$0x1], $0x6800, $0x38;
	[tilespmem:$0x19680] =	vst v63  }
0x5a: {  	_ =	swait.ge [sflag:s10], $0x6800  }
0x5b: {  	[sflag:s10] =	ssyncset.done $0x0  }
0x5c: {  	s15 =	sand.u32 $0xFF0, s14;
	[sflag:s10] =	ssyncadd.s32 $0xFFFF9800  }
0x5d: {  	v0 =	vld [tilespmem:s15+$0x12180];
	_ =	sdelay $0x4  }
0x5e: {  	v0 =	vshll.u32 v0, $0x3;
	_ =	sdelay $0x4  }
0x5f: {  	v1 =	vld.idx.msk [tilespmem:v0+s2+$0x0], $0xffff  }
0x60: {  	v2 =	vor.u32 $0x1, v0;
	_ =	sdelay $0x1  }
0x61: {  	s29 =	sand.u32 $0x70, s14;
	s16 =	sand.u32 $0x7C00, s14  }
0x62: {  	s15 =	sor.u32 s29, s16  }
0x63: {  	[tilespmem:s15+$0x12E80] =	vst v1  }
0x64: {  	v1 =	vld.idx.msk [tilespmem:v2+s2+$0x0], $0xffff  }
0x65: {  	v2 =	vor.u32 $0x2, v0;
	_ =	sdelay $0x2  }
0x66: {  	s15 =	sadd.s32 $0x12E80, s15  }
0x67: {  	[tilespmem:s15+$0x80] =	vst v1  }
0x68: {  	v1 =	vld.idx.msk [tilespmem:v2+s2+$0x0], $0xffff  }
0x69: {  	v2 =	vor.u32 $0x3, v0;
	_ =	sdelay $0x3  }
0x6a: {  	[tilespmem:s15+$0x100] =	vst v1  }
0x6b: {  	v1 =	vld.idx.msk [tilespmem:v2+s2+$0x0], $0xffff  }
0x6c: {  	v2 =	vor.u32 $0x4, v0;
	_ =	sdelay $0x3  }
0x6d: {  	[tilespmem:s15+$0x180] =	vst v1  }
0x6e: {  	v1 =	vld.idx.msk [tilespmem:v2+s2+$0x0], $0xffff  }
0x6f: {  	v2 =	vor.u32 $0x5, v0;
	_ =	sdelay $0x3  }
0x70: {  	[tilespmem:s15+$0x200] =	vst v1  }
0x71: {  	v1 =	vld.idx.msk [tilespmem:v2+s2+$0x0], $0xffff  }
0x72: {  	v2 =	vor.u32 $0x6, v0;
	_ =	sdelay $0x3  }
0x73: {  	[tilespmem:s15+$0x280] =	vst v1  }
0x74: {  	v1 =	vld.idx.msk [tilespmem:v2+s2+$0x0], $0xffff  }
0x75: {  	v0 =	vor.u32 $0x7, v0;
	_ =	sdelay $0x3  }
0x76: {  	[tilespmem:s15+$0x300] =	vst v1  }
0x77: {  	s30 =	sand.u32 $0x7, s14;
	v0 =	vld.idx.msk [tilespmem:v0+s2+$0x0], $0xffff  }
0x78: {  	s17 =	sshll.u32 s30, $0x4  }
0x79: {  	s18 =	simm.s32 $0x20;
	s31 =	sadd.s32 $0x0, s17  }
0x7a: {  	s19 =	sor.u32 $0x380, s31;
	s16 =	simm.s32 $0x10;
	s15 =	simm.s32 $0x1  }
.LBB2_4:
0x7b: {  	s20 =	sand.u32 $0xFF0, s16  }
0x7c: {  	[tilespmem:s19+$0x12E80] =	vst v0;
	s14 =	sadd.s32 $0x80, s14;
	s19 =	smov.u32 s18;
	s17 =	sadd.s32 $0x10, s18  }
0x7d: {  	p0 =	sne.s32 s18, $0xCF0;
	v0 =	vld [tilespmem:s20+$0x12180];
	_ =	sdelay $0x4  }
0x7e: {  	v0 =	vshll.u32 v0, $0x3;
	_ =	sdelay $0x4  }
0x7f: {  	v1 =	vld.idx.msk [tilespmem:v0+s2+$0x0], $0xffff;
	_ =	sdelay $0x1  }
0x80: {  	v2 =	vor.u32 $0x1, v0;
	_ =	sdelay $0x1  }
0x81: {  	s18 =	sand.u32 $0x70, s16;
	s20 =	sand.u32 $0x7C00, s14;
	s16 =	smov.u32 s19  }
0x82: {  	s18 =	sor.u32 s18, s20  }
0x83: {  	[tilespmem:s18+$0x12E80] =	vst v1  }
0x84: {  	v1 =	vld.idx.msk [tilespmem:v2+s2+$0x0], $0xffff;
	_ =	sdelay $0x1  }
0x85: {  	v2 =	vor.u32 $0x2, v0;
	_ =	sdelay $0x2  }
0x86: {  	s18 =	sadd.s32 $0x12E80, s18  }
0x87: {  	[tilespmem:s18+$0x80] =	vst v1  }
0x88: {  	v1 =	vld.idx.msk [tilespmem:v2+s2+$0x0], $0xffff;
	_ =	sdelay $0x1  }
0x89: {  	v2 =	vor.u32 $0x3, v0;
	_ =	sdelay $0x3  }
0x8a: {  	[tilespmem:s18+$0x100] =	vst v1  }
0x8b: {  	v1 =	vld.idx.msk [tilespmem:v2+s2+$0x0], $0xffff;
	_ =	sdelay $0x1  }
0x8c: {  	v2 =	vor.u32 $0x4, v0;
	_ =	sdelay $0x3  }
0x8d: {  	[tilespmem:s18+$0x180] =	vst v1  }
0x8e: {  	v1 =	vld.idx.msk [tilespmem:v2+s2+$0x0], $0xffff;
	_ =	sdelay $0x1  }
0x8f: {  	v2 =	vor.u32 $0x5, v0;
	_ =	sdelay $0x3  }
0x90: {  	[tilespmem:s18+$0x200] =	vst v1  }
0x91: {  	v1 =	vld.idx.msk [tilespmem:v2+s2+$0x0], $0xffff;
	_ =	sdelay $0x1  }
0x92: {  	v2 =	vor.u32 $0x6, v0;
	_ =	sdelay $0x3  }
0x93: {  	[tilespmem:s18+$0x280] =	vst v1  }
0x94: {  	v1 =	vld.idx.msk [tilespmem:v2+s2+$0x0], $0xffff;
	_ =	sdelay $0x1  }
0x95: {  	v0 =	vor.u32 $0x7, v0;
	_ =	sdelay $0x3  }
0x96: {  	[tilespmem:s18+$0x300] =	vst v1  }
0x97: {  	v0 =	vld.idx.msk [tilespmem:v0+s2+$0x0], $0xffff  }
.Ltmp1:
0x98: {  	(pc) =	sbr.rel @p0 .LBB2_4-.Ltmp1, $4  }
0x99: {  	s18 =	sand.u32 $0x7, s15  }
0x9a: {  	s18 =	sshll.u32 s18, $0x4  }
0x9b: {  	s18 =	sadd.s32 s18, s14  }
0x9c: {  	s15 =	sadd.s32 $0x1, s15;
	s19 =	sor.u32 $0x380, s18;
	s18 =	smov.u32 s17  }
0x9d: {  	s17 =	sand.u32 $0xFF0, s16;
	[tilespmem:s19+$0x12E80] =	vst v0  }
0x9e: {  	v0 =	vld [tilespmem:s17+$0x12180];
	_ =	sdelay $0x4  }
0x9f: {  	v0 =	vshll.u32 v0, $0x3;
	_ =	sdelay $0x4  }
0xa0: {  	v1 =	vld.idx.msk [tilespmem:v0+s2+$0x0], $0xffff  }
0xa1: {  	v2 =	vor.u32 $0x1, v0  }
0xa2: {  	s14 =	sadd.s32 $0x80, s14  }
0xa3: {  	s30 =	sand.u32 $0x70, s16;
	s31 =	sand.u32 $0x7C00, s14  }
0xa4: {  	s16 =	sor.u32 s30, s31  }
0xa5: {  	[tilespmem:s16+$0x12E80] =	vst v1  }
0xa6: {  	v1 =	vld.idx.msk [tilespmem:v2+s2+$0x0], $0xffff  }
0xa7: {  	v59 =	vor.u32 $0x2, v0;
	_ =	sdelay $0x2  }
0xa8: {  	s16 =	sadd.s32 $0x12E80, s16  }
0xa9: {  	[tilespmem:s16+$0x80] =	vst v1  }
0xaa: {  	v1 =	vld.idx.msk [tilespmem:v59+s2+$0x0], $0xffff  }
0xab: {  	v60 =	vor.u32 $0x3, v0;
	_ =	sdelay $0x3  }
0xac: {  	[tilespmem:s16+$0x100] =	vst v1  }
0xad: {  	v1 =	vld.idx.msk [tilespmem:v60+s2+$0x0], $0xffff  }
0xae: {  	v61 =	vor.u32 $0x4, v0;
	_ =	sdelay $0x3  }
0xaf: {  	[tilespmem:s16+$0x180] =	vst v1  }
0xb0: {  	v1 =	vld.idx.msk [tilespmem:v61+s2+$0x0], $0xffff  }
0xb1: {  	v62 =	vor.u32 $0x5, v0;
	_ =	sdelay $0x3  }
0xb2: {  	[tilespmem:s16+$0x200] =	vst v1  }
0xb3: {  	v1 =	vld.idx.msk [tilespmem:v62+s2+$0x0], $0xffff  }
0xb4: {  	v63 =	vor.u32 $0x6, v0;
	_ =	sdelay $0x3  }
0xb5: {  	[tilespmem:s16+$0x280] =	vst v1  }
0xb6: {  	v1 =	vld.idx.msk [tilespmem:v63+s2+$0x0], $0xffff  }
0xb7: {  	v0 =	vor.u32 $0x7, v0;
	_ =	sdelay $0x3  }
0xb8: {  	[tilespmem:s16+$0x300] =	vst v1  }
0xb9: {  	v0 =	vld.idx.msk [tilespmem:v0+s2+$0x0], $0xffff  }
0xba: {  	s15 =	sand.u32 $0x7, s15  }
0xbb: {  	s15 =	sshll.u32 s15, $0x4  }
0xbc: {  	s13 =	sadd.s32 $0x1, s13;
	s14 =	sadd.s32 s15, s14  }
0xbd: {  	p0 =	sne.s32 s13, s7;
	s14 =	sor.u32 $0x380, s14  }
.Ltmp2:
0xbe: {  	[tilespmem:s14+$0x12E80] =	vst v0;
	(pc) =	sbr.rel @p0 .LBB2_1-.Ltmp2, $4  }
0xbf: {  	[hbm4b:s6+s2] =	stream.linear.scatter [tilespmem:s12], [sflag:$0x1], $0x6800, $0x38;
	[tilespmem:$0x19680] =	vst v63  }
0xc0: {  	_ =	swait.ge [sflag:s10], $0x6800  }
0xc1: {  	[sflag:s10] =	ssyncset.done $0x0  }
0xc2: {  	[sflag:s10] =	ssyncadd.s32 $0xFFFF9800  }
0xc3: {  	_ =	sfence.sel $0x180000  }
0xc4: {  	[bflag:$0x0] =	sbarrier.arrive $0xFFFF  }
0xc5: {  	p0 =	sne.s32 s1, $0x0;
	_ =	strace $0x90000047  }
0xc6: {  	s0 =	sadd.s32 @!p0 $0x100000, s0;
	[bflag:$0x2] =	sbarrier.arrive $0xFFFF  }
0xc7: {  	[sflag:s0] =	ssyncadd.tile.s32 @!p0 $0x1;
	_ =	shalt  }
.Lfunc_end2:
_tile_overlayer_lowered:
.L_overlay_start_2:
0xc8: {  	(tag) =	ssettag $0x2  }
0xc9: {  	s0 =	rddreg [dreg:$0x0];
	s2 =	stileid.u32  }
0xca: {  	s1 =	rddreg [dreg:$0x1];
	p0 =	sne.s32 s2, $0x0  }
0xcb: {  	s3 =	rddreg [dreg:$0x2];
	[bflag:$0x3] =	sbarrier.arrive $0xFFFF;
	s2 =	simm.s32 @!p0 $0x1C01  }
0xcc: {  	[timem:s3], [sflag:s2] =	dma.local @!p0 [hbm:s0], s1  }
0xcd: {  	s0 =	simm.s32 @!p0 $0x1  }
0xce: {  	_ =	swait.ge @!p0 [sflag:s0], s1  }
0xcf: {  	s1 =	ssub.s32 @!p0 $0x0, s1;
	[sflag:s0] =	ssyncset.done @!p0 $0x0  }
0xd0: {  	[sflag:s0] =	ssyncadd.s32 @!p0 s1  }
0xd1: {  	[bflag:$0x3] =	sbarrier.arrive $0xFFFF  }
0xd2: {  	_ =	shalt  }

</sc_bundles>
